<compile_context>
chip_gen: v7x
topology: tpu7x:2x2x1
jax: 0.10.2.dev20260603
libtpu: 0.0.44.dev20260713+nightly
codegen_flags: <defaults>
</compile_context>

<pallas_src>
import jax
import jax.numpy as jnp
from jax import lax
from jax.experimental import pallas as pl
from jax.experimental.pallas import tpu as pltpu
from jax.experimental.pallas import tpu_sc as plsc

N = 10000
E = 320000
D = 128
C = 10

NC, NS = 2, 16
NW = NC * NS
CHUNK = 128
NBUF = 2
EPW = E // NW
GCH = 16
NG = 5
NCH = NG * GCH
EPW_PAD = NCH * CHUNK
N_PAD = 10240
RPS = N_PAD // NS


def _sc_segsum_body(table_hbm, src_hbm, dst_hbm, zf_hbm, out_hbm,
                    srcv, dstv, *rest):
  rows = list(rest[:NBUF])
  acc = rest[NBUF]
  gsem = list(rest[NBUF + 1:2 * NBUF + 1])
  ssem = list(rest[2 * NBUF + 1:3 * NBUF + 1])
  c = lax.axis_index("c")
  s = lax.axis_index("s")
  wid = c * NS + s

  pltpu.sync_copy(zf_hbm, acc.at[pl.ds(s * RPS, RPS)])
  plsc.subcore_barrier()

  @pl.loop(0, NG)
  def _(g):
    row0 = wid * NCH + g * GCH
    pltpu.sync_copy(src_hbm.at[pl.ds(row0, GCH)], srcv)

    g_h = [None, None]
    s_h = [None, None]

    def wait_once(hs, i):
      if hs[i] is not None:
        hs[i].wait()
        hs[i] = None

    g_h[0] = pltpu.async_copy(table_hbm.at[srcv.at[0]], rows[0], gsem[0])
    pltpu.sync_copy(dst_hbm.at[pl.ds(row0, GCH)], dstv)
    for j in range(GCH):
      b = j & 1
      nb = 1 - b
      if j + 1 < GCH:
        wait_once(s_h, nb)
        g_h[nb] = pltpu.async_copy(table_hbm.at[srcv.at[j + 1]], rows[nb],
                                   gsem[nb])
      wait_once(g_h, b)
      wait_once(s_h, b)
      s_h[b] = pltpu.async_copy(rows[b], acc.at[dstv.at[j]], ssem[b],
                                add=True)
    wait_once(s_h, 0)
    wait_once(s_h, 1)

  plsc.subcore_barrier()

  base = c * N_PAD + s * RPS
  pltpu.sync_copy(acc.at[pl.ds(s * RPS, RPS)], out_hbm.at[pl.ds(base, RPS)])


_sc_segsum = pl.kernel(
    _sc_segsum_body,
    out_type=jax.ShapeDtypeStruct((NC * N_PAD, D), jnp.float32),
    mesh=plsc.VectorSubcoreMesh(core_axis_name="c", subcore_axis_name="s"),
    scratch_types=(
        [pltpu.VMEM((GCH, CHUNK), jnp.int32),
         pltpu.VMEM((GCH, CHUNK), jnp.int32)]
        + [pltpu.VMEM((CHUNK, D), jnp.float32)] * NBUF
        + [pltpu.VMEM_SHARED((N_PAD, D), jnp.float32)]
        + [pltpu.SemaphoreType.DMA] * (2 * NBUF)
    ))


def _tc_proj1(x_ref, w1_ref, b1_ref, o_ref):
  o_ref[...] = jnp.dot(x_ref[...], w1_ref[...].T,
                       preferred_element_type=jnp.float32) + b1_ref[...]


def _tc_mid(aggp_ref, w2_ref, b2_ref, o_ref):
  h = jnp.maximum(aggp_ref[0, :N] + aggp_ref[1, :N], 0.0)
  o_ref[...] = jnp.dot(h, w2_ref[...].T,
                       preferred_element_type=jnp.float32) + b2_ref[...]


def _tc_out(agg2p_ref, o_ref):
  logits = agg2p_ref[0, :N] + agg2p_ref[1, :N]
  col = lax.broadcasted_iota(jnp.int32, logits.shape, 1)
  valid = col < C
  logits = jnp.where(valid, logits, -1e30)
  m = jnp.max(logits, axis=1, keepdims=True)
  sh = logits - m
  lse = jnp.log(jnp.sum(jnp.where(valid, jnp.exp(sh), 0.0), axis=1,
                        keepdims=True))
  o_ref[...] = (sh - lse)[:, :C]


def kernel(x, edge_index, W1, b1, W2, b2):
  src = edge_index[0].reshape(NW, EPW)
  dst = edge_index[1].reshape(NW, EPW)
  pad = EPW_PAD - EPW
  src_p = jnp.pad(src, ((0, 0), (0, pad))).reshape(NW * NCH, CHUNK)
  dst_p = jnp.pad(dst, ((0, 0), (0, pad)),
                  constant_values=N).reshape(NW * NCH, CHUNK)
  zf = jnp.zeros((RPS, D), jnp.float32)

  W2p = jnp.zeros((D, D), jnp.float32).at[:C].set(W2)
  b2p = jnp.zeros((1, D), jnp.float32).at[0, :C].set(b2)

  t1 = pl.pallas_call(
      _tc_proj1,
      out_shape=jax.ShapeDtypeStruct((N, D), jnp.float32),
  )(x, W1, b1.reshape(1, D))

  agg1p = _sc_segsum(t1, src_p, dst_p, zf).reshape(NC, N_PAD, D)

  t2 = pl.pallas_call(
      _tc_mid,
      out_shape=jax.ShapeDtypeStruct((N, D), jnp.float32),
  )(agg1p, W2p, b2p)

  agg2p = _sc_segsum(t2, src_p, dst_p, zf).reshape(NC, N_PAD, D)

  out = pl.pallas_call(
      _tc_out,
      out_shape=jax.ShapeDtypeStruct((N, C), jnp.float32),
  )(agg2p)
  return out

# --- scband reference (transcript-rebuilt; emitter-appended) ---
"""Pipeline reference for scband-ggnn-71124658422333 (READ-ONLY COPY).

The authoritative reference and input builder live on the scoring server;
editing this copy changes nothing except your own understanding.
"""

import jax
import jax.numpy as jnp
import numpy as np

N_NODES = 10000
N_EDGES = 320000
D_FEAT = 128
N_CLASSES = 10


def setup_inputs(seed: int = 0) -> dict:
    key = jax.random.key(seed)
    k1, k2, k3, k4, k5, k6 = jax.random.split(key, 6)
    x = jax.random.normal(k1, (N_NODES, D_FEAT), dtype=jnp.float32)
    edge_index = jax.random.randint(k2, (2, N_EDGES), 0, N_NODES, dtype=jnp.int32)
    # Linear layer params (nn.Linear: y = x @ W.T + b), kaiming-ish scale
    W1 = jax.random.normal(k3, (D_FEAT, D_FEAT), dtype=jnp.float32) * (1.0 / np.sqrt(D_FEAT))
    b1 = jax.random.normal(k4, (D_FEAT,), dtype=jnp.float32) * 0.01
    W2 = jax.random.normal(k5, (N_CLASSES, D_FEAT), dtype=jnp.float32) * (1.0 / np.sqrt(D_FEAT))
    b2 = jax.random.normal(k6, (N_CLASSES,), dtype=jnp.float32) * 0.01
    return {"x": x, "edge_index": edge_index, "W1": W1, "b1": b1, "W2": W2, "b2": b2}


def reference(x, edge_index, W1, b1, W2, b2):
    # GraphConvolution(aggr='add'): message = lin(x_j) where x_j = x[src];
    # aggregate: scatter-add onto dst nodes.
    N = x.shape[0]
    src = edge_index[0]
    dst = edge_index[1]
    # conv1
    m1 = jnp.take(x, src, axis=0) @ W1.T + b1
    h = jax.ops.segment_sum(m1, dst, num_segments=N)
    h = jax.nn.relu(h)
    # conv2
    m2 = jnp.take(h, src, axis=0) @ W2.T + b2
    out = jax.ops.segment_sum(m2, dst, num_segments=N)
    return jax.nn.log_softmax(out, axis=1)

if __name__ == "__main__":
    import jax
    _d = setup_inputs()
    print(jax.jit(kernel)(*tuple(_d.values())))

</pallas_src>

<mosaic_0001>
#map = affine_map<(d0, d1) -> (0, 0)>
module attributes {stable_mosaic.version = 14 : i64} {
  func.func @_sc_segsum_body(%arg0: i32, %arg1: i32, %arg2: memref<10000x128xf32, #tpu.memory_space<hbm>>, %arg3: memref<2560x128xi32, #tpu.memory_space<hbm>>, %arg4: memref<2560x128xi32, #tpu.memory_space<hbm>>, %arg5: memref<640x128xf32, #tpu.memory_space<hbm>>, %arg6: memref<20480x128xf32, #tpu.memory_space<hbm>>, %arg7: memref<16x128xi32, #tpu.memory_space<vmem>>, %arg8: memref<16x128xi32, #tpu.memory_space<vmem>>, %arg9: memref<128x128xf32, #tpu.memory_space<vmem>>, %arg10: memref<128x128xf32, #tpu.memory_space<vmem>>, %arg11: memref<10240x128xf32, #tpu.memory_space<vmem_shared>>, %arg12: memref<!tpu.dma_semaphore, #tpu.memory_space<semaphore_mem>>, %arg13: memref<!tpu.dma_semaphore, #tpu.memory_space<semaphore_mem>>, %arg14: memref<!tpu.dma_semaphore, #tpu.memory_space<semaphore_mem>>, %arg15: memref<!tpu.dma_semaphore, #tpu.memory_space<semaphore_mem>>) attributes {dimension_semantics = [#tpu.dimension_semantics<core_parallel>, #tpu.dimension_semantics<subcore_parallel>], iteration_bounds = array<i64: 2, 16>, scalar_prefetch = 0 : i64, scratch_operands = 9 : i64, tpu.core_type = #tpu.core_type<sc_vector_subcore>, window_params = [{transform_indices = #map}, {transform_indices = #map}, {transform_indices = #map}, {transform_indices = #map}, {transform_indices = #map}]} {
    %mul3A = arith.constant 16 : i32
    %mul3A_0 = arith.muli %arg0, %mul3A : i32
    %add3A = arith.addi %mul3A_0, %arg1 : i32
    %mul3A_1 = arith.constant 640 : i32
    %mul3A_2 = arith.muli %arg1, %mul3A_1 : i32
    "tpu.region"() ({
      %run_scoped3A = tpu.sem_alloc : memref<!tpu.dma_semaphore, #tpu.memory_space<semaphore_mem>>
      %dma_start3A = arith.constant 0 : i32
      %dma_start3A_15 = tpu.memref_slice %arg11[%mul3A_2, %dma_start3A] : memref<10240x128xf32, #tpu.memory_space<vmem_shared>> -> memref<640x128xf32, #tpu.memory_space<vmem_shared>>
      tpu.enqueue_dma source(%arg5 : memref<640x128xf32, #tpu.memory_space<hbm>>) target(%dma_start3A_15 : memref<640x128xf32, #tpu.memory_space<vmem_shared>>) target_semaphore(%run_scoped3A : memref<!tpu.dma_semaphore, #tpu.memory_space<semaphore_mem>>)
      %dma_wait3A = arith.constant 0 : i32
      %dma_wait3A_16 = tpu.memref_slice %arg11[%mul3A_2, %dma_wait3A] : memref<10240x128xf32, #tpu.memory_space<vmem_shared>> -> memref<640x128xf32, #tpu.memory_space<vmem_shared>>
      tpu.wait_dma2 semaphore(%run_scoped3A : memref<!tpu.dma_semaphore, #tpu.memory_space<semaphore_mem>>) src(%arg5 : memref<640x128xf32, #tpu.memory_space<hbm>>) dst(%dma_wait3A_16 : memref<640x128xf32, #tpu.memory_space<vmem_shared>>)
      tpu.yield
    }) : () -> ()
    %barrier3A = arith.constant 0 : index
    tpu.barrier barrier_id(%barrier3A)
    %scan3A = arith.constant 0 : i32
    %scan3A_3 = arith.constant 5 : i32
    %scan3A_4 = arith.addi %scan3A, %scan3A_3 : i32
    %scan3A_5 = arith.constant 1 : i32
    scf.for %scan3A_15 = %scan3A to %scan3A_4 step %scan3A_5  : i32 {
      %mul3A_16 = arith.constant 1 : i32
      %mul3A_17 = arith.muli %scan3A_15, %mul3A_16 : i32
      %add3A_18 = arith.constant 0 : i32
      %add3A_19 = arith.addi %add3A_18, %mul3A_17 : i32
      %mul3A_20 = arith.constant 80 : i32
      %mul3A_21 = arith.muli %add3A, %mul3A_20 : i32
      %mul3A_22 = arith.constant 16 : i32
      %mul3A_23 = arith.muli %add3A_19, %mul3A_22 : i32
      %add3A_24 = arith.addi %mul3A_21, %mul3A_23 : i32
      "tpu.region"() ({
        %run_scoped3A = tpu.sem_alloc : memref<!tpu.dma_semaphore, #tpu.memory_space<semaphore_mem>>
        %dma_start3A_471 = arith.constant 0 : i32
        %dma_start3A_472 = tpu.memref_slice %arg3[%add3A_24, %dma_start3A_471] : memref<2560x128xi32, #tpu.memory_space<hbm>> -> memref<16x128xi32, #tpu.memory_space<hbm>>
        %dma_start3A_473 = arith.constant 0 : i32
        %dma_start3A_474 = tpu.memref_slice %arg3[%add3A_24, %dma_start3A_473] : memref<2560x128xi32, #tpu.memory_space<hbm>> -> memref<16x128xi32, #tpu.memory_space<hbm>>
        tpu.enqueue_dma source(%dma_start3A_474 : memref<16x128xi32, #tpu.memory_space<hbm>>) target(%arg7 : memref<16x128xi32, #tpu.memory_space<vmem>>) target_semaphore(%run_scoped3A : memref<!tpu.dma_semaphore, #tpu.memory_space<semaphore_mem>>)
        %dma_wait3A_475 = arith.constant 0 : i32
        %dma_wait3A_476 = tpu.memref_slice %arg3[%add3A_24, %dma_wait3A_475] : memref<2560x128xi32, #tpu.memory_space<hbm>> -> memref<16x128xi32, #tpu.memory_space<hbm>>
        %dma_wait3A_477 = arith.constant 0 : i32
        %dma_wait3A_478 = tpu.memref_slice %arg3[%add3A_24, %dma_wait3A_477] : memref<2560x128xi32, #tpu.memory_space<hbm>> -> memref<16x128xi32, #tpu.memory_space<hbm>>
        tpu.wait_dma2 semaphore(%run_scoped3A : memref<!tpu.dma_semaphore, #tpu.memory_space<semaphore_mem>>) src(%dma_wait3A_478 : memref<16x128xi32, #tpu.memory_space<hbm>>) dst(%arg7 : memref<16x128xi32, #tpu.memory_space<vmem>>)
        tpu.yield
      }) : () -> ()
      %dma_start3A = arith.constant 0 : i32
      %dma_start3A_25 = arith.constant 0 : i32
      %dma_start3A_26 = tpu.memref_slice %arg7[%dma_start3A, %dma_start3A_25] : memref<16x128xi32, #tpu.memory_space<vmem>> -> memref<1x128xi32, #tpu.memory_space<vmem>>
      %dma_start3A_27 = tpu.memref_squeeze %dma_start3A_26 : memref<1x128xi32, #tpu.memory_space<vmem>> -> memref<128xi32, #tpu.memory_space<vmem>>
      %dma_start3A_28 = arith.constant 0 : i32
      %dma_start3A_29 = arith.constant 0 : i32
      %dma_start3A_30 = tpu.memref_slice %arg2[%dma_start3A_28, %dma_start3A_29] : memref<10000x128xf32, #tpu.memory_space<hbm>> -> memref<10000x128xf32, #tpu.memory_space<hbm>>
      tpu.enqueue_indirect_dma source(%dma_start3A_30 : memref<10000x128xf32, #tpu.memory_space<hbm>>) target(%arg9 : memref<128x128xf32, #tpu.memory_space<vmem>>) offsets(%dma_start3A_27 : memref<128xi32, #tpu.memory_space<vmem>>) semaphore(%arg12 : memref<!tpu.dma_semaphore, #tpu.memory_space<semaphore_mem>>)
      "tpu.region"() ({
        %run_scoped3A = tpu.sem_alloc : memref<!tpu.dma_semaphore, #tpu.memory_space<semaphore_mem>>
        %dma_start3A_471 = arith.constant 0 : i32
        %dma_start3A_472 = tpu.memref_slice %arg4[%add3A_24, %dma_start3A_471] : memref<2560x128xi32, #tpu.memory_space<hbm>> -> memref<16x128xi32, #tpu.memory_space<hbm>>
        %dma_start3A_473 = arith.constant 0 : i32
        %dma_start3A_474 = tpu.memref_slice %arg4[%add3A_24, %dma_start3A_473] : memref<2560x128xi32, #tpu.memory_space<hbm>> -> memref<16x128xi32, #tpu.memory_space<hbm>>
        tpu.enqueue_dma source(%dma_start3A_474 : memref<16x128xi32, #tpu.memory_space<hbm>>) target(%arg8 : memref<16x128xi32, #tpu.memory_space<vmem>>) target_semaphore(%run_scoped3A : memref<!tpu.dma_semaphore, #tpu.memory_space<semaphore_mem>>)
        %dma_wait3A_475 = arith.constant 0 : i32
        %dma_wait3A_476 = tpu.memref_slice %arg4[%add3A_24, %dma_wait3A_475] : memref<2560x128xi32, #tpu.memory_space<hbm>> -> memref<16x128xi32, #tpu.memory_space<hbm>>
        %dma_wait3A_477 = arith.constant 0 : i32
        %dma_wait3A_478 = tpu.memref_slice %arg4[%add3A_24, %dma_wait3A_477] : memref<2560x128xi32, #tpu.memory_space<hbm>> -> memref<16x128xi32, #tpu.memory_space<hbm>>
        tpu.wait_dma2 semaphore(%run_scoped3A : memref<!tpu.dma_semaphore, #tpu.memory_space<semaphore_mem>>) src(%dma_wait3A_478 : memref<16x128xi32, #tpu.memory_space<hbm>>) dst(%arg8 : memref<16x128xi32, #tpu.memory_space<vmem>>)
        tpu.yield
      }) : () -> ()
      %dma_start3A_31 = arith.constant 1 : i32
      %dma_start3A_32 = arith.constant 0 : i32
      %dma_start3A_33 = tpu.memref_slice %arg7[%dma_start3A_31, %dma_start3A_32] : memref<16x128xi32, #tpu.memory_space<vmem>> -> memref<1x128xi32, #tpu.memory_space<vmem>>
      %dma_start3A_34 = tpu.memref_squeeze %dma_start3A_33 : memref<1x128xi32, #tpu.memory_space<vmem>> -> memref<128xi32, #tpu.memory_space<vmem>>
      %dma_start3A_35 = arith.constant 0 : i32
      %dma_start3A_36 = arith.constant 0 : i32
      %dma_start3A_37 = tpu.memref_slice %arg2[%dma_start3A_35, %dma_start3A_36] : memref<10000x128xf32, #tpu.memory_space<hbm>> -> memref<10000x128xf32, #tpu.memory_space<hbm>>
      tpu.enqueue_indirect_dma source(%dma_start3A_37 : memref<10000x128xf32, #tpu.memory_space<hbm>>) target(%arg10 : memref<128x128xf32, #tpu.memory_space<vmem>>) offsets(%dma_start3A_34 : memref<128xi32, #tpu.memory_space<vmem>>) semaphore(%arg13 : memref<!tpu.dma_semaphore, #tpu.memory_space<semaphore_mem>>)
      %dma_wait3A = arith.constant 0 : i32
      %dma_wait3A_38 = arith.constant 0 : i32
      %dma_wait3A_39 = tpu.memref_slice %arg7[%dma_wait3A, %dma_wait3A_38] : memref<16x128xi32, #tpu.memory_space<vmem>> -> memref<1x128xi32, #tpu.memory_space<vmem>>
      %dma_wait3A_40 = tpu.memref_squeeze %dma_wait3A_39 : memref<1x128xi32, #tpu.memory_space<vmem>> -> memref<128xi32, #tpu.memory_space<vmem>>
      %dma_wait3A_41 = arith.constant 0 : i32
      %dma_wait3A_42 = arith.constant 0 : i32
      %dma_wait3A_43 = tpu.memref_slice %arg2[%dma_wait3A_41, %dma_wait3A_42] : memref<10000x128xf32, #tpu.memory_space<hbm>> -> memref<10000x128xf32, #tpu.memory_space<hbm>>
      tpu.wait_indirect_dma semaphore(%arg12 : memref<!tpu.dma_semaphore, #tpu.memory_space<semaphore_mem>>) src(%dma_wait3A_43 : memref<10000x128xf32, #tpu.memory_space<hbm>>) dst(%arg9 : memref<128x128xf32, #tpu.memory_space<vmem>>)
      %dma_start3A_44 = arith.constant 0 : i32
      %dma_start3A_45 = arith.constant 0 : i32
      %dma_start3A_46 = tpu.memref_slice %arg8[%dma_start3A_44, %dma_start3A_45] : memref<16x128xi32, #tpu.memory_space<vmem>> -> memref<1x128xi32, #tpu.memory_space<vmem>>
      %dma_start3A_47 = tpu.memref_squeeze %dma_start3A_46 : memref<1x128xi32, #tpu.memory_space<vmem>> -> memref<128xi32, #tpu.memory_space<vmem>>
      %dma_start3A_48 = arith.constant 0 : i32
      %dma_start3A_49 = arith.constant 0 : i32
      %dma_start3A_50 = tpu.memref_slice %arg11[%dma_start3A_48, %dma_start3A_49] : memref<10240x128xf32, #tpu.memory_space<vmem_shared>> -> memref<10240x128xf32, #tpu.memory_space<vmem_shared>>
      tpu.enqueue_indirect_dma source(%arg9 : memref<128x128xf32, #tpu.memory_space<vmem>>) target(%dma_start3A_50 : memref<10240x128xf32, #tpu.memory_space<vmem_shared>>) offsets(%dma_start3A_47 : memref<128xi32, #tpu.memory_space<vmem>>) semaphore(%arg14 : memref<!tpu.dma_semaphore, #tpu.memory_space<semaphore_mem>>) {add = true}
      %dma_wait3A_51 = arith.constant 0 : i32
      %dma_wait3A_52 = arith.constant 0 : i32
      %dma_wait3A_53 = tpu.memref_slice %arg8[%dma_wait3A_51, %dma_wait3A_52] : memref<16x128xi32, #tpu.memory_space<vmem>> -> memref<1x128xi32, #tpu.memory_space<vmem>>
      %dma_wait3A_54 = tpu.memref_squeeze %dma_wait3A_53 : memref<1x128xi32, #tpu.memory_space<vmem>> -> memref<128xi32, #tpu.memory_space<vmem>>
      %dma_wait3A_55 = arith.constant 0 : i32
      %dma_wait3A_56 = arith.constant 0 : i32
      %dma_wait3A_57 = tpu.memref_slice %arg11[%dma_wait3A_55, %dma_wait3A_56] : memref<10240x128xf32, #tpu.memory_space<vmem_shared>> -> memref<10240x128xf32, #tpu.memory_space<vmem_shared>>
      tpu.wait_indirect_dma semaphore(%arg14 : memref<!tpu.dma_semaphore, #tpu.memory_space<semaphore_mem>>) src(%arg9 : memref<128x128xf32, #tpu.memory_space<vmem>>) dst(%dma_wait3A_57 : memref<10240x128xf32, #tpu.memory_space<vmem_shared>>)
      %dma_start3A_58 = arith.constant 2 : i32
      %dma_start3A_59 = arith.constant 0 : i32
      %dma_start3A_60 = tpu.memref_slice %arg7[%dma_start3A_58, %dma_start3A_59] : memref<16x128xi32, #tpu.memory_space<vmem>> -> memref<1x128xi32, #tpu.memory_space<vmem>>
      %dma_start3A_61 = tpu.memref_squeeze %dma_start3A_60 : memref<1x128xi32, #tpu.memory_space<vmem>> -> memref<128xi32, #tpu.memory_space<vmem>>
      %dma_start3A_62 = arith.constant 0 : i32
      %dma_start3A_63 = arith.constant 0 : i32
      %dma_start3A_64 = tpu.memref_slice %arg2[%dma_start3A_62, %dma_start3A_63] : memref<10000x128xf32, #tpu.memory_space<hbm>> -> memref<10000x128xf32, #tpu.memory_space<hbm>>
      tpu.enqueue_indirect_dma source(%dma_start3A_64 : memref<10000x128xf32, #tpu.memory_space<hbm>>) target(%arg9 : memref<128x128xf32, #tpu.memory_space<vmem>>) offsets(%dma_start3A_61 : memref<128xi32, #tpu.memory_space<vmem>>) semaphore(%arg12 : memref<!tpu.dma_semaphore, #tpu.memory_space<semaphore_mem>>)
      %dma_wait3A_65 = arith.constant 1 : i32
      %dma_wait3A_66 = arith.constant 0 : i32
      %dma_wait3A_67 = tpu.memref_slice %arg7[%dma_wait3A_65, %dma_wait3A_66] : memref<16x128xi32, #tpu.memory_space<vmem>> -> memref<1x128xi32, #tpu.memory_space<vmem>>
      %dma_wait3A_68 = tpu.memref_squeeze %dma_wait3A_67 : memref<1x128xi32, #tpu.memory_space<vmem>> -> memref<128xi32, #tpu.memory_space<vmem>>
      %dma_wait3A_69 = arith.constant 0 : i32
      %dma_wait3A_70 = arith.constant 0 : i32
      %dma_wait3A_71 = tpu.memref_slice %arg2[%dma_wait3A_69, %dma_wait3A_70] : memref<10000x128xf32, #tpu.memory_space<hbm>> -> memref<10000x128xf32, #tpu.memory_space<hbm>>
      tpu.wait_indirect_dma semaphore(%arg13 : memref<!tpu.dma_semaphore, #tpu.memory_space<semaphore_mem>>) src(%dma_wait3A_71 : memref<10000x128xf32, #tpu.memory_space<hbm>>) dst(%arg10 : memref<128x128xf32, #tpu.memory_space<vmem>>)
      %dma_start3A_72 = arith.constant 1 : i32
      %dma_start3A_73 = arith.constant 0 : i32
      %dma_start3A_74 = tpu.memref_slice %arg8[%dma_start3A_72, %dma_start3A_73] : memref<16x128xi32, #tpu.memory_space<vmem>> -> memref<1x128xi32, #tpu.memory_space<vmem>>
      %dma_start3A_75 = tpu.memref_squeeze %dma_start3A_74 : memref<1x128xi32, #tpu.memory_space<vmem>> -> memref<128xi32, #tpu.memory_space<vmem>>
      %dma_start3A_76 = arith.constant 0 : i32
      %dma_start3A_77 = arith.constant 0 : i32
      %dma_start3A_78 = tpu.memref_slice %arg11[%dma_start3A_76, %dma_start3A_77] : memref<10240x128xf32, #tpu.memory_space<vmem_shared>> -> memref<10240x128xf32, #tpu.memory_space<vmem_shared>>
      tpu.enqueue_indirect_dma source(%arg10 : memref<128x128xf32, #tpu.memory_space<vmem>>) target(%dma_start3A_78 : memref<10240x128xf32, #tpu.memory_space<vmem_shared>>) offsets(%dma_start3A_75 : memref<128xi32, #tpu.memory_space<vmem>>) semaphore(%arg15 : memref<!tpu.dma_semaphore, #tpu.memory_space<semaphore_mem>>) {add = true}
      %dma_wait3A_79 = arith.constant 1 : i32
      %dma_wait3A_80 = arith.constant 0 : i32
      %dma_wait3A_81 = tpu.memref_slice %arg8[%dma_wait3A_79, %dma_wait3A_80] : memref<16x128xi32, #tpu.memory_space<vmem>> -> memref<1x128xi32, #tpu.memory_space<vmem>>
      %dma_wait3A_82 = tpu.memref_squeeze %dma_wait3A_81 : memref<1x128xi32, #tpu.memory_space<vmem>> -> memref<128xi32, #tpu.memory_space<vmem>>
      %dma_wait3A_83 = arith.constant 0 : i32
      %dma_wait3A_84 = arith.constant 0 : i32
      %dma_wait3A_85 = tpu.memref_slice %arg11[%dma_wait3A_83, %dma_wait3A_84] : memref<10240x128xf32, #tpu.memory_space<vmem_shared>> -> memref<10240x128xf32, #tpu.memory_space<vmem_shared>>
      tpu.wait_indirect_dma semaphore(%arg15 : memref<!tpu.dma_semaphore, #tpu.memory_space<semaphore_mem>>) src(%arg10 : memref<128x128xf32, #tpu.memory_space<vmem>>) dst(%dma_wait3A_85 : memref<10240x128xf32, #tpu.memory_space<vmem_shared>>)
      %dma_start3A_86 = arith.constant 3 : i32
      %dma_start3A_87 = arith.constant 0 : i32
      %dma_start3A_88 = tpu.memref_slice %arg7[%dma_start3A_86, %dma_start3A_87] : memref<16x128xi32, #tpu.memory_space<vmem>> -> memref<1x128xi32, #tpu.memory_space<vmem>>
      %dma_start3A_89 = tpu.memref_squeeze %dma_start3A_88 : memref<1x128xi32, #tpu.memory_space<vmem>> -> memref<128xi32, #tpu.memory_space<vmem>>
      %dma_start3A_90 = arith.constant 0 : i32
      %dma_start3A_91 = arith.constant 0 : i32
      %dma_start3A_92 = tpu.memref_slice %arg2[%dma_start3A_90, %dma_start3A_91] : memref<10000x128xf32, #tpu.memory_space<hbm>> -> memref<10000x128xf32, #tpu.memory_space<hbm>>
      tpu.enqueue_indirect_dma source(%dma_start3A_92 : memref<10000x128xf32, #tpu.memory_space<hbm>>) target(%arg10 : memref<128x128xf32, #tpu.memory_space<vmem>>) offsets(%dma_start3A_89 : memref<128xi32, #tpu.memory_space<vmem>>) semaphore(%arg13 : memref<!tpu.dma_semaphore, #tpu.memory_space<semaphore_mem>>)
      %dma_wait3A_93 = arith.constant 2 : i32
      %dma_wait3A_94 = arith.constant 0 : i32
      %dma_wait3A_95 = tpu.memref_slice %arg7[%dma_wait3A_93, %dma_wait3A_94] : memref<16x128xi32, #tpu.memory_space<vmem>> -> memref<1x128xi32, #tpu.memory_space<vmem>>
      %dma_wait3A_96 = tpu.memref_squeeze %dma_wait3A_95 : memref<1x128xi32, #tpu.memory_space<vmem>> -> memref<128xi32, #tpu.memory_space<vmem>>
      %dma_wait3A_97 = arith.constant 0 : i32
      %dma_wait3A_98 = arith.constant 0 : i32
      %dma_wait3A_99 = tpu.memref_slice %arg2[%dma_wait3A_97, %dma_wait3A_98] : memref<10000x128xf32, #tpu.memory_space<hbm>> -> memref<10000x128xf32, #tpu.memory_space<hbm>>
      tpu.wait_indirect_dma semaphore(%arg12 : memref<!tpu.dma_semaphore, #tpu.memory_space<semaphore_mem>>) src(%dma_wait3A_99 : memref<10000x128xf32, #tpu.memory_space<hbm>>) dst(%arg9 : memref<128x128xf32, #tpu.memory_space<vmem>>)
      %dma_start3A_100 = arith.constant 2 : i32
      %dma_start3A_101 = arith.constant 0 : i32
      %dma_start3A_102 = tpu.memref_slice %arg8[%dma_start3A_100, %dma_start3A_101] : memref<16x128xi32, #tpu.memory_space<vmem>> -> memref<1x128xi32, #tpu.memory_space<vmem>>
      %dma_start3A_103 = tpu.memref_squeeze %dma_start3A_102 : memref<1x128xi32, #tpu.memory_space<vmem>> -> memref<128xi32, #tpu.memory_space<vmem>>
      %dma_start3A_104 = arith.constant 0 : i32
      %dma_start3A_105 = arith.constant 0 : i32
      %dma_start3A_106 = tpu.memref_slice %arg11[%dma_start3A_104, %dma_start3A_105] : memref<10240x128xf32, #tpu.memory_space<vmem_shared>> -> memref<10240x128xf32, #tpu.memory_space<vmem_shared>>
      tpu.enqueue_indirect_dma source(%arg9 : memref<128x128xf32, #tpu.memory_space<vmem>>) target(%dma_start3A_106 : memref<10240x128xf32, #tpu.memory_space<vmem_shared>>) offsets(%dma_start3A_103 : memref<128xi32, #tpu.memory_space<vmem>>) semaphore(%arg14 : memref<!tpu.dma_semaphore, #tpu.memory_space<semaphore_mem>>) {add = true}
      %dma_wait3A_107 = arith.constant 2 : i32
      %dma_wait3A_108 = arith.constant 0 : i32
      %dma_wait3A_109 = tpu.memref_slice %arg8[%dma_wait3A_107, %dma_wait3A_108] : memref<16x128xi32, #tpu.memory_space<vmem>> -> memref<1x128xi32, #tpu.memory_space<vmem>>
      %dma_wait3A_110 = tpu.memref_squeeze %dma_wait3A_109 : memref<1x128xi32, #tpu.memory_space<vmem>> -> memref<128xi32, #tpu.memory_space<vmem>>
      %dma_wait3A_111 = arith.constant 0 : i32
      %dma_wait3A_112 = arith.constant 0 : i32
      %dma_wait3A_113 = tpu.memref_slice %arg11[%dma_wait3A_111, %dma_wait3A_112] : memref<10240x128xf32, #tpu.memory_space<vmem_shared>> -> memref<10240x128xf32, #tpu.memory_space<vmem_shared>>
      tpu.wait_indirect_dma semaphore(%arg14 : memref<!tpu.dma_semaphore, #tpu.memory_space<semaphore_mem>>) src(%arg9 : memref<128x128xf32, #tpu.memory_space<vmem>>) dst(%dma_wait3A_113 : memref<10240x128xf32, #tpu.memory_space<vmem_shared>>)
      %dma_start3A_114 = arith.constant 4 : i32
      %dma_start3A_115 = arith.constant 0 : i32
      %dma_start3A_116 = tpu.memref_slice %arg7[%dma_start3A_114, %dma_start3A_115] : memref<16x128xi32, #tpu.memory_space<vmem>> -> memref<1x128xi32, #tpu.memory_space<vmem>>
      %dma_start3A_117 = tpu.memref_squeeze %dma_start3A_116 : memref<1x128xi32, #tpu.memory_space<vmem>> -> memref<128xi32, #tpu.memory_space<vmem>>
      %dma_start3A_118 = arith.constant 0 : i32
      %dma_start3A_119 = arith.constant 0 : i32
      %dma_start3A_120 = tpu.memref_slice %arg2[%dma_start3A_118, %dma_start3A_119] : memref<10000x128xf32, #tpu.memory_space<hbm>> -> memref<10000x128xf32, #tpu.memory_space<hbm>>
      tpu.enqueue_indirect_dma source(%dma_start3A_120 : memref<10000x128xf32, #tpu.memory_space<hbm>>) target(%arg9 : memref<128x128xf32, #tpu.memory_space<vmem>>) offsets(%dma_start3A_117 : memref<128xi32, #tpu.memory_space<vmem>>) semaphore(%arg12 : memref<!tpu.dma_semaphore, #tpu.memory_space<semaphore_mem>>)
      %dma_wait3A_121 = arith.constant 3 : i32
      %dma_wait3A_122 = arith.constant 0 : i32
      %dma_wait3A_123 = tpu.memref_slice %arg7[%dma_wait3A_121, %dma_wait3A_122] : memref<16x128xi32, #tpu.memory_space<vmem>> -> memref<1x128xi32, #tpu.memory_space<vmem>>
      %dma_wait3A_124 = tpu.memref_squeeze %dma_wait3A_123 : memref<1x128xi32, #tpu.memory_space<vmem>> -> memref<128xi32, #tpu.memory_space<vmem>>
      %dma_wait3A_125 = arith.constant 0 : i32
      %dma_wait3A_126 = arith.constant 0 : i32
      %dma_wait3A_127 = tpu.memref_slice %arg2[%dma_wait3A_125, %dma_wait3A_126] : memref<10000x128xf32, #tpu.memory_space<hbm>> -> memref<10000x128xf32, #tpu.memory_space<hbm>>
      tpu.wait_indirect_dma semaphore(%arg13 : memref<!tpu.dma_semaphore, #tpu.memory_space<semaphore_mem>>) src(%dma_wait3A_127 : memref<10000x128xf32, #tpu.memory_space<hbm>>) dst(%arg10 : memref<128x128xf32, #tpu.memory_space<vmem>>)
      %dma_start3A_128 = arith.constant 3 : i32
      %dma_start3A_129 = arith.constant 0 : i32
      %dma_start3A_130 = tpu.memref_slice %arg8[%dma_start3A_128, %dma_start3A_129] : memref<16x128xi32, #tpu.memory_space<vmem>> -> memref<1x128xi32, #tpu.memory_space<vmem>>
      %dma_start3A_131 = tpu.memref_squeeze %dma_start3A_130 : memref<1x128xi32, #tpu.memory_space<vmem>> -> memref<128xi32, #tpu.memory_space<vmem>>
      %dma_start3A_132 = arith.constant 0 : i32
      %dma_start3A_133 = arith.constant 0 : i32
      %dma_start3A_134 = tpu.memref_slice %arg11[%dma_start3A_132, %dma_start3A_133] : memref<10240x128xf32, #tpu.memory_space<vmem_shared>> -> memref<10240x128xf32, #tpu.memory_space<vmem_shared>>
      tpu.enqueue_indirect_dma source(%arg10 : memref<128x128xf32, #tpu.memory_space<vmem>>) target(%dma_start3A_134 : memref<10240x128xf32, #tpu.memory_space<vmem_shared>>) offsets(%dma_start3A_131 : memref<128xi32, #tpu.memory_space<vmem>>) semaphore(%arg15 : memref<!tpu.dma_semaphore, #tpu.memory_space<semaphore_mem>>) {add = true}
      %dma_wait3A_135 = arith.constant 3 : i32
      %dma_wait3A_136 = arith.constant 0 : i32
      %dma_wait3A_137 = tpu.memref_slice %arg8[%dma_wait3A_135, %dma_wait3A_136] : memref<16x128xi32, #tpu.memory_space<vmem>> -> memref<1x128xi32, #tpu.memory_space<vmem>>
      %dma_wait3A_138 = tpu.memref_squeeze %dma_wait3A_137 : memref<1x128xi32, #tpu.memory_space<vmem>> -> memref<128xi32, #tpu.memory_space<vmem>>
      %dma_wait3A_139 = arith.constant 0 : i32
      %dma_wait3A_140 = arith.constant 0 : i32
      %dma_wait3A_141 = tpu.memref_slice %arg11[%dma_wait3A_139, %dma_wait3A_140] : memref<10240x128xf32, #tpu.memory_space<vmem_shared>> -> memref<10240x128xf32, #tpu.memory_space<vmem_shared>>
      tpu.wait_indirect_dma semaphore(%arg15 : memref<!tpu.dma_semaphore, #tpu.memory_space<semaphore_mem>>) src(%arg10 : memref<128x128xf32, #tpu.memory_space<vmem>>) dst(%dma_wait3A_141 : memref<10240x128xf32, #tpu.memory_space<vmem_shared>>)
      %dma_start3A_142 = arith.constant 5 : i32
      %dma_start3A_143 = arith.constant 0 : i32
      %dma_start3A_144 = tpu.memref_slice %arg7[%dma_start3A_142, %dma_start3A_143] : memref<16x128xi32, #tpu.memory_space<vmem>> -> memref<1x128xi32, #tpu.memory_space<vmem>>
      %dma_start3A_145 = tpu.memref_squeeze %dma_start3A_144 : memref<1x128xi32, #tpu.memory_space<vmem>> -> memref<128xi32, #tpu.memory_space<vmem>>
      %dma_start3A_146 = arith.constant 0 : i32
      %dma_start3A_147 = arith.constant 0 : i32
      %dma_start3A_148 = tpu.memref_slice %arg2[%dma_start3A_146, %dma_start3A_147] : memref<10000x128xf32, #tpu.memory_space<hbm>> -> memref<10000x128xf32, #tpu.memory_space<hbm>>
      tpu.enqueue_indirect_dma source(%dma_start3A_148 : memref<10000x128xf32, #tpu.memory_space<hbm>>) target(%arg10 : memref<128x128xf32, #tpu.memory_space<vmem>>) offsets(%dma_start3A_145 : memref<128xi32, #tpu.memory_space<vmem>>) semaphore(%arg13 : memref<!tpu.dma_semaphore, #tpu.memory_space<semaphore_mem>>)
      %dma_wait3A_149 = arith.constant 4 : i32
      %dma_wait3A_150 = arith.constant 0 : i32
      %dma_wait3A_151 = tpu.memref_slice %arg7[%dma_wait3A_149, %dma_wait3A_150] : memref<16x128xi32, #tpu.memory_space<vmem>> -> memref<1x128xi32, #tpu.memory_space<vmem>>
      %dma_wait3A_152 = tpu.memref_squeeze %dma_wait3A_151 : memref<1x128xi32, #tpu.memory_space<vmem>> -> memref<128xi32, #tpu.memory_space<vmem>>
      %dma_wait3A_153 = arith.constant 0 : i32
      %dma_wait3A_154 = arith.constant 0 : i32
      %dma_wait3A_155 = tpu.memref_slice %arg2[%dma_wait3A_153, %dma_wait3A_154] : memref<10000x128xf32, #tpu.memory_space<hbm>> -> memref<10000x128xf32, #tpu.memory_space<hbm>>
      tpu.wait_indirect_dma semaphore(%arg12 : memref<!tpu.dma_semaphore, #tpu.memory_space<semaphore_mem>>) src(%dma_wait3A_155 : memref<10000x128xf32, #tpu.memory_space<hbm>>) dst(%arg9 : memref<128x128xf32, #tpu.memory_space<vmem>>)
      %dma_start3A_156 = arith.constant 4 : i32
      %dma_start3A_157 = arith.constant 0 : i32
      %dma_start3A_158 = tpu.memref_slice %arg8[%dma_start3A_156, %dma_start3A_157] : memref<16x128xi32, #tpu.memory_space<vmem>> -> memref<1x128xi32, #tpu.memory_space<vmem>>
      %dma_start3A_159 = tpu.memref_squeeze %dma_start3A_158 : memref<1x128xi32, #tpu.memory_space<vmem>> -> memref<128xi32, #tpu.memory_space<vmem>>
      %dma_start3A_160 = arith.constant 0 : i32
      %dma_start3A_161 = arith.constant 0 : i32
      %dma_start3A_162 = tpu.memref_slice %arg11[%dma_start3A_160, %dma_start3A_161] : memref<10240x128xf32, #tpu.memory_space<vmem_shared>> -> memref<10240x128xf32, #tpu.memory_space<vmem_shared>>
      tpu.enqueue_indirect_dma source(%arg9 : memref<128x128xf32, #tpu.memory_space<vmem>>) target(%dma_start3A_162 : memref<10240x128xf32, #tpu.memory_space<vmem_shared>>) offsets(%dma_start3A_159 : memref<128xi32, #tpu.memory_space<vmem>>) semaphore(%arg14 : memref<!tpu.dma_semaphore, #tpu.memory_space<semaphore_mem>>) {add = true}
      %dma_wait3A_163 = arith.constant 4 : i32
      %dma_wait3A_164 = arith.constant 0 : i32
      %dma_wait3A_165 = tpu.memref_slice %arg8[%dma_wait3A_163, %dma_wait3A_164] : memref<16x128xi32, #tpu.memory_space<vmem>> -> memref<1x128xi32, #tpu.memory_space<vmem>>
      %dma_wait3A_166 = tpu.memref_squeeze %dma_wait3A_165 : memref<1x128xi32, #tpu.memory_space<vmem>> -> memref<128xi32, #tpu.memory_space<vmem>>
      %dma_wait3A_167 = arith.constant 0 : i32
      %dma_wait3A_168 = arith.constant 0 : i32
      %dma_wait3A_169 = tpu.memref_slice %arg11[%dma_wait3A_167, %dma_wait3A_168] : memref<10240x128xf32, #tpu.memory_space<vmem_shared>> -> memref<10240x128xf32, #tpu.memory_space<vmem_shared>>
      tpu.wait_indirect_dma semaphore(%arg14 : memref<!tpu.dma_semaphore, #tpu.memory_space<semaphore_mem>>) src(%arg9 : memref<128x128xf32, #tpu.memory_space<vmem>>) dst(%dma_wait3A_169 : memref<10240x128xf32, #tpu.memory_space<vmem_shared>>)
      %dma_start3A_170 = arith.constant 6 : i32
      %dma_start3A_171 = arith.constant 0 : i32
      %dma_start3A_172 = tpu.memref_slice %arg7[%dma_start3A_170, %dma_start3A_171] : memref<16x128xi32, #tpu.memory_space<vmem>> -> memref<1x128xi32, #tpu.memory_space<vmem>>
      %dma_start3A_173 = tpu.memref_squeeze %dma_start3A_172 : memref<1x128xi32, #tpu.memory_space<vmem>> -> memref<128xi32, #tpu.memory_space<vmem>>
      %dma_start3A_174 = arith.constant 0 : i32
      %dma_start3A_175 = arith.constant 0 : i32
      %dma_start3A_176 = tpu.memref_slice %arg2[%dma_start3A_174, %dma_start3A_175] : memref<10000x128xf32, #tpu.memory_space<hbm>> -> memref<10000x128xf32, #tpu.memory_space<hbm>>
      tpu.enqueue_indirect_dma source(%dma_start3A_176 : memref<10000x128xf32, #tpu.memory_space<hbm>>) target(%arg9 : memref<128x128xf32, #tpu.memory_space<vmem>>) offsets(%dma_start3A_173 : memref<128xi32, #tpu.memory_space<vmem>>) semaphore(%arg12 : memref<!tpu.dma_semaphore, #tpu.memory_space<semaphore_mem>>)
      %dma_wait3A_177 = arith.constant 5 : i32
      %dma_wait3A_178 = arith.constant 0 : i32
      %dma_wait3A_179 = tpu.memref_slice %arg7[%dma_wait3A_177, %dma_wait3A_178] : memref<16x128xi32, #tpu.memory_space<vmem>> -> memref<1x128xi32, #tpu.memory_space<vmem>>
      %dma_wait3A_180 = tpu.memref_squeeze %dma_wait3A_179 : memref<1x128xi32, #tpu.memory_space<vmem>> -> memref<128xi32, #tpu.memory_space<vmem>>
      %dma_wait3A_181 = arith.constant 0 : i32
      %dma_wait3A_182 = arith.constant 0 : i32
      %dma_wait3A_183 = tpu.memref_slice %arg2[%dma_wait3A_181, %dma_wait3A_182] : memref<10000x128xf32, #tpu.memory_space<hbm>> -> memref<10000x128xf32, #tpu.memory_space<hbm>>
      tpu.wait_indirect_dma semaphore(%arg13 : memref<!tpu.dma_semaphore, #tpu.memory_space<semaphore_mem>>) src(%dma_wait3A_183 : memref<10000x128xf32, #tpu.memory_space<hbm>>) dst(%arg10 : memref<128x128xf32, #tpu.memory_space<vmem>>)
      %dma_start3A_184 = arith.constant 5 : i32
      %dma_start3A_185 = arith.constant 0 : i32
      %dma_start3A_186 = tpu.memref_slice %arg8[%dma_start3A_184, %dma_start3A_185] : memref<16x128xi32, #tpu.memory_space<vmem>> -> memref<1x128xi32, #tpu.memory_space<vmem>>
      %dma_start3A_187 = tpu.memref_squeeze %dma_start3A_186 : memref<1x128xi32, #tpu.memory_space<vmem>> -> memref<128xi32, #tpu.memory_space<vmem>>
      %dma_start3A_188 = arith.constant 0 : i32
      %dma_start3A_189 = arith.constant 0 : i32
      %dma_start3A_190 = tpu.memref_slice %arg11[%dma_start3A_188, %dma_start3A_189] : memref<10240x128xf32, #tpu.memory_space<vmem_shared>> -> memref<10240x128xf32, #tpu.memory_space<vmem_shared>>
      tpu.enqueue_indirect_dma source(%arg10 : memref<128x128xf32, #tpu.memory_space<vmem>>) target(%dma_start3A_190 : memref<10240x128xf32, #tpu.memory_space<vmem_shared>>) offsets(%dma_start3A_187 : memref<128xi32, #tpu.memory_space<vmem>>) semaphore(%arg15 : memref<!tpu.dma_semaphore, #tpu.memory_space<semaphore_mem>>) {add = true}
      %dma_wait3A_191 = arith.constant 5 : i32
      %dma_wait3A_192 = arith.constant 0 : i32
      %dma_wait3A_193 = tpu.memref_slice %arg8[%dma_wait3A_191, %dma_wait3A_192] : memref<16x128xi32, #tpu.memory_space<vmem>> -> memref<1x128xi32, #tpu.memory_space<vmem>>
      %dma_wait3A_194 = tpu.memref_squeeze %dma_wait3A_193 : memref<1x128xi32, #tpu.memory_space<vmem>> -> memref<128xi32, #tpu.memory_space<vmem>>
      %dma_wait3A_195 = arith.constant 0 : i32
      %dma_wait3A_196 = arith.constant 0 : i32
      %dma_wait3A_197 = tpu.memref_slice %arg11[%dma_wait3A_195, %dma_wait3A_196] : memref<10240x128xf32, #tpu.memory_space<vmem_shared>> -> memref<10240x128xf32, #tpu.memory_space<vmem_shared>>
      tpu.wait_indirect_dma semaphore(%arg15 : memref<!tpu.dma_semaphore, #tpu.memory_space<semaphore_mem>>) src(%arg10 : memref<128x128xf32, #tpu.memory_space<vmem>>) dst(%dma_wait3A_197 : memref<10240x128xf32, #tpu.memory_space<vmem_shared>>)
      %dma_start3A_198 = arith.constant 7 : i32
      %dma_start3A_199 = arith.constant 0 : i32
      %dma_start3A_200 = tpu.memref_slice %arg7[%dma_start3A_198, %dma_start3A_199] : memref<16x128xi32, #tpu.memory_space<vmem>> -> memref<1x128xi32, #tpu.memory_space<vmem>>
      %dma_start3A_201 = tpu.memref_squeeze %dma_start3A_200 : memref<1x128xi32, #tpu.memory_space<vmem>> -> memref<128xi32, #tpu.memory_space<vmem>>
      %dma_start3A_202 = arith.constant 0 : i32
      %dma_start3A_203 = arith.constant 0 : i32
      %dma_start3A_204 = tpu.memref_slice %arg2[%dma_start3A_202, %dma_start3A_203] : memref<10000x128xf32, #tpu.memory_space<hbm>> -> memref<10000x128xf32, #tpu.memory_space<hbm>>
      tpu.enqueue_indirect_dma source(%dma_start3A_204 : memref<10000x128xf32, #tpu.memory_space<hbm>>) target(%arg10 : memref<128x128xf32, #tpu.memory_space<vmem>>) offsets(%dma_start3A_201 : memref<128xi32, #tpu.memory_space<vmem>>) semaphore(%arg13 : memref<!tpu.dma_semaphore, #tpu.memory_space<semaphore_mem>>)
      %dma_wait3A_205 = arith.constant 6 : i32
      %dma_wait3A_206 = arith.constant 0 : i32
      %dma_wait3A_207 = tpu.memref_slice %arg7[%dma_wait3A_205, %dma_wait3A_206] : memref<16x128xi32, #tpu.memory_space<vmem>> -> memref<1x128xi32, #tpu.memory_space<vmem>>
      %dma_wait3A_208 = tpu.memref_squeeze %dma_wait3A_207 : memref<1x128xi32, #tpu.memory_space<vmem>> -> memref<128xi32, #tpu.memory_space<vmem>>
      %dma_wait3A_209 = arith.constant 0 : i32
      %dma_wait3A_210 = arith.constant 0 : i32
      %dma_wait3A_211 = tpu.memref_slice %arg2[%dma_wait3A_209, %dma_wait3A_210] : memref<10000x128xf32, #tpu.memory_space<hbm>> -> memref<10000x128xf32, #tpu.memory_space<hbm>>
      tpu.wait_indirect_dma semaphore(%arg12 : memref<!tpu.dma_semaphore, #tpu.memory_space<semaphore_mem>>) src(%dma_wait3A_211 : memref<10000x128xf32, #tpu.memory_space<hbm>>) dst(%arg9 : memref<128x128xf32, #tpu.memory_space<vmem>>)
      %dma_start3A_212 = arith.constant 6 : i32
      %dma_start3A_213 = arith.constant 0 : i32
      %dma_start3A_214 = tpu.memref_slice %arg8[%dma_start3A_212, %dma_start3A_213] : memref<16x128xi32, #tpu.memory_space<vmem>> -> memref<1x128xi32, #tpu.memory_space<vmem>>
      %dma_start3A_215 = tpu.memref_squeeze %dma_start3A_214 : memref<1x128xi32, #tpu.memory_space<vmem>> -> memref<128xi32, #tpu.memory_space<vmem>>
      %dma_start3A_216 = arith.constant 0 : i32
      %dma_start3A_217 = arith.constant 0 : i32
      %dma_start3A_218 = tpu.memref_slice %arg11[%dma_start3A_216, %dma_start3A_217] : memref<10240x128xf32, #tpu.memory_space<vmem_shared>> -> memref<10240x128xf32, #tpu.memory_space<vmem_shared>>
      tpu.enqueue_indirect_dma source(%arg9 : memref<128x128xf32, #tpu.memory_space<vmem>>) target(%dma_start3A_218 : memref<10240x128xf32, #tpu.memory_space<vmem_shared>>) offsets(%dma_start3A_215 : memref<128xi32, #tpu.memory_space<vmem>>) semaphore(%arg14 : memref<!tpu.dma_semaphore, #tpu.memory_space<semaphore_mem>>) {add = true}
      %dma_wait3A_219 = arith.constant 6 : i32
      %dma_wait3A_220 = arith.constant 0 : i32
      %dma_wait3A_221 = tpu.memref_slice %arg8[%dma_wait3A_219, %dma_wait3A_220] : memref<16x128xi32, #tpu.memory_space<vmem>> -> memref<1x128xi32, #tpu.memory_space<vmem>>
      %dma_wait3A_222 = tpu.memref_squeeze %dma_wait3A_221 : memref<1x128xi32, #tpu.memory_space<vmem>> -> memref<128xi32, #tpu.memory_space<vmem>>
      %dma_wait3A_223 = arith.constant 0 : i32
      %dma_wait3A_224 = arith.constant 0 : i32
      %dma_wait3A_225 = tpu.memref_slice %arg11[%dma_wait3A_223, %dma_wait3A_224] : memref<10240x128xf32, #tpu.memory_space<vmem_shared>> -> memref<10240x128xf32, #tpu.memory_space<vmem_shared>>
      tpu.wait_indirect_dma semaphore(%arg14 : memref<!tpu.dma_semaphore, #tpu.memory_space<semaphore_mem>>) src(%arg9 : memref<128x128xf32, #tpu.memory_space<vmem>>) dst(%dma_wait3A_225 : memref<10240x128xf32, #tpu.memory_space<vmem_shared>>)
      %dma_start3A_226 = arith.constant 8 : i32
      %dma_start3A_227 = arith.constant 0 : i32
      %dma_start3A_228 = tpu.memref_slice %arg7[%dma_start3A_226, %dma_start3A_227] : memref<16x128xi32, #tpu.memory_space<vmem>> -> memref<1x128xi32, #tpu.memory_space<vmem>>
      %dma_start3A_229 = tpu.memref_squeeze %dma_start3A_228 : memref<1x128xi32, #tpu.memory_space<vmem>> -> memref<128xi32, #tpu.memory_space<vmem>>
      %dma_start3A_230 = arith.constant 0 : i32
      %dma_start3A_231 = arith.constant 0 : i32
      %dma_start3A_232 = tpu.memref_slice %arg2[%dma_start3A_230, %dma_start3A_231] : memref<10000x128xf32, #tpu.memory_space<hbm>> -> memref<10000x128xf32, #tpu.memory_space<hbm>>
      tpu.enqueue_indirect_dma source(%dma_start3A_232 : memref<10000x128xf32, #tpu.memory_space<hbm>>) target(%arg9 : memref<128x128xf32, #tpu.memory_space<vmem>>) offsets(%dma_start3A_229 : memref<128xi32, #tpu.memory_space<vmem>>) semaphore(%arg12 : memref<!tpu.dma_semaphore, #tpu.memory_space<semaphore_mem>>)
      %dma_wait3A_233 = arith.constant 7 : i32
      %dma_wait3A_234 = arith.constant 0 : i32
      %dma_wait3A_235 = tpu.memref_slice %arg7[%dma_wait3A_233, %dma_wait3A_234] : memref<16x128xi32, #tpu.memory_space<vmem>> -> memref<1x128xi32, #tpu.memory_space<vmem>>
      %dma_wait3A_236 = tpu.memref_squeeze %dma_wait3A_235 : memref<1x128xi32, #tpu.memory_space<vmem>> -> memref<128xi32, #tpu.memory_space<vmem>>
      %dma_wait3A_237 = arith.constant 0 : i32
      %dma_wait3A_238 = arith.constant 0 : i32
      %dma_wait3A_239 = tpu.memref_slice %arg2[%dma_wait3A_237, %dma_wait3A_238] : memref<10000x128xf32, #tpu.memory_space<hbm>> -> memref<10000x128xf32, #tpu.memory_space<hbm>>
      tpu.wait_indirect_dma semaphore(%arg13 : memref<!tpu.dma_semaphore, #tpu.memory_space<semaphore_mem>>) src(%dma_wait3A_239 : memref<10000x128xf32, #tpu.memory_space<hbm>>) dst(%arg10 : memref<128x128xf32, #tpu.memory_space<vmem>>)
      %dma_start3A_240 = arith.constant 7 : i32
      %dma_start3A_241 = arith.constant 0 : i32
      %dma_start3A_242 = tpu.memref_slice %arg8[%dma_start3A_240, %dma_start3A_241] : memref<16x128xi32, #tpu.memory_space<vmem>> -> memref<1x128xi32, #tpu.memory_space<vmem>>
      %dma_start3A_243 = tpu.memref_squeeze %dma_start3A_242 : memref<1x128xi32, #tpu.memory_space<vmem>> -> memref<128xi32, #tpu.memory_space<vmem>>
      %dma_start3A_244 = arith.constant 0 : i32
      %dma_start3A_245 = arith.constant 0 : i32
      %dma_start3A_246 = tpu.memref_slice %arg11[%dma_start3A_244, %dma_start3A_245] : memref<10240x128xf32, #tpu.memory_space<vmem_shared>> -> memref<10240x128xf32, #tpu.memory_space<vmem_shared>>
      tpu.enqueue_indirect_dma source(%arg10 : memref<128x128xf32, #tpu.memory_space<vmem>>) target(%dma_start3A_246 : memref<10240x128xf32, #tpu.memory_space<vmem_shared>>) offsets(%dma_start3A_243 : memref<128xi32, #tpu.memory_space<vmem>>) semaphore(%arg15 : memref<!tpu.dma_semaphore, #tpu.memory_space<semaphore_mem>>) {add = true}
      %dma_wait3A_247 = arith.constant 7 : i32
      %dma_wait3A_248 = arith.constant 0 : i32
      %dma_wait3A_249 = tpu.memref_slice %arg8[%dma_wait3A_247, %dma_wait3A_248] : memref<16x128xi32, #tpu.memory_space<vmem>> -> memref<1x128xi32, #tpu.memory_space<vmem>>
      %dma_wait3A_250 = tpu.memref_squeeze %dma_wait3A_249 : memref<1x128xi32, #tpu.memory_space<vmem>> -> memref<128xi32, #tpu.memory_space<vmem>>
      %dma_wait3A_251 = arith.constant 0 : i32
      %dma_wait3A_252 = arith.constant 0 : i32
      %dma_wait3A_253 = tpu.memref_slice %arg11[%dma_wait3A_251, %dma_wait3A_252] : memref<10240x128xf32, #tpu.memory_space<vmem_shared>> -> memref<10240x128xf32, #tpu.memory_space<vmem_shared>>
      tpu.wait_indirect_dma semaphore(%arg15 : memref<!tpu.dma_semaphore, #tpu.memory_space<semaphore_mem>>) src(%arg10 : memref<128x128xf32, #tpu.memory_space<vmem>>) dst(%dma_wait3A_253 : memref<10240x128xf32, #tpu.memory_space<vmem_shared>>)
      %dma_start3A_254 = arith.constant 9 : i32
      %dma_start3A_255 = arith.constant 0 : i32
      %dma_start3A_256 = tpu.memref_slice %arg7[%dma_start3A_254, %dma_start3A_255] : memref<16x128xi32, #tpu.memory_space<vmem>> -> memref<1x128xi32, #tpu.memory_space<vmem>>
      %dma_start3A_257 = tpu.memref_squeeze %dma_start3A_256 : memref<1x128xi32, #tpu.memory_space<vmem>> -> memref<128xi32, #tpu.memory_space<vmem>>
      %dma_start3A_258 = arith.constant 0 : i32
      %dma_start3A_259 = arith.constant 0 : i32
      %dma_start3A_260 = tpu.memref_slice %arg2[%dma_start3A_258, %dma_start3A_259] : memref<10000x128xf32, #tpu.memory_space<hbm>> -> memref<10000x128xf32, #tpu.memory_space<hbm>>
      tpu.enqueue_indirect_dma source(%dma_start3A_260 : memref<10000x128xf32, #tpu.memory_space<hbm>>) target(%arg10 : memref<128x128xf32, #tpu.memory_space<vmem>>) offsets(%dma_start3A_257 : memref<128xi32, #tpu.memory_space<vmem>>) semaphore(%arg13 : memref<!tpu.dma_semaphore, #tpu.memory_space<semaphore_mem>>)
      %dma_wait3A_261 = arith.constant 8 : i32
      %dma_wait3A_262 = arith.constant 0 : i32
      %dma_wait3A_263 = tpu.memref_slice %arg7[%dma_wait3A_261, %dma_wait3A_262] : memref<16x128xi32, #tpu.memory_space<vmem>> -> memref<1x128xi32, #tpu.memory_space<vmem>>
      %dma_wait3A_264 = tpu.memref_squeeze %dma_wait3A_263 : memref<1x128xi32, #tpu.memory_space<vmem>> -> memref<128xi32, #tpu.memory_space<vmem>>
      %dma_wait3A_265 = arith.constant 0 : i32
      %dma_wait3A_266 = arith.constant 0 : i32
      %dma_wait3A_267 = tpu.memref_slice %arg2[%dma_wait3A_265, %dma_wait3A_266] : memref<10000x128xf32, #tpu.memory_space<hbm>> -> memref<10000x128xf32, #tpu.memory_space<hbm>>
      tpu.wait_indirect_dma semaphore(%arg12 : memref<!tpu.dma_semaphore, #tpu.memory_space<semaphore_mem>>) src(%dma_wait3A_267 : memref<10000x128xf32, #tpu.memory_space<hbm>>) dst(%arg9 : memref<128x128xf32, #tpu.memory_space<vmem>>)
      %dma_start3A_268 = arith.constant 8 : i32
      %dma_start3A_269 = arith.constant 0 : i32
      %dma_start3A_270 = tpu.memref_slice %arg8[%dma_start3A_268, %dma_start3A_269] : memref<16x128xi32, #tpu.memory_space<vmem>> -> memref<1x128xi32, #tpu.memory_space<vmem>>
      %dma_start3A_271 = tpu.memref_squeeze %dma_start3A_270 : memref<1x128xi32, #tpu.memory_space<vmem>> -> memref<128xi32, #tpu.memory_space<vmem>>
      %dma_start3A_272 = arith.constant 0 : i32
      %dma_start3A_273 = arith.constant 0 : i32
      %dma_start3A_274 = tpu.memref_slice %arg11[%dma_start3A_272, %dma_start3A_273] : memref<10240x128xf32, #tpu.memory_space<vmem_shared>> -> memref<10240x128xf32, #tpu.memory_space<vmem_shared>>
      tpu.enqueue_indirect_dma source(%arg9 : memref<128x128xf32, #tpu.memory_space<vmem>>) target(%dma_start3A_274 : memref<10240x128xf32, #tpu.memory_space<vmem_shared>>) offsets(%dma_start3A_271 : memref<128xi32, #tpu.memory_space<vmem>>) semaphore(%arg14 : memref<!tpu.dma_semaphore, #tpu.memory_space<semaphore_mem>>) {add = true}
      %dma_wait3A_275 = arith.constant 8 : i32
      %dma_wait3A_276 = arith.constant 0 : i32
      %dma_wait3A_277 = tpu.memref_slice %arg8[%dma_wait3A_275, %dma_wait3A_276] : memref<16x128xi32, #tpu.memory_space<vmem>> -> memref<1x128xi32, #tpu.memory_space<vmem>>
      %dma_wait3A_278 = tpu.memref_squeeze %dma_wait3A_277 : memref<1x128xi32, #tpu.memory_space<vmem>> -> memref<128xi32, #tpu.memory_space<vmem>>
      %dma_wait3A_279 = arith.constant 0 : i32
      %dma_wait3A_280 = arith.constant 0 : i32
      %dma_wait3A_281 = tpu.memref_slice %arg11[%dma_wait3A_279, %dma_wait3A_280] : memref<10240x128xf32, #tpu.memory_space<vmem_shared>> -> memref<10240x128xf32, #tpu.memory_space<vmem_shared>>
      tpu.wait_indirect_dma semaphore(%arg14 : memref<!tpu.dma_semaphore, #tpu.memory_space<semaphore_mem>>) src(%arg9 : memref<128x128xf32, #tpu.memory_space<vmem>>) dst(%dma_wait3A_281 : memref<10240x128xf32, #tpu.memory_space<vmem_shared>>)
      %dma_start3A_282 = arith.constant 10 : i32
      %dma_start3A_283 = arith.constant 0 : i32
      %dma_start3A_284 = tpu.memref_slice %arg7[%dma_start3A_282, %dma_start3A_283] : memref<16x128xi32, #tpu.memory_space<vmem>> -> memref<1x128xi32, #tpu.memory_space<vmem>>
      %dma_start3A_285 = tpu.memref_squeeze %dma_start3A_284 : memref<1x128xi32, #tpu.memory_space<vmem>> -> memref<128xi32, #tpu.memory_space<vmem>>
      %dma_start3A_286 = arith.constant 0 : i32
      %dma_start3A_287 = arith.constant 0 : i32
      %dma_start3A_288 = tpu.memref_slice %arg2[%dma_start3A_286, %dma_start3A_287] : memref<10000x128xf32, #tpu.memory_space<hbm>> -> memref<10000x128xf32, #tpu.memory_space<hbm>>
      tpu.enqueue_indirect_dma source(%dma_start3A_288 : memref<10000x128xf32, #tpu.memory_space<hbm>>) target(%arg9 : memref<128x128xf32, #tpu.memory_space<vmem>>) offsets(%dma_start3A_285 : memref<128xi32, #tpu.memory_space<vmem>>) semaphore(%arg12 : memref<!tpu.dma_semaphore, #tpu.memory_space<semaphore_mem>>)
      %dma_wait3A_289 = arith.constant 9 : i32
      %dma_wait3A_290 = arith.constant 0 : i32
      %dma_wait3A_291 = tpu.memref_slice %arg7[%dma_wait3A_289, %dma_wait3A_290] : memref<16x128xi32, #tpu.memory_space<vmem>> -> memref<1x128xi32, #tpu.memory_space<vmem>>
      %dma_wait3A_292 = tpu.memref_squeeze %dma_wait3A_291 : memref<1x128xi32, #tpu.memory_space<vmem>> -> memref<128xi32, #tpu.memory_space<vmem>>
      %dma_wait3A_293 = arith.constant 0 : i32
      %dma_wait3A_294 = arith.constant 0 : i32
      %dma_wait3A_295 = tpu.memref_slice %arg2[%dma_wait3A_293, %dma_wait3A_294] : memref<10000x128xf32, #tpu.memory_space<hbm>> -> memref<10000x128xf32, #tpu.memory_space<hbm>>
      tpu.wait_indirect_dma semaphore(%arg13 : memref<!tpu.dma_semaphore, #tpu.memory_space<semaphore_mem>>) src(%dma_wait3A_295 : memref<10000x128xf32, #tpu.memory_space<hbm>>) dst(%arg10 : memref<128x128xf32, #tpu.memory_space<vmem>>)
      %dma_start3A_296 = arith.constant 9 : i32
      %dma_start3A_297 = arith.constant 0 : i32
      %dma_start3A_298 = tpu.memref_slice %arg8[%dma_start3A_296, %dma_start3A_297] : memref<16x128xi32, #tpu.memory_space<vmem>> -> memref<1x128xi32, #tpu.memory_space<vmem>>
      %dma_start3A_299 = tpu.memref_squeeze %dma_start3A_298 : memref<1x128xi32, #tpu.memory_space<vmem>> -> memref<128xi32, #tpu.memory_space<vmem>>
      %dma_start3A_300 = arith.constant 0 : i32
      %dma_start3A_301 = arith.constant 0 : i32
      %dma_start3A_302 = tpu.memref_slice %arg11[%dma_start3A_300, %dma_start3A_301] : memref<10240x128xf32, #tpu.memory_space<vmem_shared>> -> memref<10240x128xf32, #tpu.memory_space<vmem_shared>>
      tpu.enqueue_indirect_dma source(%arg10 : memref<128x128xf32, #tpu.memory_space<vmem>>) target(%dma_start3A_302 : memref<10240x128xf32, #tpu.memory_space<vmem_shared>>) offsets(%dma_start3A_299 : memref<128xi32, #tpu.memory_space<vmem>>) semaphore(%arg15 : memref<!tpu.dma_semaphore, #tpu.memory_space<semaphore_mem>>) {add = true}
      %dma_wait3A_303 = arith.constant 9 : i32
      %dma_wait3A_304 = arith.constant 0 : i32
      %dma_wait3A_305 = tpu.memref_slice %arg8[%dma_wait3A_303, %dma_wait3A_304] : memref<16x128xi32, #tpu.memory_space<vmem>> -> memref<1x128xi32, #tpu.memory_space<vmem>>
      %dma_wait3A_306 = tpu.memref_squeeze %dma_wait3A_305 : memref<1x128xi32, #tpu.memory_space<vmem>> -> memref<128xi32, #tpu.memory_space<vmem>>
      %dma_wait3A_307 = arith.constant 0 : i32
      %dma_wait3A_308 = arith.constant 0 : i32
      %dma_wait3A_309 = tpu.memref_slice %arg11[%dma_wait3A_307, %dma_wait3A_308] : memref<10240x128xf32, #tpu.memory_space<vmem_shared>> -> memref<10240x128xf32, #tpu.memory_space<vmem_shared>>
      tpu.wait_indirect_dma semaphore(%arg15 : memref<!tpu.dma_semaphore, #tpu.memory_space<semaphore_mem>>) src(%arg10 : memref<128x128xf32, #tpu.memory_space<vmem>>) dst(%dma_wait3A_309 : memref<10240x128xf32, #tpu.memory_space<vmem_shared>>)
      %dma_start3A_310 = arith.constant 11 : i32
      %dma_start3A_311 = arith.constant 0 : i32
      %dma_start3A_312 = tpu.memref_slice %arg7[%dma_start3A_310, %dma_start3A_311] : memref<16x128xi32, #tpu.memory_space<vmem>> -> memref<1x128xi32, #tpu.memory_space<vmem>>
      %dma_start3A_313 = tpu.memref_squeeze %dma_start3A_312 : memref<1x128xi32, #tpu.memory_space<vmem>> -> memref<128xi32, #tpu.memory_space<vmem>>
      %dma_start3A_314 = arith.constant 0 : i32
      %dma_start3A_315 = arith.constant 0 : i32
      %dma_start3A_316 = tpu.memref_slice %arg2[%dma_start3A_314, %dma_start3A_315] : memref<10000x128xf32, #tpu.memory_space<hbm>> -> memref<10000x128xf32, #tpu.memory_space<hbm>>
      tpu.enqueue_indirect_dma source(%dma_start3A_316 : memref<10000x128xf32, #tpu.memory_space<hbm>>) target(%arg10 : memref<128x128xf32, #tpu.memory_space<vmem>>) offsets(%dma_start3A_313 : memref<128xi32, #tpu.memory_space<vmem>>) semaphore(%arg13 : memref<!tpu.dma_semaphore, #tpu.memory_space<semaphore_mem>>)
      %dma_wait3A_317 = arith.constant 10 : i32
      %dma_wait3A_318 = arith.constant 0 : i32
      %dma_wait3A_319 = tpu.memref_slice %arg7[%dma_wait3A_317, %dma_wait3A_318] : memref<16x128xi32, #tpu.memory_space<vmem>> -> memref<1x128xi32, #tpu.memory_space<vmem>>
      %dma_wait3A_320 = tpu.memref_squeeze %dma_wait3A_319 : memref<1x128xi32, #tpu.memory_space<vmem>> -> memref<128xi32, #tpu.memory_space<vmem>>
      %dma_wait3A_321 = arith.constant 0 : i32
      %dma_wait3A_322 = arith.constant 0 : i32
      %dma_wait3A_323 = tpu.memref_slice %arg2[%dma_wait3A_321, %dma_wait3A_322] : memref<10000x128xf32, #tpu.memory_space<hbm>> -> memref<10000x128xf32, #tpu.memory_space<hbm>>
      tpu.wait_indirect_dma semaphore(%arg12 : memref<!tpu.dma_semaphore, #tpu.memory_space<semaphore_mem>>) src(%dma_wait3A_323 : memref<10000x128xf32, #tpu.memory_space<hbm>>) dst(%arg9 : memref<128x128xf32, #tpu.memory_space<vmem>>)
      %dma_start3A_324 = arith.constant 10 : i32
      %dma_start3A_325 = arith.constant 0 : i32
      %dma_start3A_326 = tpu.memref_slice %arg8[%dma_start3A_324, %dma_start3A_325] : memref<16x128xi32, #tpu.memory_space<vmem>> -> memref<1x128xi32, #tpu.memory_space<vmem>>
      %dma_start3A_327 = tpu.memref_squeeze %dma_start3A_326 : memref<1x128xi32, #tpu.memory_space<vmem>> -> memref<128xi32, #tpu.memory_space<vmem>>
      %dma_start3A_328 = arith.constant 0 : i32
      %dma_start3A_329 = arith.constant 0 : i32
      %dma_start3A_330 = tpu.memref_slice %arg11[%dma_start3A_328, %dma_start3A_329] : memref<10240x128xf32, #tpu.memory_space<vmem_shared>> -> memref<10240x128xf32, #tpu.memory_space<vmem_shared>>
      tpu.enqueue_indirect_dma source(%arg9 : memref<128x128xf32, #tpu.memory_space<vmem>>) target(%dma_start3A_330 : memref<10240x128xf32, #tpu.memory_space<vmem_shared>>) offsets(%dma_start3A_327 : memref<128xi32, #tpu.memory_space<vmem>>) semaphore(%arg14 : memref<!tpu.dma_semaphore, #tpu.memory_space<semaphore_mem>>) {add = true}
      %dma_wait3A_331 = arith.constant 10 : i32
      %dma_wait3A_332 = arith.constant 0 : i32
      %dma_wait3A_333 = tpu.memref_slice %arg8[%dma_wait3A_331, %dma_wait3A_332] : memref<16x128xi32, #tpu.memory_space<vmem>> -> memref<1x128xi32, #tpu.memory_space<vmem>>
      %dma_wait3A_334 = tpu.memref_squeeze %dma_wait3A_333 : memref<1x128xi32, #tpu.memory_space<vmem>> -> memref<128xi32, #tpu.memory_space<vmem>>
      %dma_wait3A_335 = arith.constant 0 : i32
      %dma_wait3A_336 = arith.constant 0 : i32
      %dma_wait3A_337 = tpu.memref_slice %arg11[%dma_wait3A_335, %dma_wait3A_336] : memref<10240x128xf32, #tpu.memory_space<vmem_shared>> -> memref<10240x128xf32, #tpu.memory_space<vmem_shared>>
      tpu.wait_indirect_dma semaphore(%arg14 : memref<!tpu.dma_semaphore, #tpu.memory_space<semaphore_mem>>) src(%arg9 : memref<128x128xf32, #tpu.memory_space<vmem>>) dst(%dma_wait3A_337 : memref<10240x128xf32, #tpu.memory_space<vmem_shared>>)
      %dma_start3A_338 = arith.constant 12 : i32
      %dma_start3A_339 = arith.constant 0 : i32
      %dma_start3A_340 = tpu.memref_slice %arg7[%dma_start3A_338, %dma_start3A_339] : memref<16x128xi32, #tpu.memory_space<vmem>> -> memref<1x128xi32, #tpu.memory_space<vmem>>
      %dma_start3A_341 = tpu.memref_squeeze %dma_start3A_340 : memref<1x128xi32, #tpu.memory_space<vmem>> -> memref<128xi32, #tpu.memory_space<vmem>>
      %dma_start3A_342 = arith.constant 0 : i32
      %dma_start3A_343 = arith.constant 0 : i32
      %dma_start3A_344 = tpu.memref_slice %arg2[%dma_start3A_342, %dma_start3A_343] : memref<10000x128xf32, #tpu.memory_space<hbm>> -> memref<10000x128xf32, #tpu.memory_space<hbm>>
      tpu.enqueue_indirect_dma source(%dma_start3A_344 : memref<10000x128xf32, #tpu.memory_space<hbm>>) target(%arg9 : memref<128x128xf32, #tpu.memory_space<vmem>>) offsets(%dma_start3A_341 : memref<128xi32, #tpu.memory_space<vmem>>) semaphore(%arg12 : memref<!tpu.dma_semaphore, #tpu.memory_space<semaphore_mem>>)
      %dma_wait3A_345 = arith.constant 11 : i32
      %dma_wait3A_346 = arith.constant 0 : i32
      %dma_wait3A_347 = tpu.memref_slice %arg7[%dma_wait3A_345, %dma_wait3A_346] : memref<16x128xi32, #tpu.memory_space<vmem>> -> memref<1x128xi32, #tpu.memory_space<vmem>>
      %dma_wait3A_348 = tpu.memref_squeeze %dma_wait3A_347 : memref<1x128xi32, #tpu.memory_space<vmem>> -> memref<128xi32, #tpu.memory_space<vmem>>
      %dma_wait3A_349 = arith.constant 0 : i32
      %dma_wait3A_350 = arith.constant 0 : i32
      %dma_wait3A_351 = tpu.memref_slice %arg2[%dma_wait3A_349, %dma_wait3A_350] : memref<10000x128xf32, #tpu.memory_space<hbm>> -> memref<10000x128xf32, #tpu.memory_space<hbm>>
      tpu.wait_indirect_dma semaphore(%arg13 : memref<!tpu.dma_semaphore, #tpu.memory_space<semaphore_mem>>) src(%dma_wait3A_351 : memref<10000x128xf32, #tpu.memory_space<hbm>>) dst(%arg10 : memref<128x128xf32, #tpu.memory_space<vmem>>)
      %dma_start3A_352 = arith.constant 11 : i32
      %dma_start3A_353 = arith.constant 0 : i32
      %dma_start3A_354 = tpu.memref_slice %arg8[%dma_start3A_352, %dma_start3A_353] : memref<16x128xi32, #tpu.memory_space<vmem>> -> memref<1x128xi32, #tpu.memory_space<vmem>>
      %dma_start3A_355 = tpu.memref_squeeze %dma_start3A_354 : memref<1x128xi32, #tpu.memory_space<vmem>> -> memref<128xi32, #tpu.memory_space<vmem>>
      %dma_start3A_356 = arith.constant 0 : i32
      %dma_start3A_357 = arith.constant 0 : i32
      %dma_start3A_358 = tpu.memref_slice %arg11[%dma_start3A_356, %dma_start3A_357] : memref<10240x128xf32, #tpu.memory_space<vmem_shared>> -> memref<10240x128xf32, #tpu.memory_space<vmem_shared>>
      tpu.enqueue_indirect_dma source(%arg10 : memref<128x128xf32, #tpu.memory_space<vmem>>) target(%dma_start3A_358 : memref<10240x128xf32, #tpu.memory_space<vmem_shared>>) offsets(%dma_start3A_355 : memref<128xi32, #tpu.memory_space<vmem>>) semaphore(%arg15 : memref<!tpu.dma_semaphore, #tpu.memory_space<semaphore_mem>>) {add = true}
      %dma_wait3A_359 = arith.constant 11 : i32
      %dma_wait3A_360 = arith.constant 0 : i32
      %dma_wait3A_361 = tpu.memref_slice %arg8[%dma_wait3A_359, %dma_wait3A_360] : memref<16x128xi32, #tpu.memory_space<vmem>> -> memref<1x128xi32, #tpu.memory_space<vmem>>
      %dma_wait3A_362 = tpu.memref_squeeze %dma_wait3A_361 : memref<1x128xi32, #tpu.memory_space<vmem>> -> memref<128xi32, #tpu.memory_space<vmem>>
      %dma_wait3A_363 = arith.constant 0 : i32
      %dma_wait3A_364 = arith.constant 0 : i32
      %dma_wait3A_365 = tpu.memref_slice %arg11[%dma_wait3A_363, %dma_wait3A_364] : memref<10240x128xf32, #tpu.memory_space<vmem_shared>> -> memref<10240x128xf32, #tpu.memory_space<vmem_shared>>
      tpu.wait_indirect_dma semaphore(%arg15 : memref<!tpu.dma_semaphore, #tpu.memory_space<semaphore_mem>>) src(%arg10 : memref<128x128xf32, #tpu.memory_space<vmem>>) dst(%dma_wait3A_365 : memref<10240x128xf32, #tpu.memory_space<vmem_shared>>)
      %dma_start3A_366 = arith.constant 13 : i32
      %dma_start3A_367 = arith.constant 0 : i32
      %dma_start3A_368 = tpu.memref_slice %arg7[%dma_start3A_366, %dma_start3A_367] : memref<16x128xi32, #tpu.memory_space<vmem>> -> memref<1x128xi32, #tpu.memory_space<vmem>>
      %dma_start3A_369 = tpu.memref_squeeze %dma_start3A_368 : memref<1x128xi32, #tpu.memory_space<vmem>> -> memref<128xi32, #tpu.memory_space<vmem>>
      %dma_start3A_370 = arith.constant 0 : i32
      %dma_start3A_371 = arith.constant 0 : i32
      %dma_start3A_372 = tpu.memref_slice %arg2[%dma_start3A_370, %dma_start3A_371] : memref<10000x128xf32, #tpu.memory_space<hbm>> -> memref<10000x128xf32, #tpu.memory_space<hbm>>
      tpu.enqueue_indirect_dma source(%dma_start3A_372 : memref<10000x128xf32, #tpu.memory_space<hbm>>) target(%arg10 : memref<128x128xf32, #tpu.memory_space<vmem>>) offsets(%dma_start3A_369 : memref<128xi32, #tpu.memory_space<vmem>>) semaphore(%arg13 : memref<!tpu.dma_semaphore, #tpu.memory_space<semaphore_mem>>)
      %dma_wait3A_373 = arith.constant 12 : i32
      %dma_wait3A_374 = arith.constant 0 : i32
      %dma_wait3A_375 = tpu.memref_slice %arg7[%dma_wait3A_373, %dma_wait3A_374] : memref<16x128xi32, #tpu.memory_space<vmem>> -> memref<1x128xi32, #tpu.memory_space<vmem>>
      %dma_wait3A_376 = tpu.memref_squeeze %dma_wait3A_375 : memref<1x128xi32, #tpu.memory_space<vmem>> -> memref<128xi32, #tpu.memory_space<vmem>>
      %dma_wait3A_377 = arith.constant 0 : i32
      %dma_wait3A_378 = arith.constant 0 : i32
      %dma_wait3A_379 = tpu.memref_slice %arg2[%dma_wait3A_377, %dma_wait3A_378] : memref<10000x128xf32, #tpu.memory_space<hbm>> -> memref<10000x128xf32, #tpu.memory_space<hbm>>
      tpu.wait_indirect_dma semaphore(%arg12 : memref<!tpu.dma_semaphore, #tpu.memory_space<semaphore_mem>>) src(%dma_wait3A_379 : memref<10000x128xf32, #tpu.memory_space<hbm>>) dst(%arg9 : memref<128x128xf32, #tpu.memory_space<vmem>>)
      %dma_start3A_380 = arith.constant 12 : i32
      %dma_start3A_381 = arith.constant 0 : i32
      %dma_start3A_382 = tpu.memref_slice %arg8[%dma_start3A_380, %dma_start3A_381] : memref<16x128xi32, #tpu.memory_space<vmem>> -> memref<1x128xi32, #tpu.memory_space<vmem>>
      %dma_start3A_383 = tpu.memref_squeeze %dma_start3A_382 : memref<1x128xi32, #tpu.memory_space<vmem>> -> memref<128xi32, #tpu.memory_space<vmem>>
      %dma_start3A_384 = arith.constant 0 : i32
      %dma_start3A_385 = arith.constant 0 : i32
      %dma_start3A_386 = tpu.memref_slice %arg11[%dma_start3A_384, %dma_start3A_385] : memref<10240x128xf32, #tpu.memory_space<vmem_shared>> -> memref<10240x128xf32, #tpu.memory_space<vmem_shared>>
      tpu.enqueue_indirect_dma source(%arg9 : memref<128x128xf32, #tpu.memory_space<vmem>>) target(%dma_start3A_386 : memref<10240x128xf32, #tpu.memory_space<vmem_shared>>) offsets(%dma_start3A_383 : memref<128xi32, #tpu.memory_space<vmem>>) semaphore(%arg14 : memref<!tpu.dma_semaphore, #tpu.memory_space<semaphore_mem>>) {add = true}
      %dma_wait3A_387 = arith.constant 12 : i32
      %dma_wait3A_388 = arith.constant 0 : i32
      %dma_wait3A_389 = tpu.memref_slice %arg8[%dma_wait3A_387, %dma_wait3A_388] : memref<16x128xi32, #tpu.memory_space<vmem>> -> memref<1x128xi32, #tpu.memory_space<vmem>>
      %dma_wait3A_390 = tpu.memref_squeeze %dma_wait3A_389 : memref<1x128xi32, #tpu.memory_space<vmem>> -> memref<128xi32, #tpu.memory_space<vmem>>
      %dma_wait3A_391 = arith.constant 0 : i32
      %dma_wait3A_392 = arith.constant 0 : i32
      %dma_wait3A_393 = tpu.memref_slice %arg11[%dma_wait3A_391, %dma_wait3A_392] : memref<10240x128xf32, #tpu.memory_space<vmem_shared>> -> memref<10240x128xf32, #tpu.memory_space<vmem_shared>>
      tpu.wait_indirect_dma semaphore(%arg14 : memref<!tpu.dma_semaphore, #tpu.memory_space<semaphore_mem>>) src(%arg9 : memref<128x128xf32, #tpu.memory_space<vmem>>) dst(%dma_wait3A_393 : memref<10240x128xf32, #tpu.memory_space<vmem_shared>>)
      %dma_start3A_394 = arith.constant 14 : i32
      %dma_start3A_395 = arith.constant 0 : i32
      %dma_start3A_396 = tpu.memref_slice %arg7[%dma_start3A_394, %dma_start3A_395] : memref<16x128xi32, #tpu.memory_space<vmem>> -> memref<1x128xi32, #tpu.memory_space<vmem>>
      %dma_start3A_397 = tpu.memref_squeeze %dma_start3A_396 : memref<1x128xi32, #tpu.memory_space<vmem>> -> memref<128xi32, #tpu.memory_space<vmem>>
      %dma_start3A_398 = arith.constant 0 : i32
      %dma_start3A_399 = arith.constant 0 : i32
      %dma_start3A_400 = tpu.memref_slice %arg2[%dma_start3A_398, %dma_start3A_399] : memref<10000x128xf32, #tpu.memory_space<hbm>> -> memref<10000x128xf32, #tpu.memory_space<hbm>>
      tpu.enqueue_indirect_dma source(%dma_start3A_400 : memref<10000x128xf32, #tpu.memory_space<hbm>>) target(%arg9 : memref<128x128xf32, #tpu.memory_space<vmem>>) offsets(%dma_start3A_397 : memref<128xi32, #tpu.memory_space<vmem>>) semaphore(%arg12 : memref<!tpu.dma_semaphore, #tpu.memory_space<semaphore_mem>>)
      %dma_wait3A_401 = arith.constant 13 : i32
      %dma_wait3A_402 = arith.constant 0 : i32
      %dma_wait3A_403 = tpu.memref_slice %arg7[%dma_wait3A_401, %dma_wait3A_402] : memref<16x128xi32, #tpu.memory_space<vmem>> -> memref<1x128xi32, #tpu.memory_space<vmem>>
      %dma_wait3A_404 = tpu.memref_squeeze %dma_wait3A_403 : memref<1x128xi32, #tpu.memory_space<vmem>> -> memref<128xi32, #tpu.memory_space<vmem>>
      %dma_wait3A_405 = arith.constant 0 : i32
      %dma_wait3A_406 = arith.constant 0 : i32
      %dma_wait3A_407 = tpu.memref_slice %arg2[%dma_wait3A_405, %dma_wait3A_406] : memref<10000x128xf32, #tpu.memory_space<hbm>> -> memref<10000x128xf32, #tpu.memory_space<hbm>>
      tpu.wait_indirect_dma semaphore(%arg13 : memref<!tpu.dma_semaphore, #tpu.memory_space<semaphore_mem>>) src(%dma_wait3A_407 : memref<10000x128xf32, #tpu.memory_space<hbm>>) dst(%arg10 : memref<128x128xf32, #tpu.memory_space<vmem>>)
      %dma_start3A_408 = arith.constant 13 : i32
      %dma_start3A_409 = arith.constant 0 : i32
      %dma_start3A_410 = tpu.memref_slice %arg8[%dma_start3A_408, %dma_start3A_409] : memref<16x128xi32, #tpu.memory_space<vmem>> -> memref<1x128xi32, #tpu.memory_space<vmem>>
      %dma_start3A_411 = tpu.memref_squeeze %dma_start3A_410 : memref<1x128xi32, #tpu.memory_space<vmem>> -> memref<128xi32, #tpu.memory_space<vmem>>
      %dma_start3A_412 = arith.constant 0 : i32
      %dma_start3A_413 = arith.constant 0 : i32
      %dma_start3A_414 = tpu.memref_slice %arg11[%dma_start3A_412, %dma_start3A_413] : memref<10240x128xf32, #tpu.memory_space<vmem_shared>> -> memref<10240x128xf32, #tpu.memory_space<vmem_shared>>
      tpu.enqueue_indirect_dma source(%arg10 : memref<128x128xf32, #tpu.memory_space<vmem>>) target(%dma_start3A_414 : memref<10240x128xf32, #tpu.memory_space<vmem_shared>>) offsets(%dma_start3A_411 : memref<128xi32, #tpu.memory_space<vmem>>) semaphore(%arg15 : memref<!tpu.dma_semaphore, #tpu.memory_space<semaphore_mem>>) {add = true}
      %dma_wait3A_415 = arith.constant 13 : i32
      %dma_wait3A_416 = arith.constant 0 : i32
      %dma_wait3A_417 = tpu.memref_slice %arg8[%dma_wait3A_415, %dma_wait3A_416] : memref<16x128xi32, #tpu.memory_space<vmem>> -> memref<1x128xi32, #tpu.memory_space<vmem>>
      %dma_wait3A_418 = tpu.memref_squeeze %dma_wait3A_417 : memref<1x128xi32, #tpu.memory_space<vmem>> -> memref<128xi32, #tpu.memory_space<vmem>>
      %dma_wait3A_419 = arith.constant 0 : i32
      %dma_wait3A_420 = arith.constant 0 : i32
      %dma_wait3A_421 = tpu.memref_slice %arg11[%dma_wait3A_419, %dma_wait3A_420] : memref<10240x128xf32, #tpu.memory_space<vmem_shared>> -> memref<10240x128xf32, #tpu.memory_space<vmem_shared>>
      tpu.wait_indirect_dma semaphore(%arg15 : memref<!tpu.dma_semaphore, #tpu.memory_space<semaphore_mem>>) src(%arg10 : memref<128x128xf32, #tpu.memory_space<vmem>>) dst(%dma_wait3A_421 : memref<10240x128xf32, #tpu.memory_space<vmem_shared>>)
      %dma_start3A_422 = arith.constant 15 : i32
      %dma_start3A_423 = arith.constant 0 : i32
      %dma_start3A_424 = tpu.memref_slice %arg7[%dma_start3A_422, %dma_start3A_423] : memref<16x128xi32, #tpu.memory_space<vmem>> -> memref<1x128xi32, #tpu.memory_space<vmem>>
      %dma_start3A_425 = tpu.memref_squeeze %dma_start3A_424 : memref<1x128xi32, #tpu.memory_space<vmem>> -> memref<128xi32, #tpu.memory_space<vmem>>
      %dma_start3A_426 = arith.constant 0 : i32
      %dma_start3A_427 = arith.constant 0 : i32
      %dma_start3A_428 = tpu.memref_slice %arg2[%dma_start3A_426, %dma_start3A_427] : memref<10000x128xf32, #tpu.memory_space<hbm>> -> memref<10000x128xf32, #tpu.memory_space<hbm>>
      tpu.enqueue_indirect_dma source(%dma_start3A_428 : memref<10000x128xf32, #tpu.memory_space<hbm>>) target(%arg10 : memref<128x128xf32, #tpu.memory_space<vmem>>) offsets(%dma_start3A_425 : memref<128xi32, #tpu.memory_space<vmem>>) semaphore(%arg13 : memref<!tpu.dma_semaphore, #tpu.memory_space<semaphore_mem>>)
      %dma_wait3A_429 = arith.constant 14 : i32
      %dma_wait3A_430 = arith.constant 0 : i32
      %dma_wait3A_431 = tpu.memref_slice %arg7[%dma_wait3A_429, %dma_wait3A_430] : memref<16x128xi32, #tpu.memory_space<vmem>> -> memref<1x128xi32, #tpu.memory_space<vmem>>
      %dma_wait3A_432 = tpu.memref_squeeze %dma_wait3A_431 : memref<1x128xi32, #tpu.memory_space<vmem>> -> memref<128xi32, #tpu.memory_space<vmem>>
      %dma_wait3A_433 = arith.constant 0 : i32
      %dma_wait3A_434 = arith.constant 0 : i32
      %dma_wait3A_435 = tpu.memref_slice %arg2[%dma_wait3A_433, %dma_wait3A_434] : memref<10000x128xf32, #tpu.memory_space<hbm>> -> memref<10000x128xf32, #tpu.memory_space<hbm>>
      tpu.wait_indirect_dma semaphore(%arg12 : memref<!tpu.dma_semaphore, #tpu.memory_space<semaphore_mem>>) src(%dma_wait3A_435 : memref<10000x128xf32, #tpu.memory_space<hbm>>) dst(%arg9 : memref<128x128xf32, #tpu.memory_space<vmem>>)
      %dma_start3A_436 = arith.constant 14 : i32
      %dma_start3A_437 = arith.constant 0 : i32
      %dma_start3A_438 = tpu.memref_slice %arg8[%dma_start3A_436, %dma_start3A_437] : memref<16x128xi32, #tpu.memory_space<vmem>> -> memref<1x128xi32, #tpu.memory_space<vmem>>
      %dma_start3A_439 = tpu.memref_squeeze %dma_start3A_438 : memref<1x128xi32, #tpu.memory_space<vmem>> -> memref<128xi32, #tpu.memory_space<vmem>>
      %dma_start3A_440 = arith.constant 0 : i32
      %dma_start3A_441 = arith.constant 0 : i32
      %dma_start3A_442 = tpu.memref_slice %arg11[%dma_start3A_440, %dma_start3A_441] : memref<10240x128xf32, #tpu.memory_space<vmem_shared>> -> memref<10240x128xf32, #tpu.memory_space<vmem_shared>>
      tpu.enqueue_indirect_dma source(%arg9 : memref<128x128xf32, #tpu.memory_space<vmem>>) target(%dma_start3A_442 : memref<10240x128xf32, #tpu.memory_space<vmem_shared>>) offsets(%dma_start3A_439 : memref<128xi32, #tpu.memory_space<vmem>>) semaphore(%arg14 : memref<!tpu.dma_semaphore, #tpu.memory_space<semaphore_mem>>) {add = true}
      %dma_wait3A_443 = arith.constant 15 : i32
      %dma_wait3A_444 = arith.constant 0 : i32
      %dma_wait3A_445 = tpu.memref_slice %arg7[%dma_wait3A_443, %dma_wait3A_444] : memref<16x128xi32, #tpu.memory_space<vmem>> -> memref<1x128xi32, #tpu.memory_space<vmem>>
      %dma_wait3A_446 = tpu.memref_squeeze %dma_wait3A_445 : memref<1x128xi32, #tpu.memory_space<vmem>> -> memref<128xi32, #tpu.memory_space<vmem>>
      %dma_wait3A_447 = arith.constant 0 : i32
      %dma_wait3A_448 = arith.constant 0 : i32
      %dma_wait3A_449 = tpu.memref_slice %arg2[%dma_wait3A_447, %dma_wait3A_448] : memref<10000x128xf32, #tpu.memory_space<hbm>> -> memref<10000x128xf32, #tpu.memory_space<hbm>>
      tpu.wait_indirect_dma semaphore(%arg13 : memref<!tpu.dma_semaphore, #tpu.memory_space<semaphore_mem>>) src(%dma_wait3A_449 : memref<10000x128xf32, #tpu.memory_space<hbm>>) dst(%arg10 : memref<128x128xf32, #tpu.memory_space<vmem>>)
      %dma_start3A_450 = arith.constant 15 : i32
      %dma_start3A_451 = arith.constant 0 : i32
      %dma_start3A_452 = tpu.memref_slice %arg8[%dma_start3A_450, %dma_start3A_451] : memref<16x128xi32, #tpu.memory_space<vmem>> -> memref<1x128xi32, #tpu.memory_space<vmem>>
      %dma_start3A_453 = tpu.memref_squeeze %dma_start3A_452 : memref<1x128xi32, #tpu.memory_space<vmem>> -> memref<128xi32, #tpu.memory_space<vmem>>
      %dma_start3A_454 = arith.constant 0 : i32
      %dma_start3A_455 = arith.constant 0 : i32
      %dma_start3A_456 = tpu.memref_slice %arg11[%dma_start3A_454, %dma_start3A_455] : memref<10240x128xf32, #tpu.memory_space<vmem_shared>> -> memref<10240x128xf32, #tpu.memory_space<vmem_shared>>
      tpu.enqueue_indirect_dma source(%arg10 : memref<128x128xf32, #tpu.memory_space<vmem>>) target(%dma_start3A_456 : memref<10240x128xf32, #tpu.memory_space<vmem_shared>>) offsets(%dma_start3A_453 : memref<128xi32, #tpu.memory_space<vmem>>) semaphore(%arg15 : memref<!tpu.dma_semaphore, #tpu.memory_space<semaphore_mem>>) {add = true}
      %dma_wait3A_457 = arith.constant 14 : i32
      %dma_wait3A_458 = arith.constant 0 : i32
      %dma_wait3A_459 = tpu.memref_slice %arg8[%dma_wait3A_457, %dma_wait3A_458] : memref<16x128xi32, #tpu.memory_space<vmem>> -> memref<1x128xi32, #tpu.memory_space<vmem>>
      %dma_wait3A_460 = tpu.memref_squeeze %dma_wait3A_459 : memref<1x128xi32, #tpu.memory_space<vmem>> -> memref<128xi32, #tpu.memory_space<vmem>>
      %dma_wait3A_461 = arith.constant 0 : i32
      %dma_wait3A_462 = arith.constant 0 : i32
      %dma_wait3A_463 = tpu.memref_slice %arg11[%dma_wait3A_461, %dma_wait3A_462] : memref<10240x128xf32, #tpu.memory_space<vmem_shared>> -> memref<10240x128xf32, #tpu.memory_space<vmem_shared>>
      tpu.wait_indirect_dma semaphore(%arg14 : memref<!tpu.dma_semaphore, #tpu.memory_space<semaphore_mem>>) src(%arg9 : memref<128x128xf32, #tpu.memory_space<vmem>>) dst(%dma_wait3A_463 : memref<10240x128xf32, #tpu.memory_space<vmem_shared>>)
      %dma_wait3A_464 = arith.constant 15 : i32
      %dma_wait3A_465 = arith.constant 0 : i32
      %dma_wait3A_466 = tpu.memref_slice %arg8[%dma_wait3A_464, %dma_wait3A_465] : memref<16x128xi32, #tpu.memory_space<vmem>> -> memref<1x128xi32, #tpu.memory_space<vmem>>
      %dma_wait3A_467 = tpu.memref_squeeze %dma_wait3A_466 : memref<1x128xi32, #tpu.memory_space<vmem>> -> memref<128xi32, #tpu.memory_space<vmem>>
      %dma_wait3A_468 = arith.constant 0 : i32
      %dma_wait3A_469 = arith.constant 0 : i32
      %dma_wait3A_470 = tpu.memref_slice %arg11[%dma_wait3A_468, %dma_wait3A_469] : memref<10240x128xf32, #tpu.memory_space<vmem_shared>> -> memref<10240x128xf32, #tpu.memory_space<vmem_shared>>
      tpu.wait_indirect_dma semaphore(%arg15 : memref<!tpu.dma_semaphore, #tpu.memory_space<semaphore_mem>>) src(%arg10 : memref<128x128xf32, #tpu.memory_space<vmem>>) dst(%dma_wait3A_470 : memref<10240x128xf32, #tpu.memory_space<vmem_shared>>)
    }
    %scan3A_6 = arith.constant 5 : i32
    %barrier3A_7 = arith.constant 0 : index
    tpu.barrier barrier_id(%barrier3A_7)
    %mul3A_8 = arith.constant 10240 : i32
    %mul3A_9 = arith.muli %arg0, %mul3A_8 : i32
    %mul3A_10 = arith.constant 640 : i32
    %mul3A_11 = arith.muli %arg1, %mul3A_10 : i32
    %add3A_12 = arith.addi %mul3A_9, %mul3A_11 : i32
    %mul3A_13 = arith.constant 640 : i32
    %mul3A_14 = arith.muli %arg1, %mul3A_13 : i32
    "tpu.region"() ({
      %run_scoped3A = tpu.sem_alloc : memref<!tpu.dma_semaphore, #tpu.memory_space<semaphore_mem>>
      %dma_start3A = arith.constant 0 : i32
      %dma_start3A_15 = tpu.memref_slice %arg6[%add3A_12, %dma_start3A] : memref<20480x128xf32, #tpu.memory_space<hbm>> -> memref<640x128xf32, #tpu.memory_space<hbm>>
      %dma_start3A_16 = arith.constant 0 : i32
      %dma_start3A_17 = tpu.memref_slice %arg11[%mul3A_14, %dma_start3A_16] : memref<10240x128xf32, #tpu.memory_space<vmem_shared>> -> memref<640x128xf32, #tpu.memory_space<vmem_shared>>
      tpu.enqueue_dma source(%dma_start3A_17 : memref<640x128xf32, #tpu.memory_space<vmem_shared>>) target(%dma_start3A_15 : memref<640x128xf32, #tpu.memory_space<hbm>>) target_semaphore(%run_scoped3A : memref<!tpu.dma_semaphore, #tpu.memory_space<semaphore_mem>>)
      %dma_wait3A = arith.constant 0 : i32
      %dma_wait3A_18 = tpu.memref_slice %arg6[%add3A_12, %dma_wait3A] : memref<20480x128xf32, #tpu.memory_space<hbm>> -> memref<640x128xf32, #tpu.memory_space<hbm>>
      %dma_wait3A_19 = arith.constant 0 : i32
      %dma_wait3A_20 = tpu.memref_slice %arg11[%mul3A_14, %dma_wait3A_19] : memref<10240x128xf32, #tpu.memory_space<vmem_shared>> -> memref<640x128xf32, #tpu.memory_space<vmem_shared>>
      tpu.wait_dma2 semaphore(%run_scoped3A : memref<!tpu.dma_semaphore, #tpu.memory_space<semaphore_mem>>) src(%dma_wait3A_20 : memref<640x128xf32, #tpu.memory_space<vmem_shared>>) dst(%dma_wait3A_18 : memref<640x128xf32, #tpu.memory_space<hbm>>)
      tpu.yield
    }) : () -> ()
    return
  }
}

#map = affine_map<(d0, d1) -> (0, 0)>
module attributes {stable_mosaic.version = 14 : i64} {
  func.func @_sc_segsum_body(%arg0: i32, %arg1: i32, %arg2: memref<10000x128xf32, #tpu.memory_space<hbm>>, %arg3: memref<2560x128xi32, #tpu.memory_space<hbm>>, %arg4: memref<2560x128xi32, #tpu.memory_space<hbm>>, %arg5: memref<640x128xf32, #tpu.memory_space<hbm>>, %arg6: memref<20480x128xf32, #tpu.memory_space<hbm>>, %arg7: memref<16x128xi32, #tpu.memory_space<vmem>>, %arg8: memref<16x128xi32, #tpu.memory_space<vmem>>, %arg9: memref<128x128xf32, #tpu.memory_space<vmem>>, %arg10: memref<128x128xf32, #tpu.memory_space<vmem>>, %arg11: memref<10240x128xf32, #tpu.memory_space<vmem_shared>>, %arg12: memref<!tpu.dma_semaphore, #tpu.memory_space<semaphore_mem>>, %arg13: memref<!tpu.dma_semaphore, #tpu.memory_space<semaphore_mem>>, %arg14: memref<!tpu.dma_semaphore, #tpu.memory_space<semaphore_mem>>, %arg15: memref<!tpu.dma_semaphore, #tpu.memory_space<semaphore_mem>>) attributes {dimension_semantics = [#tpu.dimension_semantics<core_parallel>, #tpu.dimension_semantics<subcore_parallel>], iteration_bounds = array<i64: 2, 16>, scalar_prefetch = 0 : i64, scratch_operands = 9 : i64, tpu.core_type = #tpu.core_type<sc_vector_subcore>, window_params = [{transform_indices = #map}, {transform_indices = #map}, {transform_indices = #map}, {transform_indices = #map}, {transform_indices = #map}]} {
    %mul3A = arith.constant 16 : i32
    %mul3A_0 = arith.muli %arg0, %mul3A : i32
    %add3A = arith.addi %mul3A_0, %arg1 : i32
    %mul3A_1 = arith.constant 640 : i32
    %mul3A_2 = arith.muli %arg1, %mul3A_1 : i32
    "tpu.region"() ({
      %run_scoped3A = tpu.sem_alloc : memref<!tpu.dma_semaphore, #tpu.memory_space<semaphore_mem>>
      %dma_start3A = arith.constant 0 : i32
      %dma_start3A_15 = tpu.memref_slice %arg11[%mul3A_2, %dma_start3A] : memref<10240x128xf32, #tpu.memory_space<vmem_shared>> -> memref<640x128xf32, #tpu.memory_space<vmem_shared>>
      tpu.enqueue_dma source(%arg5 : memref<640x128xf32, #tpu.memory_space<hbm>>) target(%dma_start3A_15 : memref<640x128xf32, #tpu.memory_space<vmem_shared>>) target_semaphore(%run_scoped3A : memref<!tpu.dma_semaphore, #tpu.memory_space<semaphore_mem>>)
      %dma_wait3A = arith.constant 0 : i32
      %dma_wait3A_16 = tpu.memref_slice %arg11[%mul3A_2, %dma_wait3A] : memref<10240x128xf32, #tpu.memory_space<vmem_shared>> -> memref<640x128xf32, #tpu.memory_space<vmem_shared>>
      tpu.wait_dma2 semaphore(%run_scoped3A : memref<!tpu.dma_semaphore, #tpu.memory_space<semaphore_mem>>) src(%arg5 : memref<640x128xf32, #tpu.memory_space<hbm>>) dst(%dma_wait3A_16 : memref<640x128xf32, #tpu.memory_space<vmem_shared>>)
      tpu.yield
    }) : () -> ()
    %barrier3A = arith.constant 0 : index
    tpu.barrier barrier_id(%barrier3A)
    %scan3A = arith.constant 0 : i32
    %scan3A_3 = arith.constant 5 : i32
    %scan3A_4 = arith.addi %scan3A, %scan3A_3 : i32
    %scan3A_5 = arith.constant 1 : i32
    scf.for %scan3A_15 = %scan3A to %scan3A_4 step %scan3A_5  : i32 {
      %mul3A_16 = arith.constant 1 : i32
      %mul3A_17 = arith.muli %scan3A_15, %mul3A_16 : i32
      %add3A_18 = arith.constant 0 : i32
      %add3A_19 = arith.addi %add3A_18, %mul3A_17 : i32
      %mul3A_20 = arith.constant 80 : i32
      %mul3A_21 = arith.muli %add3A, %mul3A_20 : i32
      %mul3A_22 = arith.constant 16 : i32
      %mul3A_23 = arith.muli %add3A_19, %mul3A_22 : i32
      %add3A_24 = arith.addi %mul3A_21, %mul3A_23 : i32
      "tpu.region"() ({
        %run_scoped3A = tpu.sem_alloc : memref<!tpu.dma_semaphore, #tpu.memory_space<semaphore_mem>>
        %dma_start3A_471 = arith.constant 0 : i32
        %dma_start3A_472 = tpu.memref_slice %arg3[%add3A_24, %dma_start3A_471] : memref<2560x128xi32, #tpu.memory_space<hbm>> -> memref<16x128xi32, #tpu.memory_space<hbm>>
        %dma_start3A_473 = arith.constant 0 : i32
        %dma_start3A_474 = tpu.memref_slice %arg3[%add3A_24, %dma_start3A_473] : memref<2560x128xi32, #tpu.memory_space<hbm>> -> memref<16x128xi32, #tpu.memory_space<hbm>>
        tpu.enqueue_dma source(%dma_start3A_474 : memref<16x128xi32, #tpu.memory_space<hbm>>) target(%arg7 : memref<16x128xi32, #tpu.memory_space<vmem>>) target_semaphore(%run_scoped3A : memref<!tpu.dma_semaphore, #tpu.memory_space<semaphore_mem>>)
        %dma_wait3A_475 = arith.constant 0 : i32
        %dma_wait3A_476 = tpu.memref_slice %arg3[%add3A_24, %dma_wait3A_475] : memref<2560x128xi32, #tpu.memory_space<hbm>> -> memref<16x128xi32, #tpu.memory_space<hbm>>
        %dma_wait3A_477 = arith.constant 0 : i32
        %dma_wait3A_478 = tpu.memref_slice %arg3[%add3A_24, %dma_wait3A_477] : memref<2560x128xi32, #tpu.memory_space<hbm>> -> memref<16x128xi32, #tpu.memory_space<hbm>>
        tpu.wait_dma2 semaphore(%run_scoped3A : memref<!tpu.dma_semaphore, #tpu.memory_space<semaphore_mem>>) src(%dma_wait3A_478 : memref<16x128xi32, #tpu.memory_space<hbm>>) dst(%arg7 : memref<16x128xi32, #tpu.memory_space<vmem>>)
        tpu.yield
      }) : () -> ()
      %dma_start3A = arith.constant 0 : i32
      %dma_start3A_25 = arith.constant 0 : i32
      %dma_start3A_26 = tpu.memref_slice %arg7[%dma_start3A, %dma_start3A_25] : memref<16x128xi32, #tpu.memory_space<vmem>> -> memref<1x128xi32, #tpu.memory_space<vmem>>
      %dma_start3A_27 = tpu.memref_squeeze %dma_start3A_26 : memref<1x128xi32, #tpu.memory_space<vmem>> -> memref<128xi32, #tpu.memory_space<vmem>>
      %dma_start3A_28 = arith.constant 0 : i32
      %dma_start3A_29 = arith.constant 0 : i32
      %dma_start3A_30 = tpu.memref_slice %arg2[%dma_start3A_28, %dma_start3A_29] : memref<10000x128xf32, #tpu.memory_space<hbm>> -> memref<10000x128xf32, #tpu.memory_space<hbm>>
      tpu.enqueue_indirect_dma source(%dma_start3A_30 : memref<10000x128xf32, #tpu.memory_space<hbm>>) target(%arg9 : memref<128x128xf32, #tpu.memory_space<vmem>>) offsets(%dma_start3A_27 : memref<128xi32, #tpu.memory_space<vmem>>) semaphore(%arg12 : memref<!tpu.dma_semaphore, #tpu.memory_space<semaphore_mem>>)
      "tpu.region"() ({
        %run_scoped3A = tpu.sem_alloc : memref<!tpu.dma_semaphore, #tpu.memory_space<semaphore_mem>>
        %dma_start3A_471 = arith.constant 0 : i32
        %dma_start3A_472 = tpu.memref_slice %arg4[%add3A_24, %dma_start3A_471] : memref<2560x128xi32, #tpu.memory_space<hbm>> -> memref<16x128xi32, #tpu.memory_space<hbm>>
        %dma_start3A_473 = arith.constant 0 : i32
        %dma_start3A_474 = tpu.memref_slice %arg4[%add3A_24, %dma_start3A_473] : memref<2560x128xi32, #tpu.memory_space<hbm>> -> memref<16x128xi32, #tpu.memory_space<hbm>>
        tpu.enqueue_dma source(%dma_start3A_474 : memref<16x128xi32, #tpu.memory_space<hbm>>) target(%arg8 : memref<16x128xi32, #tpu.memory_space<vmem>>) target_semaphore(%run_scoped3A : memref<!tpu.dma_semaphore, #tpu.memory_space<semaphore_mem>>)
        %dma_wait3A_475 = arith.constant 0 : i32
        %dma_wait3A_476 = tpu.memref_slice %arg4[%add3A_24, %dma_wait3A_475] : memref<2560x128xi32, #tpu.memory_space<hbm>> -> memref<16x128xi32, #tpu.memory_space<hbm>>
        %dma_wait3A_477 = arith.constant 0 : i32
        %dma_wait3A_478 = tpu.memref_slice %arg4[%add3A_24, %dma_wait3A_477] : memref<2560x128xi32, #tpu.memory_space<hbm>> -> memref<16x128xi32, #tpu.memory_space<hbm>>
        tpu.wait_dma2 semaphore(%run_scoped3A : memref<!tpu.dma_semaphore, #tpu.memory_space<semaphore_mem>>) src(%dma_wait3A_478 : memref<16x128xi32, #tpu.memory_space<hbm>>) dst(%arg8 : memref<16x128xi32, #tpu.memory_space<vmem>>)
        tpu.yield
      }) : () -> ()
      %dma_start3A_31 = arith.constant 1 : i32
      %dma_start3A_32 = arith.constant 0 : i32
      %dma_start3A_33 = tpu.memref_slice %arg7[%dma_start3A_31, %dma_start3A_32] : memref<16x128xi32, #tpu.memory_space<vmem>> -> memref<1x128xi32, #tpu.memory_space<vmem>>
      %dma_start3A_34 = tpu.memref_squeeze %dma_start3A_33 : memref<1x128xi32, #tpu.memory_space<vmem>> -> memref<128xi32, #tpu.memory_space<vmem>>
      %dma_start3A_35 = arith.constant 0 : i32
      %dma_start3A_36 = arith.constant 0 : i32
      %dma_start3A_37 = tpu.memref_slice %arg2[%dma_start3A_35, %dma_start3A_36] : memref<10000x128xf32, #tpu.memory_space<hbm>> -> memref<10000x128xf32, #tpu.memory_space<hbm>>
      tpu.enqueue_indirect_dma source(%dma_start3A_37 : memref<10000x128xf32, #tpu.memory_space<hbm>>) target(%arg10 : memref<128x128xf32, #tpu.memory_space<vmem>>) offsets(%dma_start3A_34 : memref<128xi32, #tpu.memory_space<vmem>>) semaphore(%arg13 : memref<!tpu.dma_semaphore, #tpu.memory_space<semaphore_mem>>)
      %dma_wait3A = arith.constant 0 : i32
      %dma_wait3A_38 = arith.constant 0 : i32
      %dma_wait3A_39 = tpu.memref_slice %arg7[%dma_wait3A, %dma_wait3A_38] : memref<16x128xi32, #tpu.memory_space<vmem>> -> memref<1x128xi32, #tpu.memory_space<vmem>>
      %dma_wait3A_40 = tpu.memref_squeeze %dma_wait3A_39 : memref<1x128xi32, #tpu.memory_space<vmem>> -> memref<128xi32, #tpu.memory_space<vmem>>
      %dma_wait3A_41 = arith.constant 0 : i32
      %dma_wait3A_42 = arith.constant 0 : i32
      %dma_wait3A_43 = tpu.memref_slice %arg2[%dma_wait3A_41, %dma_wait3A_42] : memref<10000x128xf32, #tpu.memory_space<hbm>> -> memref<10000x128xf32, #tpu.memory_space<hbm>>
      tpu.wait_indirect_dma semaphore(%arg12 : memref<!tpu.dma_semaphore, #tpu.memory_space<semaphore_mem>>) src(%dma_wait3A_43 : memref<10000x128xf32, #tpu.memory_space<hbm>>) dst(%arg9 : memref<128x128xf32, #tpu.memory_space<vmem>>)
      %dma_start3A_44 = arith.constant 0 : i32
      %dma_start3A_45 = arith.constant 0 : i32
      %dma_start3A_46 = tpu.memref_slice %arg8[%dma_start3A_44, %dma_start3A_45] : memref<16x128xi32, #tpu.memory_space<vmem>> -> memref<1x128xi32, #tpu.memory_space<vmem>>
      %dma_start3A_47 = tpu.memref_squeeze %dma_start3A_46 : memref<1x128xi32, #tpu.memory_space<vmem>> -> memref<128xi32, #tpu.memory_space<vmem>>
      %dma_start3A_48 = arith.constant 0 : i32
      %dma_start3A_49 = arith.constant 0 : i32
      %dma_start3A_50 = tpu.memref_slice %arg11[%dma_start3A_48, %dma_start3A_49] : memref<10240x128xf32, #tpu.memory_space<vmem_shared>> -> memref<10240x128xf32, #tpu.memory_space<vmem_shared>>
      tpu.enqueue_indirect_dma source(%arg9 : memref<128x128xf32, #tpu.memory_space<vmem>>) target(%dma_start3A_50 : memref<10240x128xf32, #tpu.memory_space<vmem_shared>>) offsets(%dma_start3A_47 : memref<128xi32, #tpu.memory_space<vmem>>) semaphore(%arg14 : memref<!tpu.dma_semaphore, #tpu.memory_space<semaphore_mem>>) {add = true}
      %dma_wait3A_51 = arith.constant 0 : i32
      %dma_wait3A_52 = arith.constant 0 : i32
      %dma_wait3A_53 = tpu.memref_slice %arg8[%dma_wait3A_51, %dma_wait3A_52] : memref<16x128xi32, #tpu.memory_space<vmem>> -> memref<1x128xi32, #tpu.memory_space<vmem>>
      %dma_wait3A_54 = tpu.memref_squeeze %dma_wait3A_53 : memref<1x128xi32, #tpu.memory_space<vmem>> -> memref<128xi32, #tpu.memory_space<vmem>>
      %dma_wait3A_55 = arith.constant 0 : i32
      %dma_wait3A_56 = arith.constant 0 : i32
      %dma_wait3A_57 = tpu.memref_slice %arg11[%dma_wait3A_55, %dma_wait3A_56] : memref<10240x128xf32, #tpu.memory_space<vmem_shared>> -> memref<10240x128xf32, #tpu.memory_space<vmem_shared>>
      tpu.wait_indirect_dma semaphore(%arg14 : memref<!tpu.dma_semaphore, #tpu.memory_space<semaphore_mem>>) src(%arg9 : memref<128x128xf32, #tpu.memory_space<vmem>>) dst(%dma_wait3A_57 : memref<10240x128xf32, #tpu.memory_space<vmem_shared>>)
      %dma_start3A_58 = arith.constant 2 : i32
      %dma_start3A_59 = arith.constant 0 : i32
      %dma_start3A_60 = tpu.memref_slice %arg7[%dma_start3A_58, %dma_start3A_59] : memref<16x128xi32, #tpu.memory_space<vmem>> -> memref<1x128xi32, #tpu.memory_space<vmem>>
      %dma_start3A_61 = tpu.memref_squeeze %dma_start3A_60 : memref<1x128xi32, #tpu.memory_space<vmem>> -> memref<128xi32, #tpu.memory_space<vmem>>
      %dma_start3A_62 = arith.constant 0 : i32
      %dma_start3A_63 = arith.constant 0 : i32
      %dma_start3A_64 = tpu.memref_slice %arg2[%dma_start3A_62, %dma_start3A_63] : memref<10000x128xf32, #tpu.memory_space<hbm>> -> memref<10000x128xf32, #tpu.memory_space<hbm>>
      tpu.enqueue_indirect_dma source(%dma_start3A_64 : memref<10000x128xf32, #tpu.memory_space<hbm>>) target(%arg9 : memref<128x128xf32, #tpu.memory_space<vmem>>) offsets(%dma_start3A_61 : memref<128xi32, #tpu.memory_space<vmem>>) semaphore(%arg12 : memref<!tpu.dma_semaphore, #tpu.memory_space<semaphore_mem>>)
      %dma_wait3A_65 = arith.constant 1 : i32
      %dma_wait3A_66 = arith.constant 0 : i32
      %dma_wait3A_67 = tpu.memref_slice %arg7[%dma_wait3A_65, %dma_wait3A_66] : memref<16x128xi32, #tpu.memory_space<vmem>> -> memref<1x128xi32, #tpu.memory_space<vmem>>
      %dma_wait3A_68 = tpu.memref_squeeze %dma_wait3A_67 : memref<1x128xi32, #tpu.memory_space<vmem>> -> memref<128xi32, #tpu.memory_space<vmem>>
      %dma_wait3A_69 = arith.constant 0 : i32
      %dma_wait3A_70 = arith.constant 0 : i32
      %dma_wait3A_71 = tpu.memref_slice %arg2[%dma_wait3A_69, %dma_wait3A_70] : memref<10000x128xf32, #tpu.memory_space<hbm>> -> memref<10000x128xf32, #tpu.memory_space<hbm>>
      tpu.wait_indirect_dma semaphore(%arg13 : memref<!tpu.dma_semaphore, #tpu.memory_space<semaphore_mem>>) src(%dma_wait3A_71 : memref<10000x128xf32, #tpu.memory_space<hbm>>) dst(%arg10 : memref<128x128xf32, #tpu.memory_space<vmem>>)
      %dma_start3A_72 = arith.constant 1 : i32
      %dma_start3A_73 = arith.constant 0 : i32
      %dma_start3A_74 = tpu.memref_slice %arg8[%dma_start3A_72, %dma_start3A_73] : memref<16x128xi32, #tpu.memory_space<vmem>> -> memref<1x128xi32, #tpu.memory_space<vmem>>
      %dma_start3A_75 = tpu.memref_squeeze %dma_start3A_74 : memref<1x128xi32, #tpu.memory_space<vmem>> -> memref<128xi32, #tpu.memory_space<vmem>>
      %dma_start3A_76 = arith.constant 0 : i32
      %dma_start3A_77 = arith.constant 0 : i32
      %dma_start3A_78 = tpu.memref_slice %arg11[%dma_start3A_76, %dma_start3A_77] : memref<10240x128xf32, #tpu.memory_space<vmem_shared>> -> memref<10240x128xf32, #tpu.memory_space<vmem_shared>>
      tpu.enqueue_indirect_dma source(%arg10 : memref<128x128xf32, #tpu.memory_space<vmem>>) target(%dma_start3A_78 : memref<10240x128xf32, #tpu.memory_space<vmem_shared>>) offsets(%dma_start3A_75 : memref<128xi32, #tpu.memory_space<vmem>>) semaphore(%arg15 : memref<!tpu.dma_semaphore, #tpu.memory_space<semaphore_mem>>) {add = true}
      %dma_wait3A_79 = arith.constant 1 : i32
      %dma_wait3A_80 = arith.constant 0 : i32
      %dma_wait3A_81 = tpu.memref_slice %arg8[%dma_wait3A_79, %dma_wait3A_80] : memref<16x128xi32, #tpu.memory_space<vmem>> -> memref<1x128xi32, #tpu.memory_space<vmem>>
      %dma_wait3A_82 = tpu.memref_squeeze %dma_wait3A_81 : memref<1x128xi32, #tpu.memory_space<vmem>> -> memref<128xi32, #tpu.memory_space<vmem>>
      %dma_wait3A_83 = arith.constant 0 : i32
      %dma_wait3A_84 = arith.constant 0 : i32
      %dma_wait3A_85 = tpu.memref_slice %arg11[%dma_wait3A_83, %dma_wait3A_84] : memref<10240x128xf32, #tpu.memory_space<vmem_shared>> -> memref<10240x128xf32, #tpu.memory_space<vmem_shared>>
      tpu.wait_indirect_dma semaphore(%arg15 : memref<!tpu.dma_semaphore, #tpu.memory_space<semaphore_mem>>) src(%arg10 : memref<128x128xf32, #tpu.memory_space<vmem>>) dst(%dma_wait3A_85 : memref<10240x128xf32, #tpu.memory_space<vmem_shared>>)
      %dma_start3A_86 = arith.constant 3 : i32
      %dma_start3A_87 = arith.constant 0 : i32
      %dma_start3A_88 = tpu.memref_slice %arg7[%dma_start3A_86, %dma_start3A_87] : memref<16x128xi32, #tpu.memory_space<vmem>> -> memref<1x128xi32, #tpu.memory_space<vmem>>
      %dma_start3A_89 = tpu.memref_squeeze %dma_start3A_88 : memref<1x128xi32, #tpu.memory_space<vmem>> -> memref<128xi32, #tpu.memory_space<vmem>>
      %dma_start3A_90 = arith.constant 0 : i32
      %dma_start3A_91 = arith.constant 0 : i32
      %dma_start3A_92 = tpu.memref_slice %arg2[%dma_start3A_90, %dma_start3A_91] : memref<10000x128xf32, #tpu.memory_space<hbm>> -> memref<10000x128xf32, #tpu.memory_space<hbm>>
      tpu.enqueue_indirect_dma source(%dma_start3A_92 : memref<10000x128xf32, #tpu.memory_space<hbm>>) target(%arg10 : memref<128x128xf32, #tpu.memory_space<vmem>>) offsets(%dma_start3A_89 : memref<128xi32, #tpu.memory_space<vmem>>) semaphore(%arg13 : memref<!tpu.dma_semaphore, #tpu.memory_space<semaphore_mem>>)
      %dma_wait3A_93 = arith.constant 2 : i32
      %dma_wait3A_94 = arith.constant 0 : i32
      %dma_wait3A_95 = tpu.memref_slice %arg7[%dma_wait3A_93, %dma_wait3A_94] : memref<16x128xi32, #tpu.memory_space<vmem>> -> memref<1x128xi32, #tpu.memory_space<vmem>>
      %dma_wait3A_96 = tpu.memref_squeeze %dma_wait3A_95 : memref<1x128xi32, #tpu.memory_space<vmem>> -> memref<128xi32, #tpu.memory_space<vmem>>
      %dma_wait3A_97 = arith.constant 0 : i32
      %dma_wait3A_98 = arith.constant 0 : i32
      %dma_wait3A_99 = tpu.memref_slice %arg2[%dma_wait3A_97, %dma_wait3A_98] : memref<10000x128xf32, #tpu.memory_space<hbm>> -> memref<10000x128xf32, #tpu.memory_space<hbm>>
      tpu.wait_indirect_dma semaphore(%arg12 : memref<!tpu.dma_semaphore, #tpu.memory_space<semaphore_mem>>) src(%dma_wait3A_99 : memref<10000x128xf32, #tpu.memory_space<hbm>>) dst(%arg9 : memref<128x128xf32, #tpu.memory_space<vmem>>)
      %dma_start3A_100 = arith.constant 2 : i32
      %dma_start3A_101 = arith.constant 0 : i32
      %dma_start3A_102 = tpu.memref_slice %arg8[%dma_start3A_100, %dma_start3A_101] : memref<16x128xi32, #tpu.memory_space<vmem>> -> memref<1x128xi32, #tpu.memory_space<vmem>>
      %dma_start3A_103 = tpu.memref_squeeze %dma_start3A_102 : memref<1x128xi32, #tpu.memory_space<vmem>> -> memref<128xi32, #tpu.memory_space<vmem>>
      %dma_start3A_104 = arith.constant 0 : i32
      %dma_start3A_105 = arith.constant 0 : i32
      %dma_start3A_106 = tpu.memref_slice %arg11[%dma_start3A_104, %dma_start3A_105] : memref<10240x128xf32, #tpu.memory_space<vmem_shared>> -> memref<10240x128xf32, #tpu.memory_space<vmem_shared>>
      tpu.enqueue_indirect_dma source(%arg9 : memref<128x128xf32, #tpu.memory_space<vmem>>) target(%dma_start3A_106 : memref<10240x128xf32, #tpu.memory_space<vmem_shared>>) offsets(%dma_start3A_103 : memref<128xi32, #tpu.memory_space<vmem>>) semaphore(%arg14 : memref<!tpu.dma_semaphore, #tpu.memory_space<semaphore_mem>>) {add = true}
      %dma_wait3A_107 = arith.constant 2 : i32
      %dma_wait3A_108 = arith.constant 0 : i32
      %dma_wait3A_109 = tpu.memref_slice %arg8[%dma_wait3A_107, %dma_wait3A_108] : memref<16x128xi32, #tpu.memory_space<vmem>> -> memref<1x128xi32, #tpu.memory_space<vmem>>
      %dma_wait3A_110 = tpu.memref_squeeze %dma_wait3A_109 : memref<1x128xi32, #tpu.memory_space<vmem>> -> memref<128xi32, #tpu.memory_space<vmem>>
      %dma_wait3A_111 = arith.constant 0 : i32
      %dma_wait3A_112 = arith.constant 0 : i32
      %dma_wait3A_113 = tpu.memref_slice %arg11[%dma_wait3A_111, %dma_wait3A_112] : memref<10240x128xf32, #tpu.memory_space<vmem_shared>> -> memref<10240x128xf32, #tpu.memory_space<vmem_shared>>
      tpu.wait_indirect_dma semaphore(%arg14 : memref<!tpu.dma_semaphore, #tpu.memory_space<semaphore_mem>>) src(%arg9 : memref<128x128xf32, #tpu.memory_space<vmem>>) dst(%dma_wait3A_113 : memref<10240x128xf32, #tpu.memory_space<vmem_shared>>)
      %dma_start3A_114 = arith.constant 4 : i32
      %dma_start3A_115 = arith.constant 0 : i32
      %dma_start3A_116 = tpu.memref_slice %arg7[%dma_start3A_114, %dma_start3A_115] : memref<16x128xi32, #tpu.memory_space<vmem>> -> memref<1x128xi32, #tpu.memory_space<vmem>>
      %dma_start3A_117 = tpu.memref_squeeze %dma_start3A_116 : memref<1x128xi32, #tpu.memory_space<vmem>> -> memref<128xi32, #tpu.memory_space<vmem>>
      %dma_start3A_118 = arith.constant 0 : i32
      %dma_start3A_119 = arith.constant 0 : i32
      %dma_start3A_120 = tpu.memref_slice %arg2[%dma_start3A_118, %dma_start3A_119] : memref<10000x128xf32, #tpu.memory_space<hbm>> -> memref<10000x128xf32, #tpu.memory_space<hbm>>
      tpu.enqueue_indirect_dma source(%dma_start3A_120 : memref<10000x128xf32, #tpu.memory_space<hbm>>) target(%arg9 : memref<128x128xf32, #tpu.memory_space<vmem>>) offsets(%dma_start3A_117 : memref<128xi32, #tpu.memory_space<vmem>>) semaphore(%arg12 : memref<!tpu.dma_semaphore, #tpu.memory_space<semaphore_mem>>)
      %dma_wait3A_121 = arith.constant 3 : i32
      %dma_wait3A_122 = arith.constant 0 : i32
      %dma_wait3A_123 = tpu.memref_slice %arg7[%dma_wait3A_121, %dma_wait3A_122] : memref<16x128xi32, #tpu.memory_space<vmem>> -> memref<1x128xi32, #tpu.memory_space<vmem>>
      %dma_wait3A_124 = tpu.memref_squeeze %dma_wait3A_123 : memref<1x128xi32, #tpu.memory_space<vmem>> -> memref<128xi32, #tpu.memory_space<vmem>>
      %dma_wait3A_125 = arith.constant 0 : i32
      %dma_wait3A_126 = arith.constant 0 : i32
      %dma_wait3A_127 = tpu.memref_slice %arg2[%dma_wait3A_125, %dma_wait3A_126] : memref<10000x128xf32, #tpu.memory_space<hbm>> -> memref<10000x128xf32, #tpu.memory_space<hbm>>
      tpu.wait_indirect_dma semaphore(%arg13 : memref<!tpu.dma_semaphore, #tpu.memory_space<semaphore_mem>>) src(%dma_wait3A_127 : memref<10000x128xf32, #tpu.memory_space<hbm>>) dst(%arg10 : memref<128x128xf32, #tpu.memory_space<vmem>>)
      %dma_start3A_128 = arith.constant 3 : i32
      %dma_start3A_129 = arith.constant 0 : i32
      %dma_start3A_130 = tpu.memref_slice %arg8[%dma_start3A_128, %dma_start3A_129] : memref<16x128xi32, #tpu.memory_space<vmem>> -> memref<1x128xi32, #tpu.memory_space<vmem>>
      %dma_start3A_131 = tpu.memref_squeeze %dma_start3A_130 : memref<1x128xi32, #tpu.memory_space<vmem>> -> memref<128xi32, #tpu.memory_space<vmem>>
      %dma_start3A_132 = arith.constant 0 : i32
      %dma_start3A_133 = arith.constant 0 : i32
      %dma_start3A_134 = tpu.memref_slice %arg11[%dma_start3A_132, %dma_start3A_133] : memref<10240x128xf32, #tpu.memory_space<vmem_shared>> -> memref<10240x128xf32, #tpu.memory_space<vmem_shared>>
      tpu.enqueue_indirect_dma source(%arg10 : memref<128x128xf32, #tpu.memory_space<vmem>>) target(%dma_start3A_134 : memref<10240x128xf32, #tpu.memory_space<vmem_shared>>) offsets(%dma_start3A_131 : memref<128xi32, #tpu.memory_space<vmem>>) semaphore(%arg15 : memref<!tpu.dma_semaphore, #tpu.memory_space<semaphore_mem>>) {add = true}
      %dma_wait3A_135 = arith.constant 3 : i32
      %dma_wait3A_136 = arith.constant 0 : i32
      %dma_wait3A_137 = tpu.memref_slice %arg8[%dma_wait3A_135, %dma_wait3A_136] : memref<16x128xi32, #tpu.memory_space<vmem>> -> memref<1x128xi32, #tpu.memory_space<vmem>>
      %dma_wait3A_138 = tpu.memref_squeeze %dma_wait3A_137 : memref<1x128xi32, #tpu.memory_space<vmem>> -> memref<128xi32, #tpu.memory_space<vmem>>
      %dma_wait3A_139 = arith.constant 0 : i32
      %dma_wait3A_140 = arith.constant 0 : i32
      %dma_wait3A_141 = tpu.memref_slice %arg11[%dma_wait3A_139, %dma_wait3A_140] : memref<10240x128xf32, #tpu.memory_space<vmem_shared>> -> memref<10240x128xf32, #tpu.memory_space<vmem_shared>>
      tpu.wait_indirect_dma semaphore(%arg15 : memref<!tpu.dma_semaphore, #tpu.memory_space<semaphore_mem>>) src(%arg10 : memref<128x128xf32, #tpu.memory_space<vmem>>) dst(%dma_wait3A_141 : memref<10240x128xf32, #tpu.memory_space<vmem_shared>>)
      %dma_start3A_142 = arith.constant 5 : i32
      %dma_start3A_143 = arith.constant 0 : i32
      %dma_start3A_144 = tpu.memref_slice %arg7[%dma_start3A_142, %dma_start3A_143] : memref<16x128xi32, #tpu.memory_space<vmem>> -> memref<1x128xi32, #tpu.memory_space<vmem>>
      %dma_start3A_145 = tpu.memref_squeeze %dma_start3A_144 : memref<1x128xi32, #tpu.memory_space<vmem>> -> memref<128xi32, #tpu.memory_space<vmem>>
      %dma_start3A_146 = arith.constant 0 : i32
      %dma_start3A_147 = arith.constant 0 : i32
      %dma_start3A_148 = tpu.memref_slice %arg2[%dma_start3A_146, %dma_start3A_147] : memref<10000x128xf32, #tpu.memory_space<hbm>> -> memref<10000x128xf32, #tpu.memory_space<hbm>>
      tpu.enqueue_indirect_dma source(%dma_start3A_148 : memref<10000x128xf32, #tpu.memory_space<hbm>>) target(%arg10 : memref<128x128xf32, #tpu.memory_space<vmem>>) offsets(%dma_start3A_145 : memref<128xi32, #tpu.memory_space<vmem>>) semaphore(%arg13 : memref<!tpu.dma_semaphore, #tpu.memory_space<semaphore_mem>>)
      %dma_wait3A_149 = arith.constant 4 : i32
      %dma_wait3A_150 = arith.constant 0 : i32
      %dma_wait3A_151 = tpu.memref_slice %arg7[%dma_wait3A_149, %dma_wait3A_150] : memref<16x128xi32, #tpu.memory_space<vmem>> -> memref<1x128xi32, #tpu.memory_space<vmem>>
      %dma_wait3A_152 = tpu.memref_squeeze %dma_wait3A_151 : memref<1x128xi32, #tpu.memory_space<vmem>> -> memref<128xi32, #tpu.memory_space<vmem>>
      %dma_wait3A_153 = arith.constant 0 : i32
      %dma_wait3A_154 = arith.constant 0 : i32
      %dma_wait3A_155 = tpu.memref_slice %arg2[%dma_wait3A_153, %dma_wait3A_154] : memref<10000x128xf32, #tpu.memory_space<hbm>> -> memref<10000x128xf32, #tpu.memory_space<hbm>>
      tpu.wait_indirect_dma semaphore(%arg12 : memref<!tpu.dma_semaphore, #tpu.memory_space<semaphore_mem>>) src(%dma_wait3A_155 : memref<10000x128xf32, #tpu.memory_space<hbm>>) dst(%arg9 : memref<128x128xf32, #tpu.memory_space<vmem>>)
      %dma_start3A_156 = arith.constant 4 : i32
      %dma_start3A_157 = arith.constant 0 : i32
      %dma_start3A_158 = tpu.memref_slice %arg8[%dma_start3A_156, %dma_start3A_157] : memref<16x128xi32, #tpu.memory_space<vmem>> -> memref<1x128xi32, #tpu.memory_space<vmem>>
      %dma_start3A_159 = tpu.memref_squeeze %dma_start3A_158 : memref<1x128xi32, #tpu.memory_space<vmem>> -> memref<128xi32, #tpu.memory_space<vmem>>
      %dma_start3A_160 = arith.constant 0 : i32
      %dma_start3A_161 = arith.constant 0 : i32
      %dma_start3A_162 = tpu.memref_slice %arg11[%dma_start3A_160, %dma_start3A_161] : memref<10240x128xf32, #tpu.memory_space<vmem_shared>> -> memref<10240x128xf32, #tpu.memory_space<vmem_shared>>
      tpu.enqueue_indirect_dma source(%arg9 : memref<128x128xf32, #tpu.memory_space<vmem>>) target(%dma_start3A_162 : memref<10240x128xf32, #tpu.memory_space<vmem_shared>>) offsets(%dma_start3A_159 : memref<128xi32, #tpu.memory_space<vmem>>) semaphore(%arg14 : memref<!tpu.dma_semaphore, #tpu.memory_space<semaphore_mem>>) {add = true}
      %dma_wait3A_163 = arith.constant 4 : i32
      %dma_wait3A_164 = arith.constant 0 : i32
      %dma_wait3A_165 = tpu.memref_slice %arg8[%dma_wait3A_163, %dma_wait3A_164] : memref<16x128xi32, #tpu.memory_space<vmem>> -> memref<1x128xi32, #tpu.memory_space<vmem>>
      %dma_wait3A_166 = tpu.memref_squeeze %dma_wait3A_165 : memref<1x128xi32, #tpu.memory_space<vmem>> -> memref<128xi32, #tpu.memory_space<vmem>>
      %dma_wait3A_167 = arith.constant 0 : i32
      %dma_wait3A_168 = arith.constant 0 : i32
      %dma_wait3A_169 = tpu.memref_slice %arg11[%dma_wait3A_167, %dma_wait3A_168] : memref<10240x128xf32, #tpu.memory_space<vmem_shared>> -> memref<10240x128xf32, #tpu.memory_space<vmem_shared>>
      tpu.wait_indirect_dma semaphore(%arg14 : memref<!tpu.dma_semaphore, #tpu.memory_space<semaphore_mem>>) src(%arg9 : memref<128x128xf32, #tpu.memory_space<vmem>>) dst(%dma_wait3A_169 : memref<10240x128xf32, #tpu.memory_space<vmem_shared>>)
      %dma_start3A_170 = arith.constant 6 : i32
      %dma_start3A_171 = arith.constant 0 : i32
      %dma_start3A_172 = tpu.memref_slice %arg7[%dma_start3A_170, %dma_start3A_171] : memref<16x128xi32, #tpu.memory_space<vmem>> -> memref<1x128xi32, #tpu.memory_space<vmem>>
      %dma_start3A_173 = tpu.memref_squeeze %dma_start3A_172 : memref<1x128xi32, #tpu.memory_space<vmem>> -> memref<128xi32, #tpu.memory_space<vmem>>
      %dma_start3A_174 = arith.constant 0 : i32
      %dma_start3A_175 = arith.constant 0 : i32
      %dma_start3A_176 = tpu.memref_slice %arg2[%dma_start3A_174, %dma_start3A_175] : memref<10000x128xf32, #tpu.memory_space<hbm>> -> memref<10000x128xf32, #tpu.memory_space<hbm>>
      tpu.enqueue_indirect_dma source(%dma_start3A_176 : memref<10000x128xf32, #tpu.memory_space<hbm>>) target(%arg9 : memref<128x128xf32, #tpu.memory_space<vmem>>) offsets(%dma_start3A_173 : memref<128xi32, #tpu.memory_space<vmem>>) semaphore(%arg12 : memref<!tpu.dma_semaphore, #tpu.memory_space<semaphore_mem>>)
      %dma_wait3A_177 = arith.constant 5 : i32
      %dma_wait3A_178 = arith.constant 0 : i32
      %dma_wait3A_179 = tpu.memref_slice %arg7[%dma_wait3A_177, %dma_wait3A_178] : memref<16x128xi32, #tpu.memory_space<vmem>> -> memref<1x128xi32, #tpu.memory_space<vmem>>
      %dma_wait3A_180 = tpu.memref_squeeze %dma_wait3A_179 : memref<1x128xi32, #tpu.memory_space<vmem>> -> memref<128xi32, #tpu.memory_space<vmem>>
      %dma_wait3A_181 = arith.constant 0 : i32
      %dma_wait3A_182 = arith.constant 0 : i32
      %dma_wait3A_183 = tpu.memref_slice %arg2[%dma_wait3A_181, %dma_wait3A_182] : memref<10000x128xf32, #tpu.memory_space<hbm>> -> memref<10000x128xf32, #tpu.memory_space<hbm>>
      tpu.wait_indirect_dma semaphore(%arg13 : memref<!tpu.dma_semaphore, #tpu.memory_space<semaphore_mem>>) src(%dma_wait3A_183 : memref<10000x128xf32, #tpu.memory_space<hbm>>) dst(%arg10 : memref<128x128xf32, #tpu.memory_space<vmem>>)
      %dma_start3A_184 = arith.constant 5 : i32
      %dma_start3A_185 = arith.constant 0 : i32
      %dma_start3A_186 = tpu.memref_slice %arg8[%dma_start3A_184, %dma_start3A_185] : memref<16x128xi32, #tpu.memory_space<vmem>> -> memref<1x128xi32, #tpu.memory_space<vmem>>
      %dma_start3A_187 = tpu.memref_squeeze %dma_start3A_186 : memref<1x128xi32, #tpu.memory_space<vmem>> -> memref<128xi32, #tpu.memory_space<vmem>>
      %dma_start3A_188 = arith.constant 0 : i32
      %dma_start3A_189 = arith.constant 0 : i32
      %dma_start3A_190 = tpu.memref_slice %arg11[%dma_start3A_188, %dma_start3A_189] : memref<10240x128xf32, #tpu.memory_space<vmem_shared>> -> memref<10240x128xf32, #tpu.memory_space<vmem_shared>>
      tpu.enqueue_indirect_dma source(%arg10 : memref<128x128xf32, #tpu.memory_space<vmem>>) target(%dma_start3A_190 : memref<10240x128xf32, #tpu.memory_space<vmem_shared>>) offsets(%dma_start3A_187 : memref<128xi32, #tpu.memory_space<vmem>>) semaphore(%arg15 : memref<!tpu.dma_semaphore, #tpu.memory_space<semaphore_mem>>) {add = true}
      %dma_wait3A_191 = arith.constant 5 : i32
      %dma_wait3A_192 = arith.constant 0 : i32
      %dma_wait3A_193 = tpu.memref_slice %arg8[%dma_wait3A_191, %dma_wait3A_192] : memref<16x128xi32, #tpu.memory_space<vmem>> -> memref<1x128xi32, #tpu.memory_space<vmem>>
      %dma_wait3A_194 = tpu.memref_squeeze %dma_wait3A_193 : memref<1x128xi32, #tpu.memory_space<vmem>> -> memref<128xi32, #tpu.memory_space<vmem>>
      %dma_wait3A_195 = arith.constant 0 : i32
      %dma_wait3A_196 = arith.constant 0 : i32
      %dma_wait3A_197 = tpu.memref_slice %arg11[%dma_wait3A_195, %dma_wait3A_196] : memref<10240x128xf32, #tpu.memory_space<vmem_shared>> -> memref<10240x128xf32, #tpu.memory_space<vmem_shared>>
      tpu.wait_indirect_dma semaphore(%arg15 : memref<!tpu.dma_semaphore, #tpu.memory_space<semaphore_mem>>) src(%arg10 : memref<128x128xf32, #tpu.memory_space<vmem>>) dst(%dma_wait3A_197 : memref<10240x128xf32, #tpu.memory_space<vmem_shared>>)
      %dma_start3A_198 = arith.constant 7 : i32
      %dma_start3A_199 = arith.constant 0 : i32
      %dma_start3A_200 = tpu.memref_slice %arg7[%dma_start3A_198, %dma_start3A_199] : memref<16x128xi32, #tpu.memory_space<vmem>> -> memref<1x128xi32, #tpu.memory_space<vmem>>
      %dma_start3A_201 = tpu.memref_squeeze %dma_start3A_200 : memref<1x128xi32, #tpu.memory_space<vmem>> -> memref<128xi32, #tpu.memory_space<vmem>>
      %dma_start3A_202 = arith.constant 0 : i32
      %dma_start3A_203 = arith.constant 0 : i32
      %dma_start3A_204 = tpu.memref_slice %arg2[%dma_start3A_202, %dma_start3A_203] : memref<10000x128xf32, #tpu.memory_space<hbm>> -> memref<10000x128xf32, #tpu.memory_space<hbm>>
      tpu.enqueue_indirect_dma source(%dma_start3A_204 : memref<10000x128xf32, #tpu.memory_space<hbm>>) target(%arg10 : memref<128x128xf32, #tpu.memory_space<vmem>>) offsets(%dma_start3A_201 : memref<128xi32, #tpu.memory_space<vmem>>) semaphore(%arg13 : memref<!tpu.dma_semaphore, #tpu.memory_space<semaphore_mem>>)
      %dma_wait3A_205 = arith.constant 6 : i32
      %dma_wait3A_206 = arith.constant 0 : i32
      %dma_wait3A_207 = tpu.memref_slice %arg7[%dma_wait3A_205, %dma_wait3A_206] : memref<16x128xi32, #tpu.memory_space<vmem>> -> memref<1x128xi32, #tpu.memory_space<vmem>>
      %dma_wait3A_208 = tpu.memref_squeeze %dma_wait3A_207 : memref<1x128xi32, #tpu.memory_space<vmem>> -> memref<128xi32, #tpu.memory_space<vmem>>
      %dma_wait3A_209 = arith.constant 0 : i32
      %dma_wait3A_210 = arith.constant 0 : i32
      %dma_wait3A_211 = tpu.memref_slice %arg2[%dma_wait3A_209, %dma_wait3A_210] : memref<10000x128xf32, #tpu.memory_space<hbm>> -> memref<10000x128xf32, #tpu.memory_space<hbm>>
      tpu.wait_indirect_dma semaphore(%arg12 : memref<!tpu.dma_semaphore, #tpu.memory_space<semaphore_mem>>) src(%dma_wait3A_211 : memref<10000x128xf32, #tpu.memory_space<hbm>>) dst(%arg9 : memref<128x128xf32, #tpu.memory_space<vmem>>)
      %dma_start3A_212 = arith.constant 6 : i32
      %dma_start3A_213 = arith.constant 0 : i32
      %dma_start3A_214 = tpu.memref_slice %arg8[%dma_start3A_212, %dma_start3A_213] : memref<16x128xi32, #tpu.memory_space<vmem>> -> memref<1x128xi32, #tpu.memory_space<vmem>>
      %dma_start3A_215 = tpu.memref_squeeze %dma_start3A_214 : memref<1x128xi32, #tpu.memory_space<vmem>> -> memref<128xi32, #tpu.memory_space<vmem>>
      %dma_start3A_216 = arith.constant 0 : i32
      %dma_start3A_217 = arith.constant 0 : i32
      %dma_start3A_218 = tpu.memref_slice %arg11[%dma_start3A_216, %dma_start3A_217] : memref<10240x128xf32, #tpu.memory_space<vmem_shared>> -> memref<10240x128xf32, #tpu.memory_space<vmem_shared>>
      tpu.enqueue_indirect_dma source(%arg9 : memref<128x128xf32, #tpu.memory_space<vmem>>) target(%dma_start3A_218 : memref<10240x128xf32, #tpu.memory_space<vmem_shared>>) offsets(%dma_start3A_215 : memref<128xi32, #tpu.memory_space<vmem>>) semaphore(%arg14 : memref<!tpu.dma_semaphore, #tpu.memory_space<semaphore_mem>>) {add = true}
      %dma_wait3A_219 = arith.constant 6 : i32
      %dma_wait3A_220 = arith.constant 0 : i32
      %dma_wait3A_221 = tpu.memref_slice %arg8[%dma_wait3A_219, %dma_wait3A_220] : memref<16x128xi32, #tpu.memory_space<vmem>> -> memref<1x128xi32, #tpu.memory_space<vmem>>
      %dma_wait3A_222 = tpu.memref_squeeze %dma_wait3A_221 : memref<1x128xi32, #tpu.memory_space<vmem>> -> memref<128xi32, #tpu.memory_space<vmem>>
      %dma_wait3A_223 = arith.constant 0 : i32
      %dma_wait3A_224 = arith.constant 0 : i32
      %dma_wait3A_225 = tpu.memref_slice %arg11[%dma_wait3A_223, %dma_wait3A_224] : memref<10240x128xf32, #tpu.memory_space<vmem_shared>> -> memref<10240x128xf32, #tpu.memory_space<vmem_shared>>
      tpu.wait_indirect_dma semaphore(%arg14 : memref<!tpu.dma_semaphore, #tpu.memory_space<semaphore_mem>>) src(%arg9 : memref<128x128xf32, #tpu.memory_space<vmem>>) dst(%dma_wait3A_225 : memref<10240x128xf32, #tpu.memory_space<vmem_shared>>)
      %dma_start3A_226 = arith.constant 8 : i32
      %dma_start3A_227 = arith.constant 0 : i32
      %dma_start3A_228 = tpu.memref_slice %arg7[%dma_start3A_226, %dma_start3A_227] : memref<16x128xi32, #tpu.memory_space<vmem>> -> memref<1x128xi32, #tpu.memory_space<vmem>>
      %dma_start3A_229 = tpu.memref_squeeze %dma_start3A_228 : memref<1x128xi32, #tpu.memory_space<vmem>> -> memref<128xi32, #tpu.memory_space<vmem>>
      %dma_start3A_230 = arith.constant 0 : i32
      %dma_start3A_231 = arith.constant 0 : i32
      %dma_start3A_232 = tpu.memref_slice %arg2[%dma_start3A_230, %dma_start3A_231] : memref<10000x128xf32, #tpu.memory_space<hbm>> -> memref<10000x128xf32, #tpu.memory_space<hbm>>
      tpu.enqueue_indirect_dma source(%dma_start3A_232 : memref<10000x128xf32, #tpu.memory_space<hbm>>) target(%arg9 : memref<128x128xf32, #tpu.memory_space<vmem>>) offsets(%dma_start3A_229 : memref<128xi32, #tpu.memory_space<vmem>>) semaphore(%arg12 : memref<!tpu.dma_semaphore, #tpu.memory_space<semaphore_mem>>)
      %dma_wait3A_233 = arith.constant 7 : i32
      %dma_wait3A_234 = arith.constant 0 : i32
      %dma_wait3A_235 = tpu.memref_slice %arg7[%dma_wait3A_233, %dma_wait3A_234] : memref<16x128xi32, #tpu.memory_space<vmem>> -> memref<1x128xi32, #tpu.memory_space<vmem>>
      %dma_wait3A_236 = tpu.memref_squeeze %dma_wait3A_235 : memref<1x128xi32, #tpu.memory_space<vmem>> -> memref<128xi32, #tpu.memory_space<vmem>>
      %dma_wait3A_237 = arith.constant 0 : i32
      %dma_wait3A_238 = arith.constant 0 : i32
      %dma_wait3A_239 = tpu.memref_slice %arg2[%dma_wait3A_237, %dma_wait3A_238] : memref<10000x128xf32, #tpu.memory_space<hbm>> -> memref<10000x128xf32, #tpu.memory_space<hbm>>
      tpu.wait_indirect_dma semaphore(%arg13 : memref<!tpu.dma_semaphore, #tpu.memory_space<semaphore_mem>>) src(%dma_wait3A_239 : memref<10000x128xf32, #tpu.memory_space<hbm>>) dst(%arg10 : memref<128x128xf32, #tpu.memory_space<vmem>>)
      %dma_start3A_240 = arith.constant 7 : i32
      %dma_start3A_241 = arith.constant 0 : i32
      %dma_start3A_242 = tpu.memref_slice %arg8[%dma_start3A_240, %dma_start3A_241] : memref<16x128xi32, #tpu.memory_space<vmem>> -> memref<1x128xi32, #tpu.memory_space<vmem>>
      %dma_start3A_243 = tpu.memref_squeeze %dma_start3A_242 : memref<1x128xi32, #tpu.memory_space<vmem>> -> memref<128xi32, #tpu.memory_space<vmem>>
      %dma_start3A_244 = arith.constant 0 : i32
      %dma_start3A_245 = arith.constant 0 : i32
      %dma_start3A_246 = tpu.memref_slice %arg11[%dma_start3A_244, %dma_start3A_245] : memref<10240x128xf32, #tpu.memory_space<vmem_shared>> -> memref<10240x128xf32, #tpu.memory_space<vmem_shared>>
      tpu.enqueue_indirect_dma source(%arg10 : memref<128x128xf32, #tpu.memory_space<vmem>>) target(%dma_start3A_246 : memref<10240x128xf32, #tpu.memory_space<vmem_shared>>) offsets(%dma_start3A_243 : memref<128xi32, #tpu.memory_space<vmem>>) semaphore(%arg15 : memref<!tpu.dma_semaphore, #tpu.memory_space<semaphore_mem>>) {add = true}
      %dma_wait3A_247 = arith.constant 7 : i32
      %dma_wait3A_248 = arith.constant 0 : i32
      %dma_wait3A_249 = tpu.memref_slice %arg8[%dma_wait3A_247, %dma_wait3A_248] : memref<16x128xi32, #tpu.memory_space<vmem>> -> memref<1x128xi32, #tpu.memory_space<vmem>>
      %dma_wait3A_250 = tpu.memref_squeeze %dma_wait3A_249 : memref<1x128xi32, #tpu.memory_space<vmem>> -> memref<128xi32, #tpu.memory_space<vmem>>
      %dma_wait3A_251 = arith.constant 0 : i32
      %dma_wait3A_252 = arith.constant 0 : i32
      %dma_wait3A_253 = tpu.memref_slice %arg11[%dma_wait3A_251, %dma_wait3A_252] : memref<10240x128xf32, #tpu.memory_space<vmem_shared>> -> memref<10240x128xf32, #tpu.memory_space<vmem_shared>>
      tpu.wait_indirect_dma semaphore(%arg15 : memref<!tpu.dma_semaphore, #tpu.memory_space<semaphore_mem>>) src(%arg10 : memref<128x128xf32, #tpu.memory_space<vmem>>) dst(%dma_wait3A_253 : memref<10240x128xf32, #tpu.memory_space<vmem_shared>>)
      %dma_start3A_254 = arith.constant 9 : i32
      %dma_start3A_255 = arith.constant 0 : i32
      %dma_start3A_256 = tpu.memref_slice %arg7[%dma_start3A_254, %dma_start3A_255] : memref<16x128xi32, #tpu.memory_space<vmem>> -> memref<1x128xi32, #tpu.memory_space<vmem>>
      %dma_start3A_257 = tpu.memref_squeeze %dma_start3A_256 : memref<1x128xi32, #tpu.memory_space<vmem>> -> memref<128xi32, #tpu.memory_space<vmem>>
      %dma_start3A_258 = arith.constant 0 : i32
      %dma_start3A_259 = arith.constant 0 : i32
      %dma_start3A_260 = tpu.memref_slice %arg2[%dma_start3A_258, %dma_start3A_259] : memref<10000x128xf32, #tpu.memory_space<hbm>> -> memref<10000x128xf32, #tpu.memory_space<hbm>>
      tpu.enqueue_indirect_dma source(%dma_start3A_260 : memref<10000x128xf32, #tpu.memory_space<hbm>>) target(%arg10 : memref<128x128xf32, #tpu.memory_space<vmem>>) offsets(%dma_start3A_257 : memref<128xi32, #tpu.memory_space<vmem>>) semaphore(%arg13 : memref<!tpu.dma_semaphore, #tpu.memory_space<semaphore_mem>>)
      %dma_wait3A_261 = arith.constant 8 : i32
      %dma_wait3A_262 = arith.constant 0 : i32
      %dma_wait3A_263 = tpu.memref_slice %arg7[%dma_wait3A_261, %dma_wait3A_262] : memref<16x128xi32, #tpu.memory_space<vmem>> -> memref<1x128xi32, #tpu.memory_space<vmem>>
      %dma_wait3A_264 = tpu.memref_squeeze %dma_wait3A_263 : memref<1x128xi32, #tpu.memory_space<vmem>> -> memref<128xi32, #tpu.memory_space<vmem>>
      %dma_wait3A_265 = arith.constant 0 : i32
      %dma_wait3A_266 = arith.constant 0 : i32
      %dma_wait3A_267 = tpu.memref_slice %arg2[%dma_wait3A_265, %dma_wait3A_266] : memref<10000x128xf32, #tpu.memory_space<hbm>> -> memref<10000x128xf32, #tpu.memory_space<hbm>>
      tpu.wait_indirect_dma semaphore(%arg12 : memref<!tpu.dma_semaphore, #tpu.memory_space<semaphore_mem>>) src(%dma_wait3A_267 : memref<10000x128xf32, #tpu.memory_space<hbm>>) dst(%arg9 : memref<128x128xf32, #tpu.memory_space<vmem>>)
      %dma_start3A_268 = arith.constant 8 : i32
      %dma_start3A_269 = arith.constant 0 : i32
      %dma_start3A_270 = tpu.memref_slice %arg8[%dma_start3A_268, %dma_start3A_269] : memref<16x128xi32, #tpu.memory_space<vmem>> -> memref<1x128xi32, #tpu.memory_space<vmem>>
      %dma_start3A_271 = tpu.memref_squeeze %dma_start3A_270 : memref<1x128xi32, #tpu.memory_space<vmem>> -> memref<128xi32, #tpu.memory_space<vmem>>
      %dma_start3A_272 = arith.constant 0 : i32
      %dma_start3A_273 = arith.constant 0 : i32
      %dma_start3A_274 = tpu.memref_slice %arg11[%dma_start3A_272, %dma_start3A_273] : memref<10240x128xf32, #tpu.memory_space<vmem_shared>> -> memref<10240x128xf32, #tpu.memory_space<vmem_shared>>
      tpu.enqueue_indirect_dma source(%arg9 : memref<128x128xf32, #tpu.memory_space<vmem>>) target(%dma_start3A_274 : memref<10240x128xf32, #tpu.memory_space<vmem_shared>>) offsets(%dma_start3A_271 : memref<128xi32, #tpu.memory_space<vmem>>) semaphore(%arg14 : memref<!tpu.dma_semaphore, #tpu.memory_space<semaphore_mem>>) {add = true}
      %dma_wait3A_275 = arith.constant 8 : i32
      %dma_wait3A_276 = arith.constant 0 : i32
      %dma_wait3A_277 = tpu.memref_slice %arg8[%dma_wait3A_275, %dma_wait3A_276] : memref<16x128xi32, #tpu.memory_space<vmem>> -> memref<1x128xi32, #tpu.memory_space<vmem>>
      %dma_wait3A_278 = tpu.memref_squeeze %dma_wait3A_277 : memref<1x128xi32, #tpu.memory_space<vmem>> -> memref<128xi32, #tpu.memory_space<vmem>>
      %dma_wait3A_279 = arith.constant 0 : i32
      %dma_wait3A_280 = arith.constant 0 : i32
      %dma_wait3A_281 = tpu.memref_slice %arg11[%dma_wait3A_279, %dma_wait3A_280] : memref<10240x128xf32, #tpu.memory_space<vmem_shared>> -> memref<10240x128xf32, #tpu.memory_space<vmem_shared>>
      tpu.wait_indirect_dma semaphore(%arg14 : memref<!tpu.dma_semaphore, #tpu.memory_space<semaphore_mem>>) src(%arg9 : memref<128x128xf32, #tpu.memory_space<vmem>>) dst(%dma_wait3A_281 : memref<10240x128xf32, #tpu.memory_space<vmem_shared>>)
      %dma_start3A_282 = arith.constant 10 : i32
      %dma_start3A_283 = arith.constant 0 : i32
      %dma_start3A_284 = tpu.memref_slice %arg7[%dma_start3A_282, %dma_start3A_283] : memref<16x128xi32, #tpu.memory_space<vmem>> -> memref<1x128xi32, #tpu.memory_space<vmem>>
      %dma_start3A_285 = tpu.memref_squeeze %dma_start3A_284 : memref<1x128xi32, #tpu.memory_space<vmem>> -> memref<128xi32, #tpu.memory_space<vmem>>
      %dma_start3A_286 = arith.constant 0 : i32
      %dma_start3A_287 = arith.constant 0 : i32
      %dma_start3A_288 = tpu.memref_slice %arg2[%dma_start3A_286, %dma_start3A_287] : memref<10000x128xf32, #tpu.memory_space<hbm>> -> memref<10000x128xf32, #tpu.memory_space<hbm>>
      tpu.enqueue_indirect_dma source(%dma_start3A_288 : memref<10000x128xf32, #tpu.memory_space<hbm>>) target(%arg9 : memref<128x128xf32, #tpu.memory_space<vmem>>) offsets(%dma_start3A_285 : memref<128xi32, #tpu.memory_space<vmem>>) semaphore(%arg12 : memref<!tpu.dma_semaphore, #tpu.memory_space<semaphore_mem>>)
      %dma_wait3A_289 = arith.constant 9 : i32
      %dma_wait3A_290 = arith.constant 0 : i32
      %dma_wait3A_291 = tpu.memref_slice %arg7[%dma_wait3A_289, %dma_wait3A_290] : memref<16x128xi32, #tpu.memory_space<vmem>> -> memref<1x128xi32, #tpu.memory_space<vmem>>
      %dma_wait3A_292 = tpu.memref_squeeze %dma_wait3A_291 : memref<1x128xi32, #tpu.memory_space<vmem>> -> memref<128xi32, #tpu.memory_space<vmem>>
      %dma_wait3A_293 = arith.constant 0 : i32
      %dma_wait3A_294 = arith.constant 0 : i32
      %dma_wait3A_295 = tpu.memref_slice %arg2[%dma_wait3A_293, %dma_wait3A_294] : memref<10000x128xf32, #tpu.memory_space<hbm>> -> memref<10000x128xf32, #tpu.memory_space<hbm>>
      tpu.wait_indirect_dma semaphore(%arg13 : memref<!tpu.dma_semaphore, #tpu.memory_space<semaphore_mem>>) src(%dma_wait3A_295 : memref<10000x128xf32, #tpu.memory_space<hbm>>) dst(%arg10 : memref<128x128xf32, #tpu.memory_space<vmem>>)
      %dma_start3A_296 = arith.constant 9 : i32
      %dma_start3A_297 = arith.constant 0 : i32
      %dma_start3A_298 = tpu.memref_slice %arg8[%dma_start3A_296, %dma_start3A_297] : memref<16x128xi32, #tpu.memory_space<vmem>> -> memref<1x128xi32, #tpu.memory_space<vmem>>
      %dma_start3A_299 = tpu.memref_squeeze %dma_start3A_298 : memref<1x128xi32, #tpu.memory_space<vmem>> -> memref<128xi32, #tpu.memory_space<vmem>>
      %dma_start3A_300 = arith.constant 0 : i32
      %dma_start3A_301 = arith.constant 0 : i32
      %dma_start3A_302 = tpu.memref_slice %arg11[%dma_start3A_300, %dma_start3A_301] : memref<10240x128xf32, #tpu.memory_space<vmem_shared>> -> memref<10240x128xf32, #tpu.memory_space<vmem_shared>>
      tpu.enqueue_indirect_dma source(%arg10 : memref<128x128xf32, #tpu.memory_space<vmem>>) target(%dma_start3A_302 : memref<10240x128xf32, #tpu.memory_space<vmem_shared>>) offsets(%dma_start3A_299 : memref<128xi32, #tpu.memory_space<vmem>>) semaphore(%arg15 : memref<!tpu.dma_semaphore, #tpu.memory_space<semaphore_mem>>) {add = true}
      %dma_wait3A_303 = arith.constant 9 : i32
      %dma_wait3A_304 = arith.constant 0 : i32
      %dma_wait3A_305 = tpu.memref_slice %arg8[%dma_wait3A_303, %dma_wait3A_304] : memref<16x128xi32, #tpu.memory_space<vmem>> -> memref<1x128xi32, #tpu.memory_space<vmem>>
      %dma_wait3A_306 = tpu.memref_squeeze %dma_wait3A_305 : memref<1x128xi32, #tpu.memory_space<vmem>> -> memref<128xi32, #tpu.memory_space<vmem>>
      %dma_wait3A_307 = arith.constant 0 : i32
      %dma_wait3A_308 = arith.constant 0 : i32
      %dma_wait3A_309 = tpu.memref_slice %arg11[%dma_wait3A_307, %dma_wait3A_308] : memref<10240x128xf32, #tpu.memory_space<vmem_shared>> -> memref<10240x128xf32, #tpu.memory_space<vmem_shared>>
      tpu.wait_indirect_dma semaphore(%arg15 : memref<!tpu.dma_semaphore, #tpu.memory_space<semaphore_mem>>) src(%arg10 : memref<128x128xf32, #tpu.memory_space<vmem>>) dst(%dma_wait3A_309 : memref<10240x128xf32, #tpu.memory_space<vmem_shared>>)
      %dma_start3A_310 = arith.constant 11 : i32
      %dma_start3A_311 = arith.constant 0 : i32
      %dma_start3A_312 = tpu.memref_slice %arg7[%dma_start3A_310, %dma_start3A_311] : memref<16x128xi32, #tpu.memory_space<vmem>> -> memref<1x128xi32, #tpu.memory_space<vmem>>
      %dma_start3A_313 = tpu.memref_squeeze %dma_start3A_312 : memref<1x128xi32, #tpu.memory_space<vmem>> -> memref<128xi32, #tpu.memory_space<vmem>>
      %dma_start3A_314 = arith.constant 0 : i32
      %dma_start3A_315 = arith.constant 0 : i32
      %dma_start3A_316 = tpu.memref_slice %arg2[%dma_start3A_314, %dma_start3A_315] : memref<10000x128xf32, #tpu.memory_space<hbm>> -> memref<10000x128xf32, #tpu.memory_space<hbm>>
      tpu.enqueue_indirect_dma source(%dma_start3A_316 : memref<10000x128xf32, #tpu.memory_space<hbm>>) target(%arg10 : memref<128x128xf32, #tpu.memory_space<vmem>>) offsets(%dma_start3A_313 : memref<128xi32, #tpu.memory_space<vmem>>) semaphore(%arg13 : memref<!tpu.dma_semaphore, #tpu.memory_space<semaphore_mem>>)
      %dma_wait3A_317 = arith.constant 10 : i32
      %dma_wait3A_318 = arith.constant 0 : i32
      %dma_wait3A_319 = tpu.memref_slice %arg7[%dma_wait3A_317, %dma_wait3A_318] : memref<16x128xi32, #tpu.memory_space<vmem>> -> memref<1x128xi32, #tpu.memory_space<vmem>>
      %dma_wait3A_320 = tpu.memref_squeeze %dma_wait3A_319 : memref<1x128xi32, #tpu.memory_space<vmem>> -> memref<128xi32, #tpu.memory_space<vmem>>
      %dma_wait3A_321 = arith.constant 0 : i32
      %dma_wait3A_322 = arith.constant 0 : i32
      %dma_wait3A_323 = tpu.memref_slice %arg2[%dma_wait3A_321, %dma_wait3A_322] : memref<10000x128xf32, #tpu.memory_space<hbm>> -> memref<10000x128xf32, #tpu.memory_space<hbm>>
      tpu.wait_indirect_dma semaphore(%arg12 : memref<!tpu.dma_semaphore, #tpu.memory_space<semaphore_mem>>) src(%dma_wait3A_323 : memref<10000x128xf32, #tpu.memory_space<hbm>>) dst(%arg9 : memref<128x128xf32, #tpu.memory_space<vmem>>)
      %dma_start3A_324 = arith.constant 10 : i32
      %dma_start3A_325 = arith.constant 0 : i32
      %dma_start3A_326 = tpu.memref_slice %arg8[%dma_start3A_324, %dma_start3A_325] : memref<16x128xi32, #tpu.memory_space<vmem>> -> memref<1x128xi32, #tpu.memory_space<vmem>>
      %dma_start3A_327 = tpu.memref_squeeze %dma_start3A_326 : memref<1x128xi32, #tpu.memory_space<vmem>> -> memref<128xi32, #tpu.memory_space<vmem>>
      %dma_start3A_328 = arith.constant 0 : i32
      %dma_start3A_329 = arith.constant 0 : i32
      %dma_start3A_330 = tpu.memref_slice %arg11[%dma_start3A_328, %dma_start3A_329] : memref<10240x128xf32, #tpu.memory_space<vmem_shared>> -> memref<10240x128xf32, #tpu.memory_space<vmem_shared>>
      tpu.enqueue_indirect_dma source(%arg9 : memref<128x128xf32, #tpu.memory_space<vmem>>) target(%dma_start3A_330 : memref<10240x128xf32, #tpu.memory_space<vmem_shared>>) offsets(%dma_start3A_327 : memref<128xi32, #tpu.memory_space<vmem>>) semaphore(%arg14 : memref<!tpu.dma_semaphore, #tpu.memory_space<semaphore_mem>>) {add = true}
      %dma_wait3A_331 = arith.constant 10 : i32
      %dma_wait3A_332 = arith.constant 0 : i32
      %dma_wait3A_333 = tpu.memref_slice %arg8[%dma_wait3A_331, %dma_wait3A_332] : memref<16x128xi32, #tpu.memory_space<vmem>> -> memref<1x128xi32, #tpu.memory_space<vmem>>
      %dma_wait3A_334 = tpu.memref_squeeze %dma_wait3A_333 : memref<1x128xi32, #tpu.memory_space<vmem>> -> memref<128xi32, #tpu.memory_space<vmem>>
      %dma_wait3A_335 = arith.constant 0 : i32
      %dma_wait3A_336 = arith.constant 0 : i32
      %dma_wait3A_337 = tpu.memref_slice %arg11[%dma_wait3A_335, %dma_wait3A_336] : memref<10240x128xf32, #tpu.memory_space<vmem_shared>> -> memref<10240x128xf32, #tpu.memory_space<vmem_shared>>
      tpu.wait_indirect_dma semaphore(%arg14 : memref<!tpu.dma_semaphore, #tpu.memory_space<semaphore_mem>>) src(%arg9 : memref<128x128xf32, #tpu.memory_space<vmem>>) dst(%dma_wait3A_337 : memref<10240x128xf32, #tpu.memory_space<vmem_shared>>)
      %dma_start3A_338 = arith.constant 12 : i32
      %dma_start3A_339 = arith.constant 0 : i32
      %dma_start3A_340 = tpu.memref_slice %arg7[%dma_start3A_338, %dma_start3A_339] : memref<16x128xi32, #tpu.memory_space<vmem>> -> memref<1x128xi32, #tpu.memory_space<vmem>>
      %dma_start3A_341 = tpu.memref_squeeze %dma_start3A_340 : memref<1x128xi32, #tpu.memory_space<vmem>> -> memref<128xi32, #tpu.memory_space<vmem>>
      %dma_start3A_342 = arith.constant 0 : i32
      %dma_start3A_343 = arith.constant 0 : i32
      %dma_start3A_344 = tpu.memref_slice %arg2[%dma_start3A_342, %dma_start3A_343] : memref<10000x128xf32, #tpu.memory_space<hbm>> -> memref<10000x128xf32, #tpu.memory_space<hbm>>
      tpu.enqueue_indirect_dma source(%dma_start3A_344 : memref<10000x128xf32, #tpu.memory_space<hbm>>) target(%arg9 : memref<128x128xf32, #tpu.memory_space<vmem>>) offsets(%dma_start3A_341 : memref<128xi32, #tpu.memory_space<vmem>>) semaphore(%arg12 : memref<!tpu.dma_semaphore, #tpu.memory_space<semaphore_mem>>)
      %dma_wait3A_345 = arith.constant 11 : i32
      %dma_wait3A_346 = arith.constant 0 : i32
      %dma_wait3A_347 = tpu.memref_slice %arg7[%dma_wait3A_345, %dma_wait3A_346] : memref<16x128xi32, #tpu.memory_space<vmem>> -> memref<1x128xi32, #tpu.memory_space<vmem>>
      %dma_wait3A_348 = tpu.memref_squeeze %dma_wait3A_347 : memref<1x128xi32, #tpu.memory_space<vmem>> -> memref<128xi32, #tpu.memory_space<vmem>>
      %dma_wait3A_349 = arith.constant 0 : i32
      %dma_wait3A_350 = arith.constant 0 : i32
      %dma_wait3A_351 = tpu.memref_slice %arg2[%dma_wait3A_349, %dma_wait3A_350] : memref<10000x128xf32, #tpu.memory_space<hbm>> -> memref<10000x128xf32, #tpu.memory_space<hbm>>
      tpu.wait_indirect_dma semaphore(%arg13 : memref<!tpu.dma_semaphore, #tpu.memory_space<semaphore_mem>>) src(%dma_wait3A_351 : memref<10000x128xf32, #tpu.memory_space<hbm>>) dst(%arg10 : memref<128x128xf32, #tpu.memory_space<vmem>>)
      %dma_start3A_352 = arith.constant 11 : i32
      %dma_start3A_353 = arith.constant 0 : i32
      %dma_start3A_354 = tpu.memref_slice %arg8[%dma_start3A_352, %dma_start3A_353] : memref<16x128xi32, #tpu.memory_space<vmem>> -> memref<1x128xi32, #tpu.memory_space<vmem>>
      %dma_start3A_355 = tpu.memref_squeeze %dma_start3A_354 : memref<1x128xi32, #tpu.memory_space<vmem>> -> memref<128xi32, #tpu.memory_space<vmem>>
      %dma_start3A_356 = arith.constant 0 : i32
      %dma_start3A_357 = arith.constant 0 : i32
      %dma_start3A_358 = tpu.memref_slice %arg11[%dma_start3A_356, %dma_start3A_357] : memref<10240x128xf32, #tpu.memory_space<vmem_shared>> -> memref<10240x128xf32, #tpu.memory_space<vmem_shared>>
      tpu.enqueue_indirect_dma source(%arg10 : memref<128x128xf32, #tpu.memory_space<vmem>>) target(%dma_start3A_358 : memref<10240x128xf32, #tpu.memory_space<vmem_shared>>) offsets(%dma_start3A_355 : memref<128xi32, #tpu.memory_space<vmem>>) semaphore(%arg15 : memref<!tpu.dma_semaphore, #tpu.memory_space<semaphore_mem>>) {add = true}
      %dma_wait3A_359 = arith.constant 11 : i32
      %dma_wait3A_360 = arith.constant 0 : i32
      %dma_wait3A_361 = tpu.memref_slice %arg8[%dma_wait3A_359, %dma_wait3A_360] : memref<16x128xi32, #tpu.memory_space<vmem>> -> memref<1x128xi32, #tpu.memory_space<vmem>>
      %dma_wait3A_362 = tpu.memref_squeeze %dma_wait3A_361 : memref<1x128xi32, #tpu.memory_space<vmem>> -> memref<128xi32, #tpu.memory_space<vmem>>
      %dma_wait3A_363 = arith.constant 0 : i32
      %dma_wait3A_364 = arith.constant 0 : i32
      %dma_wait3A_365 = tpu.memref_slice %arg11[%dma_wait3A_363, %dma_wait3A_364] : memref<10240x128xf32, #tpu.memory_space<vmem_shared>> -> memref<10240x128xf32, #tpu.memory_space<vmem_shared>>
      tpu.wait_indirect_dma semaphore(%arg15 : memref<!tpu.dma_semaphore, #tpu.memory_space<semaphore_mem>>) src(%arg10 : memref<128x128xf32, #tpu.memory_space<vmem>>) dst(%dma_wait3A_365 : memref<10240x128xf32, #tpu.memory_space<vmem_shared>>)
      %dma_start3A_366 = arith.constant 13 : i32
      %dma_start3A_367 = arith.constant 0 : i32
      %dma_start3A_368 = tpu.memref_slice %arg7[%dma_start3A_366, %dma_start3A_367] : memref<16x128xi32, #tpu.memory_space<vmem>> -> memref<1x128xi32, #tpu.memory_space<vmem>>
      %dma_start3A_369 = tpu.memref_squeeze %dma_start3A_368 : memref<1x128xi32, #tpu.memory_space<vmem>> -> memref<128xi32, #tpu.memory_space<vmem>>
      %dma_start3A_370 = arith.constant 0 : i32
      %dma_start3A_371 = arith.constant 0 : i32
      %dma_start3A_372 = tpu.memref_slice %arg2[%dma_start3A_370, %dma_start3A_371] : memref<10000x128xf32, #tpu.memory_space<hbm>> -> memref<10000x128xf32, #tpu.memory_space<hbm>>
      tpu.enqueue_indirect_dma source(%dma_start3A_372 : memref<10000x128xf32, #tpu.memory_space<hbm>>) target(%arg10 : memref<128x128xf32, #tpu.memory_space<vmem>>) offsets(%dma_start3A_369 : memref<128xi32, #tpu.memory_space<vmem>>) semaphore(%arg13 : memref<!tpu.dma_semaphore, #tpu.memory_space<semaphore_mem>>)
      %dma_wait3A_373 = arith.constant 12 : i32
      %dma_wait3A_374 = arith.constant 0 : i32
      %dma_wait3A_375 = tpu.memref_slice %arg7[%dma_wait3A_373, %dma_wait3A_374] : memref<16x128xi32, #tpu.memory_space<vmem>> -> memref<1x128xi32, #tpu.memory_space<vmem>>
      %dma_wait3A_376 = tpu.memref_squeeze %dma_wait3A_375 : memref<1x128xi32, #tpu.memory_space<vmem>> -> memref<128xi32, #tpu.memory_space<vmem>>
      %dma_wait3A_377 = arith.constant 0 : i32
      %dma_wait3A_378 = arith.constant 0 : i32
      %dma_wait3A_379 = tpu.memref_slice %arg2[%dma_wait3A_377, %dma_wait3A_378] : memref<10000x128xf32, #tpu.memory_space<hbm>> -> memref<10000x128xf32, #tpu.memory_space<hbm>>
      tpu.wait_indirect_dma semaphore(%arg12 : memref<!tpu.dma_semaphore, #tpu.memory_space<semaphore_mem>>) src(%dma_wait3A_379 : memref<10000x128xf32, #tpu.memory_space<hbm>>) dst(%arg9 : memref<128x128xf32, #tpu.memory_space<vmem>>)
      %dma_start3A_380 = arith.constant 12 : i32
      %dma_start3A_381 = arith.constant 0 : i32
      %dma_start3A_382 = tpu.memref_slice %arg8[%dma_start3A_380, %dma_start3A_381] : memref<16x128xi32, #tpu.memory_space<vmem>> -> memref<1x128xi32, #tpu.memory_space<vmem>>
      %dma_start3A_383 = tpu.memref_squeeze %dma_start3A_382 : memref<1x128xi32, #tpu.memory_space<vmem>> -> memref<128xi32, #tpu.memory_space<vmem>>
      %dma_start3A_384 = arith.constant 0 : i32
      %dma_start3A_385 = arith.constant 0 : i32
      %dma_start3A_386 = tpu.memref_slice %arg11[%dma_start3A_384, %dma_start3A_385] : memref<10240x128xf32, #tpu.memory_space<vmem_shared>> -> memref<10240x128xf32, #tpu.memory_space<vmem_shared>>
      tpu.enqueue_indirect_dma source(%arg9 : memref<128x128xf32, #tpu.memory_space<vmem>>) target(%dma_start3A_386 : memref<10240x128xf32, #tpu.memory_space<vmem_shared>>) offsets(%dma_start3A_383 : memref<128xi32, #tpu.memory_space<vmem>>) semaphore(%arg14 : memref<!tpu.dma_semaphore, #tpu.memory_space<semaphore_mem>>) {add = true}
      %dma_wait3A_387 = arith.constant 12 : i32
      %dma_wait3A_388 = arith.constant 0 : i32
      %dma_wait3A_389 = tpu.memref_slice %arg8[%dma_wait3A_387, %dma_wait3A_388] : memref<16x128xi32, #tpu.memory_space<vmem>> -> memref<1x128xi32, #tpu.memory_space<vmem>>
      %dma_wait3A_390 = tpu.memref_squeeze %dma_wait3A_389 : memref<1x128xi32, #tpu.memory_space<vmem>> -> memref<128xi32, #tpu.memory_space<vmem>>
      %dma_wait3A_391 = arith.constant 0 : i32
      %dma_wait3A_392 = arith.constant 0 : i32
      %dma_wait3A_393 = tpu.memref_slice %arg11[%dma_wait3A_391, %dma_wait3A_392] : memref<10240x128xf32, #tpu.memory_space<vmem_shared>> -> memref<10240x128xf32, #tpu.memory_space<vmem_shared>>
      tpu.wait_indirect_dma semaphore(%arg14 : memref<!tpu.dma_semaphore, #tpu.memory_space<semaphore_mem>>) src(%arg9 : memref<128x128xf32, #tpu.memory_space<vmem>>) dst(%dma_wait3A_393 : memref<10240x128xf32, #tpu.memory_space<vmem_shared>>)
      %dma_start3A_394 = arith.constant 14 : i32
      %dma_start3A_395 = arith.constant 0 : i32
      %dma_start3A_396 = tpu.memref_slice %arg7[%dma_start3A_394, %dma_start3A_395] : memref<16x128xi32, #tpu.memory_space<vmem>> -> memref<1x128xi32, #tpu.memory_space<vmem>>
      %dma_start3A_397 = tpu.memref_squeeze %dma_start3A_396 : memref<1x128xi32, #tpu.memory_space<vmem>> -> memref<128xi32, #tpu.memory_space<vmem>>
      %dma_start3A_398 = arith.constant 0 : i32
      %dma_start3A_399 = arith.constant 0 : i32
      %dma_start3A_400 = tpu.memref_slice %arg2[%dma_start3A_398, %dma_start3A_399] : memref<10000x128xf32, #tpu.memory_space<hbm>> -> memref<10000x128xf32, #tpu.memory_space<hbm>>
      tpu.enqueue_indirect_dma source(%dma_start3A_400 : memref<10000x128xf32, #tpu.memory_space<hbm>>) target(%arg9 : memref<128x128xf32, #tpu.memory_space<vmem>>) offsets(%dma_start3A_397 : memref<128xi32, #tpu.memory_space<vmem>>) semaphore(%arg12 : memref<!tpu.dma_semaphore, #tpu.memory_space<semaphore_mem>>)
      %dma_wait3A_401 = arith.constant 13 : i32
      %dma_wait3A_402 = arith.constant 0 : i32
      %dma_wait3A_403 = tpu.memref_slice %arg7[%dma_wait3A_401, %dma_wait3A_402] : memref<16x128xi32, #tpu.memory_space<vmem>> -> memref<1x128xi32, #tpu.memory_space<vmem>>
      %dma_wait3A_404 = tpu.memref_squeeze %dma_wait3A_403 : memref<1x128xi32, #tpu.memory_space<vmem>> -> memref<128xi32, #tpu.memory_space<vmem>>
      %dma_wait3A_405 = arith.constant 0 : i32
      %dma_wait3A_406 = arith.constant 0 : i32
      %dma_wait3A_407 = tpu.memref_slice %arg2[%dma_wait3A_405, %dma_wait3A_406] : memref<10000x128xf32, #tpu.memory_space<hbm>> -> memref<10000x128xf32, #tpu.memory_space<hbm>>
      tpu.wait_indirect_dma semaphore(%arg13 : memref<!tpu.dma_semaphore, #tpu.memory_space<semaphore_mem>>) src(%dma_wait3A_407 : memref<10000x128xf32, #tpu.memory_space<hbm>>) dst(%arg10 : memref<128x128xf32, #tpu.memory_space<vmem>>)
      %dma_start3A_408 = arith.constant 13 : i32
      %dma_start3A_409 = arith.constant 0 : i32
      %dma_start3A_410 = tpu.memref_slice %arg8[%dma_start3A_408, %dma_start3A_409] : memref<16x128xi32, #tpu.memory_space<vmem>> -> memref<1x128xi32, #tpu.memory_space<vmem>>
      %dma_start3A_411 = tpu.memref_squeeze %dma_start3A_410 : memref<1x128xi32, #tpu.memory_space<vmem>> -> memref<128xi32, #tpu.memory_space<vmem>>
      %dma_start3A_412 = arith.constant 0 : i32
      %dma_start3A_413 = arith.constant 0 : i32
      %dma_start3A_414 = tpu.memref_slice %arg11[%dma_start3A_412, %dma_start3A_413] : memref<10240x128xf32, #tpu.memory_space<vmem_shared>> -> memref<10240x128xf32, #tpu.memory_space<vmem_shared>>
      tpu.enqueue_indirect_dma source(%arg10 : memref<128x128xf32, #tpu.memory_space<vmem>>) target(%dma_start3A_414 : memref<10240x128xf32, #tpu.memory_space<vmem_shared>>) offsets(%dma_start3A_411 : memref<128xi32, #tpu.memory_space<vmem>>) semaphore(%arg15 : memref<!tpu.dma_semaphore, #tpu.memory_space<semaphore_mem>>) {add = true}
      %dma_wait3A_415 = arith.constant 13 : i32
      %dma_wait3A_416 = arith.constant 0 : i32
      %dma_wait3A_417 = tpu.memref_slice %arg8[%dma_wait3A_415, %dma_wait3A_416] : memref<16x128xi32, #tpu.memory_space<vmem>> -> memref<1x128xi32, #tpu.memory_space<vmem>>
      %dma_wait3A_418 = tpu.memref_squeeze %dma_wait3A_417 : memref<1x128xi32, #tpu.memory_space<vmem>> -> memref<128xi32, #tpu.memory_space<vmem>>
      %dma_wait3A_419 = arith.constant 0 : i32
      %dma_wait3A_420 = arith.constant 0 : i32
      %dma_wait3A_421 = tpu.memref_slice %arg11[%dma_wait3A_419, %dma_wait3A_420] : memref<10240x128xf32, #tpu.memory_space<vmem_shared>> -> memref<10240x128xf32, #tpu.memory_space<vmem_shared>>
      tpu.wait_indirect_dma semaphore(%arg15 : memref<!tpu.dma_semaphore, #tpu.memory_space<semaphore_mem>>) src(%arg10 : memref<128x128xf32, #tpu.memory_space<vmem>>) dst(%dma_wait3A_421 : memref<10240x128xf32, #tpu.memory_space<vmem_shared>>)
      %dma_start3A_422 = arith.constant 15 : i32
      %dma_start3A_423 = arith.constant 0 : i32
      %dma_start3A_424 = tpu.memref_slice %arg7[%dma_start3A_422, %dma_start3A_423] : memref<16x128xi32, #tpu.memory_space<vmem>> -> memref<1x128xi32, #tpu.memory_space<vmem>>
      %dma_start3A_425 = tpu.memref_squeeze %dma_start3A_424 : memref<1x128xi32, #tpu.memory_space<vmem>> -> memref<128xi32, #tpu.memory_space<vmem>>
      %dma_start3A_426 = arith.constant 0 : i32
      %dma_start3A_427 = arith.constant 0 : i32
      %dma_start3A_428 = tpu.memref_slice %arg2[%dma_start3A_426, %dma_start3A_427] : memref<10000x128xf32, #tpu.memory_space<hbm>> -> memref<10000x128xf32, #tpu.memory_space<hbm>>
      tpu.enqueue_indirect_dma source(%dma_start3A_428 : memref<10000x128xf32, #tpu.memory_space<hbm>>) target(%arg10 : memref<128x128xf32, #tpu.memory_space<vmem>>) offsets(%dma_start3A_425 : memref<128xi32, #tpu.memory_space<vmem>>) semaphore(%arg13 : memref<!tpu.dma_semaphore, #tpu.memory_space<semaphore_mem>>)
      %dma_wait3A_429 = arith.constant 14 : i32
      %dma_wait3A_430 = arith.constant 0 : i32
      %dma_wait3A_431 = tpu.memref_slice %arg7[%dma_wait3A_429, %dma_wait3A_430] : memref<16x128xi32, #tpu.memory_space<vmem>> -> memref<1x128xi32, #tpu.memory_space<vmem>>
      %dma_wait3A_432 = tpu.memref_squeeze %dma_wait3A_431 : memref<1x128xi32, #tpu.memory_space<vmem>> -> memref<128xi32, #tpu.memory_space<vmem>>
      %dma_wait3A_433 = arith.constant 0 : i32
      %dma_wait3A_434 = arith.constant 0 : i32
      %dma_wait3A_435 = tpu.memref_slice %arg2[%dma_wait3A_433, %dma_wait3A_434] : memref<10000x128xf32, #tpu.memory_space<hbm>> -> memref<10000x128xf32, #tpu.memory_space<hbm>>
      tpu.wait_indirect_dma semaphore(%arg12 : memref<!tpu.dma_semaphore, #tpu.memory_space<semaphore_mem>>) src(%dma_wait3A_435 : memref<10000x128xf32, #tpu.memory_space<hbm>>) dst(%arg9 : memref<128x128xf32, #tpu.memory_space<vmem>>)
      %dma_start3A_436 = arith.constant 14 : i32
      %dma_start3A_437 = arith.constant 0 : i32
      %dma_start3A_438 = tpu.memref_slice %arg8[%dma_start3A_436, %dma_start3A_437] : memref<16x128xi32, #tpu.memory_space<vmem>> -> memref<1x128xi32, #tpu.memory_space<vmem>>
      %dma_start3A_439 = tpu.memref_squeeze %dma_start3A_438 : memref<1x128xi32, #tpu.memory_space<vmem>> -> memref<128xi32, #tpu.memory_space<vmem>>
      %dma_start3A_440 = arith.constant 0 : i32
      %dma_start3A_441 = arith.constant 0 : i32
      %dma_start3A_442 = tpu.memref_slice %arg11[%dma_start3A_440, %dma_start3A_441] : memref<10240x128xf32, #tpu.memory_space<vmem_shared>> -> memref<10240x128xf32, #tpu.memory_space<vmem_shared>>
      tpu.enqueue_indirect_dma source(%arg9 : memref<128x128xf32, #tpu.memory_space<vmem>>) target(%dma_start3A_442 : memref<10240x128xf32, #tpu.memory_space<vmem_shared>>) offsets(%dma_start3A_439 : memref<128xi32, #tpu.memory_space<vmem>>) semaphore(%arg14 : memref<!tpu.dma_semaphore, #tpu.memory_space<semaphore_mem>>) {add = true}
      %dma_wait3A_443 = arith.constant 15 : i32
      %dma_wait3A_444 = arith.constant 0 : i32
      %dma_wait3A_445 = tpu.memref_slice %arg7[%dma_wait3A_443, %dma_wait3A_444] : memref<16x128xi32, #tpu.memory_space<vmem>> -> memref<1x128xi32, #tpu.memory_space<vmem>>
      %dma_wait3A_446 = tpu.memref_squeeze %dma_wait3A_445 : memref<1x128xi32, #tpu.memory_space<vmem>> -> memref<128xi32, #tpu.memory_space<vmem>>
      %dma_wait3A_447 = arith.constant 0 : i32
      %dma_wait3A_448 = arith.constant 0 : i32
      %dma_wait3A_449 = tpu.memref_slice %arg2[%dma_wait3A_447, %dma_wait3A_448] : memref<10000x128xf32, #tpu.memory_space<hbm>> -> memref<10000x128xf32, #tpu.memory_space<hbm>>
      tpu.wait_indirect_dma semaphore(%arg13 : memref<!tpu.dma_semaphore, #tpu.memory_space<semaphore_mem>>) src(%dma_wait3A_449 : memref<10000x128xf32, #tpu.memory_space<hbm>>) dst(%arg10 : memref<128x128xf32, #tpu.memory_space<vmem>>)
      %dma_start3A_450 = arith.constant 15 : i32
      %dma_start3A_451 = arith.constant 0 : i32
      %dma_start3A_452 = tpu.memref_slice %arg8[%dma_start3A_450, %dma_start3A_451] : memref<16x128xi32, #tpu.memory_space<vmem>> -> memref<1x128xi32, #tpu.memory_space<vmem>>
      %dma_start3A_453 = tpu.memref_squeeze %dma_start3A_452 : memref<1x128xi32, #tpu.memory_space<vmem>> -> memref<128xi32, #tpu.memory_space<vmem>>
      %dma_start3A_454 = arith.constant 0 : i32
      %dma_start3A_455 = arith.constant 0 : i32
      %dma_start3A_456 = tpu.memref_slice %arg11[%dma_start3A_454, %dma_start3A_455] : memref<10240x128xf32, #tpu.memory_space<vmem_shared>> -> memref<10240x128xf32, #tpu.memory_space<vmem_shared>>
      tpu.enqueue_indirect_dma source(%arg10 : memref<128x128xf32, #tpu.memory_space<vmem>>) target(%dma_start3A_456 : memref<10240x128xf32, #tpu.memory_space<vmem_shared>>) offsets(%dma_start3A_453 : memref<128xi32, #tpu.memory_space<vmem>>) semaphore(%arg15 : memref<!tpu.dma_semaphore, #tpu.memory_space<semaphore_mem>>) {add = true}
      %dma_wait3A_457 = arith.constant 14 : i32
      %dma_wait3A_458 = arith.constant 0 : i32
      %dma_wait3A_459 = tpu.memref_slice %arg8[%dma_wait3A_457, %dma_wait3A_458] : memref<16x128xi32, #tpu.memory_space<vmem>> -> memref<1x128xi32, #tpu.memory_space<vmem>>
      %dma_wait3A_460 = tpu.memref_squeeze %dma_wait3A_459 : memref<1x128xi32, #tpu.memory_space<vmem>> -> memref<128xi32, #tpu.memory_space<vmem>>
      %dma_wait3A_461 = arith.constant 0 : i32
      %dma_wait3A_462 = arith.constant 0 : i32
      %dma_wait3A_463 = tpu.memref_slice %arg11[%dma_wait3A_461, %dma_wait3A_462] : memref<10240x128xf32, #tpu.memory_space<vmem_shared>> -> memref<10240x128xf32, #tpu.memory_space<vmem_shared>>
      tpu.wait_indirect_dma semaphore(%arg14 : memref<!tpu.dma_semaphore, #tpu.memory_space<semaphore_mem>>) src(%arg9 : memref<128x128xf32, #tpu.memory_space<vmem>>) dst(%dma_wait3A_463 : memref<10240x128xf32, #tpu.memory_space<vmem_shared>>)
      %dma_wait3A_464 = arith.constant 15 : i32
      %dma_wait3A_465 = arith.constant 0 : i32
      %dma_wait3A_466 = tpu.memref_slice %arg8[%dma_wait3A_464, %dma_wait3A_465] : memref<16x128xi32, #tpu.memory_space<vmem>> -> memref<1x128xi32, #tpu.memory_space<vmem>>
      %dma_wait3A_467 = tpu.memref_squeeze %dma_wait3A_466 : memref<1x128xi32, #tpu.memory_space<vmem>> -> memref<128xi32, #tpu.memory_space<vmem>>
      %dma_wait3A_468 = arith.constant 0 : i32
      %dma_wait3A_469 = arith.constant 0 : i32
      %dma_wait3A_470 = tpu.memref_slice %arg11[%dma_wait3A_468, %dma_wait3A_469] : memref<10240x128xf32, #tpu.memory_space<vmem_shared>> -> memref<10240x128xf32, #tpu.memory_space<vmem_shared>>
      tpu.wait_indirect_dma semaphore(%arg15 : memref<!tpu.dma_semaphore, #tpu.memory_space<semaphore_mem>>) src(%arg10 : memref<128x128xf32, #tpu.memory_space<vmem>>) dst(%dma_wait3A_470 : memref<10240x128xf32, #tpu.memory_space<vmem_shared>>)
    }
    %scan3A_6 = arith.constant 5 : i32
    %barrier3A_7 = arith.constant 0 : index
    tpu.barrier barrier_id(%barrier3A_7)
    %mul3A_8 = arith.constant 10240 : i32
    %mul3A_9 = arith.muli %arg0, %mul3A_8 : i32
    %mul3A_10 = arith.constant 640 : i32
    %mul3A_11 = arith.muli %arg1, %mul3A_10 : i32
    %add3A_12 = arith.addi %mul3A_9, %mul3A_11 : i32
    %mul3A_13 = arith.constant 640 : i32
    %mul3A_14 = arith.muli %arg1, %mul3A_13 : i32
    "tpu.region"() ({
      %run_scoped3A = tpu.sem_alloc : memref<!tpu.dma_semaphore, #tpu.memory_space<semaphore_mem>>
      %dma_start3A = arith.constant 0 : i32
      %dma_start3A_15 = tpu.memref_slice %arg6[%add3A_12, %dma_start3A] : memref<20480x128xf32, #tpu.memory_space<hbm>> -> memref<640x128xf32, #tpu.memory_space<hbm>>
      %dma_start3A_16 = arith.constant 0 : i32
      %dma_start3A_17 = tpu.memref_slice %arg11[%mul3A_14, %dma_start3A_16] : memref<10240x128xf32, #tpu.memory_space<vmem_shared>> -> memref<640x128xf32, #tpu.memory_space<vmem_shared>>
      tpu.enqueue_dma source(%dma_start3A_17 : memref<640x128xf32, #tpu.memory_space<vmem_shared>>) target(%dma_start3A_15 : memref<640x128xf32, #tpu.memory_space<hbm>>) target_semaphore(%run_scoped3A : memref<!tpu.dma_semaphore, #tpu.memory_space<semaphore_mem>>)
      %dma_wait3A = arith.constant 0 : i32
      %dma_wait3A_18 = tpu.memref_slice %arg6[%add3A_12, %dma_wait3A] : memref<20480x128xf32, #tpu.memory_space<hbm>> -> memref<640x128xf32, #tpu.memory_space<hbm>>
      %dma_wait3A_19 = arith.constant 0 : i32
      %dma_wait3A_20 = tpu.memref_slice %arg11[%mul3A_14, %dma_wait3A_19] : memref<10240x128xf32, #tpu.memory_space<vmem_shared>> -> memref<640x128xf32, #tpu.memory_space<vmem_shared>>
      tpu.wait_dma2 semaphore(%run_scoped3A : memref<!tpu.dma_semaphore, #tpu.memory_space<semaphore_mem>>) src(%dma_wait3A_20 : memref<640x128xf32, #tpu.memory_space<vmem_shared>>) dst(%dma_wait3A_18 : memref<640x128xf32, #tpu.memory_space<hbm>>)
      tpu.yield
    }) : () -> ()
    return
  }
}

module attributes {stable_mosaic.version = 14 : i64} {
  func.func @_tc_proj1(%arg0: memref<10000x128xf32, #tpu.memory_space<vmem>>, %arg1: memref<128x128xf32, #tpu.memory_space<vmem>>, %arg2: memref<1x128xf32, #tpu.memory_space<vmem>>, %arg3: memref<10000x128xf32, #tpu.memory_space<vmem>>) attributes {dimension_semantics = [], scalar_prefetch = 0 : i64, scratch_operands = 0 : i64, tpu.core_type = #tpu.core_type<tc>} {
    %get3A = arith.constant 0 : index
    %get3A_0 = arith.constant 0 : index
    %get3A_1 = vector.load %arg0[%get3A, %get3A_0] : memref<10000x128xf32, #tpu.memory_space<vmem>>, vector<10000x128xf32>
    %get3A_2 = arith.constant 0 : index
    %get3A_3 = arith.constant 0 : index
    %get3A_4 = vector.load %arg1[%get3A_2, %get3A_3] : memref<128x128xf32, #tpu.memory_space<vmem>>, vector<128x128xf32>
    %transpose3A = tpu.transpose %get3A_4, [1, 0] : vector<128x128xf32> -> vector<128x128xf32>
    %dot_general3A = arith.constant dense<0.000000e+00> : vector<10000x128xf32>
    %dot_general3A_5 = tpu.matmul %get3A_1, %transpose3A, %dot_general3A {dimension_numbers = #tpu.dot_dimension_numbers<[1], [0], [0], [1], [0, 0, 1, 1], [], []>, transpose_lhs_hint = false} : vector<10000x128xf32>, vector<128x128xf32>, vector<10000x128xf32> -> vector<10000x128xf32>
    %get3A_6 = arith.constant 0 : index
    %get3A_7 = arith.constant 0 : index
    %get3A_8 = vector.load %arg2[%get3A_6, %get3A_7] : memref<1x128xf32, #tpu.memory_space<vmem>>, vector<1x128xf32>
    %add3A = vector.broadcast %get3A_8 : vector<1x128xf32> to vector<10000x128xf32>
    %add3A_9 = arith.addf %dot_general3A_5, %add3A : vector<10000x128xf32>
    %swap3A = arith.constant 0 : index
    %swap3A_10 = arith.constant 0 : index
    %swap3A_11 = vector.load %arg3[%swap3A, %swap3A_10] : memref<10000x128xf32, #tpu.memory_space<vmem>>, vector<10000x128xf32>
    tpu.vector_store %arg3[%swap3A, %swap3A_10], %add3A_9 {strides = array<i32>} : memref<10000x128xf32, #tpu.memory_space<vmem>>, vector<10000x128xf32>,
    return
  }
}

module attributes {stable_mosaic.version = 14 : i64} {
  func.func @_tc_mid(%arg0: memref<2x10240x128xf32, #tpu.memory_space<vmem>>, %arg1: memref<128x128xf32, #tpu.memory_space<vmem>>, %arg2: memref<1x128xf32, #tpu.memory_space<vmem>>, %arg3: memref<10000x128xf32, #tpu.memory_space<vmem>>) attributes {dimension_semantics = [], scalar_prefetch = 0 : i64, scratch_operands = 0 : i64, tpu.core_type = #tpu.core_type<tc>} {
    %get3A = arith.constant 0 : index
    %get3A_0 = arith.constant 0 : index
    %get3A_1 = arith.constant 0 : index
    %get3A_2 = vector.load %arg0[%get3A, %get3A_0, %get3A_1] : memref<2x10240x128xf32, #tpu.memory_space<vmem>>, vector<1x10000x128xf32>
    %get3A_3 = vector.shape_cast %get3A_2 : vector<1x10000x128xf32> to vector<10000x128xf32>
    %get3A_4 = arith.constant 1 : index
    %get3A_5 = arith.constant 0 : index
    %get3A_6 = arith.constant 0 : index
    %get3A_7 = vector.load %arg0[%get3A_4, %get3A_5, %get3A_6] : memref<2x10240x128xf32, #tpu.memory_space<vmem>>, vector<1x10000x128xf32>
    %get3A_8 = vector.shape_cast %get3A_7 : vector<1x10000x128xf32> to vector<10000x128xf32>
    %add3A = arith.addf %get3A_3, %get3A_8 : vector<10000x128xf32>
    %max3A = arith.constant 0.000000e+00 : f32
    %max3A_9 = vector.broadcast %max3A : f32 to vector<10000x128xf32>
    %max3A_10 = arith.maximumf %add3A, %max3A_9 : vector<10000x128xf32>
    %get3A_11 = arith.constant 0 : index
    %get3A_12 = arith.constant 0 : index
    %get3A_13 = vector.load %arg1[%get3A_11, %get3A_12] : memref<128x128xf32, #tpu.memory_space<vmem>>, vector<128x128xf32>
    %transpose3A = tpu.transpose %get3A_13, [1, 0] : vector<128x128xf32> -> vector<128x128xf32>
    %dot_general3A = arith.constant dense<0.000000e+00> : vector<10000x128xf32>
    %dot_general3A_14 = tpu.matmul %max3A_10, %transpose3A, %dot_general3A {dimension_numbers = #tpu.dot_dimension_numbers<[1], [0], [0], [1], [0, 0, 1, 1], [], []>, transpose_lhs_hint = false} : vector<10000x128xf32>, vector<128x128xf32>, vector<10000x128xf32> -> vector<10000x128xf32>
    %get3A_15 = arith.constant 0 : index
    %get3A_16 = arith.constant 0 : index
    %get3A_17 = vector.load %arg2[%get3A_15, %get3A_16] : memref<1x128xf32, #tpu.memory_space<vmem>>, vector<1x128xf32>
    %add3A_18 = vector.broadcast %get3A_17 : vector<1x128xf32> to vector<10000x128xf32>
    %add3A_19 = arith.addf %dot_general3A_14, %add3A_18 : vector<10000x128xf32>
    %swap3A = arith.constant 0 : index
    %swap3A_20 = arith.constant 0 : index
    %swap3A_21 = vector.load %arg3[%swap3A, %swap3A_20] : memref<10000x128xf32, #tpu.memory_space<vmem>>, vector<10000x128xf32>
    tpu.vector_store %arg3[%swap3A, %swap3A_20], %add3A_19 {strides = array<i32>} : memref<10000x128xf32, #tpu.memory_space<vmem>>, vector<10000x128xf32>,
    return
  }
}

module attributes {stable_mosaic.version = 14 : i64} {
  func.func @_tc_out(%arg0: memref<2x10240x128xf32, #tpu.memory_space<vmem>>, %arg1: memref<10000x10xf32, #tpu.memory_space<vmem>>) attributes {dimension_semantics = [], scalar_prefetch = 0 : i64, scratch_operands = 0 : i64, tpu.core_type = #tpu.core_type<tc>} {
    %get3A = arith.constant 0 : index
    %get3A_0 = arith.constant 0 : index
    %get3A_1 = arith.constant 0 : index
    %get3A_2 = vector.load %arg0[%get3A, %get3A_0, %get3A_1] : memref<2x10240x128xf32, #tpu.memory_space<vmem>>, vector<1x10000x128xf32>
    %get3A_3 = vector.shape_cast %get3A_2 : vector<1x10000x128xf32> to vector<10000x128xf32>
    %get3A_4 = arith.constant 1 : index
    %get3A_5 = arith.constant 0 : index
    %get3A_6 = arith.constant 0 : index
    %get3A_7 = vector.load %arg0[%get3A_4, %get3A_5, %get3A_6] : memref<2x10240x128xf32, #tpu.memory_space<vmem>>, vector<1x10000x128xf32>
    %get3A_8 = vector.shape_cast %get3A_7 : vector<1x10000x128xf32> to vector<10000x128xf32>
    %add3A = arith.addf %get3A_3, %get3A_8 : vector<10000x128xf32>
    %iota3A = tpu.iota {dimensions = array<i32: 1>} : vector<10000x128xi32>
    %lt3A = arith.constant 10 : i32
    %lt3A_9 = vector.broadcast %lt3A : i32 to vector<10000x128xi32>
    %lt3A_10 = arith.cmpi slt, %iota3A, %lt3A_9 : vector<10000x128xi32>
    %jit3A = arith.constant -1.000000e+30 : f32
    %broadcast_in_dim3A = vector.broadcast %jit3A : f32 to vector<10000x128xf32>
    %select_n3A = arith.select %lt3A_10, %add3A, %broadcast_in_dim3A : vector<10000x128xi1>, vector<10000x128xf32>
    %reduce_max3A = arith.constant dense<0xFF800000> : vector<10000xf32>
    %reduce_max3A_11 = vector.multi_reduction <maximumf>, %select_n3A, %reduce_max3A [1] : vector<10000x128xf32> to vector<10000xf32>
    %broadcast_in_dim3A_12 = vector.shape_cast %reduce_max3A_11 : vector<10000xf32> to vector<10000x1xf32>
    %sub3A = vector.broadcast %broadcast_in_dim3A_12 : vector<10000x1xf32> to vector<10000x128xf32>
    %sub3A_13 = arith.subf %select_n3A, %sub3A : vector<10000x128xf32>
    %exp3A = math.exp %sub3A_13 : vector<10000x128xf32>
    %jit3A_14 = arith.constant 0.000000e+00 : f32
    %broadcast_in_dim3A_15 = vector.broadcast %jit3A_14 : f32 to vector<10000x128xf32>
    %select_n3A_16 = arith.select %lt3A_10, %exp3A, %broadcast_in_dim3A_15 : vector<10000x128xi1>, vector<10000x128xf32>
    %reduce_sum3A = arith.constant dense<0.000000e+00> : vector<10000xf32>
    %reduce_sum3A_17 = vector.multi_reduction <add>, %select_n3A_16, %reduce_sum3A [1] : vector<10000x128xf32> to vector<10000xf32>
    %broadcast_in_dim3A_18 = vector.shape_cast %reduce_sum3A_17 : vector<10000xf32> to vector<10000x1xf32>
    %log3A = math.log %broadcast_in_dim3A_18 : vector<10000x1xf32>
    %sub3A_19 = vector.broadcast %log3A : vector<10000x1xf32> to vector<10000x128xf32>
    %sub3A_20 = arith.subf %sub3A_13, %sub3A_19 : vector<10000x128xf32>
    %slice3A = vector.extract_strided_slice %sub3A_20 {offsets = [0, 0], sizes = [10000, 10], strides = [1, 1]} : vector<10000x128xf32> to vector<10000x10xf32>
    %swap3A = arith.constant 0 : index
    %swap3A_21 = arith.constant 0 : index
    %swap3A_22 = vector.load %arg1[%swap3A, %swap3A_21] : memref<10000x10xf32, #tpu.memory_space<vmem>>, vector<10000x10xf32>
    tpu.vector_store %arg1[%swap3A, %swap3A_21], %slice3A {strides = array<i32>} : memref<10000x10xf32, #tpu.memory_space<vmem>>, vector<10000x10xf32>,
    return
  }
}

</mosaic_0001>

<sc_bundles>
// kernel: kernel.10.cloned.1.call-start
scs
__scs_entry_jumppad:
0x0: {  	(pc) =	sbr.rel $0x88, $3  }
0x1: {  	(tag) =	ssettag $0x0;
	lr =	simm.s32 $0x1  }
0x2: {  	[smem:$0x3F9B] =	sst lr;
	_ =	strace $0xD0000000  }
0x3: {  	_ = 	snop  }
0x4: {  	_ = 	snop  }
0x5: {  	_ = 	snop  }
0x6: {  	_ = 	snop  }
0x7: {  	_ = 	snop  }
__scs_overlays_trampoline_lowered:
0x8: {  	[smem:$0x3FAA] =	sst s0  }
0x9: {  	[smem:$0x3FAB] =	sst s1  }
0xa: {  	[smem:$0x3FAC] =	sst s2  }
0xb: {  	[smem:$0x3FAD] =	sst s3  }
0xc: {  	[smem:$0x3FAE] =	sst s4  }
0xd: {  	[smem:$0x3FAF] =	sst s5  }
0xe: {  	[smem:$0x3FB0] =	sst s6  }
0xf: {  	[smem:$0x3FB1] =	sst s7  }
0x10: {  	[smem:$0x3FB2] =	sst s8  }
0x11: {  	[smem:$0x3FB3] =	sst s9;
	s0 =	simm.s32 @!p0 $0x0  }
0x12: {  	s1 =	sld [smem:$0x3F99];
	s0 =	simm.s32 @p0 $0x1  }
0x13: {  	[smem:$0x3FB4] =	sst s0;
	s0 =	simm.s32 @!p1 $0x0  }
0x14: {  	s2 =	sld [smem:$0x3F98];
	s0 =	simm.s32 @p1 $0x1  }
0x15: {  	[smem:$0x3FB5] =	sst s0;
	s0 =	simm.s32 @!p2 $0x0  }
0x16: {  	s3 =	sld [smem:$0x3FDB];
	s0 =	simm.s32 @p2 $0x1  }
0x17: {  	s4 =	simm.s32 $0x1BF5;
	[smem:$0x3FB7] =	sst s0  }
0x18: {  	s0 =	sld [smem:$0x3F9A];
	_ =	swait.ge [sflag:s4], $0x0  }
0x19: {  	s7 =	sld [smem:$0x3F9B]  }
0x1a: {  	s8 =	sadd.s32 $0xFFFFE003, lr  }
0x1b: {  	s9 =	sadd.s32 $0xFFFFFEF7, lr;
	s5 =	simm.s32 $0xFFFFFFFF;
	p2 =	slt.u32 s8, $0xFFFFF086  }
0x1c: {  	p1 =	slt.u32 s9, $0xF7A;
	s5 =	simm.s32 @!p2 $0x0  }
0x1d: {  	s5 =	simm.s32 @p1 $0x1;
	p0 =	seq.s32 s7, s2  }
0x1e: {  	s7 =	smul.u32 @!p0 $0xF7A, s2;
	p2 =	seq.s32 @!p0 s5, $0x0  }
0x1f: {  	s9 =	smul.u32 $0xF7A, s1;
	s8 =	simm.s32 @!p0 $0x1BF5;
	p2 =	por !p2, p0  }
0x20: {  	[sflag:s8] =	ssyncset.s32 @!p0 $0xFFFFF086;
	s6 =	sadd.s32 @!p0 s3, s7;
	s7 =	simm.s32 @!p0 $0x108  }
0x21: {  	s3 =	sadd.s32 s3, s9;
	s6 =	sadd.s32 @!p0 $0x88, s6;
	s7 =	simm.s32 @p2 $0x1082  }
0x22: {  	[simem:s7], [sflag:s8] =	dma.local @!p0 [hbm:s6], $0xF7A  }
0x23: {  	s9 =	sor.u32 $0xD0000000, s2;
	s6 =	simm.s32 $0x108;
	_ =	swait.ge @!p0 [sflag:s8], $0x0  }
0x24: {  	s3 =	sadd.s32 $0x88, s3;
	s6 =	simm.s32 @!p1 $0x1082;
	[sflag:s4] =	ssyncset.s32 $0xFFFFF086  }
0x25: {  	[simem:s6], [sflag:s4] =	dma.local [hbm:s3], $0xF7A  }
0x26: {  	[smem:$0x3F9B] =	sst s1;
	(tag) =	ssettag s2;
	_ =	strace s9  }
0x27: {  	s1 =	sld [smem:$0x3FAB]  }
0x28: {  	s2 =	sld [smem:$0x3FAC]  }
0x29: {  	s4 =	sld [smem:$0x3FAE]  }
0x2a: {  	p0 =	seq.s32 s5, $0x0;
	s5 =	sld [smem:$0x3FAF]  }
0x2b: {  	s6 =	sld [smem:$0x3FB0]  }
0x2c: {  	s7 =	sld [smem:$0x3FB1]  }
0x2d: {  	s3 =	simm.s32 $0x108;
	s8 =	sld [smem:$0x3FB2]  }
0x2e: {  	s3 =	simm.s32 @!p0 $0x1082;
	s9 =	sld [smem:$0x3FB3]  }
0x2f: {  	lr =	sadd.s32 s0, s3;
	s0 =	sld [smem:$0x3FAA]  }
0x30: {  	s3 =	sld [smem:$0x3FAD]  }
0x31: {  	[smem:$0x3FB6] =	sst s10  }
0x32: {  	s10 =	sld [smem:$0x3FB4];
	_ =	sdelay $0x3  }
0x33: {  	p0 =	seq.s32 s10, $0x1;
	s10 =	sld [smem:$0x3FB6];
	_ =	sdelay $0x3  }
0x34: {  	[smem:$0x3FB6] =	sst s10  }
0x35: {  	s10 =	sld [smem:$0x3FB5];
	_ =	sdelay $0x3  }
0x36: {  	p1 =	seq.s32 s10, $0x1;
	s10 =	sld [smem:$0x3FB6];
	_ =	sdelay $0x3  }
0x37: {  	[smem:$0x3FB6] =	sst s10  }
0x38: {  	s10 =	sld [smem:$0x3FB7]  }
0x39: {  	_ = 	snop;
	(pc) =	sbr.ind lr, $3  }
0x3a: {  	_ = 	snop  }
0x3b: {  	_ = 	snop  }
0x3c: {  	p2 =	seq.s32 s10, $0x1;
	s10 =	sld [smem:$0x3FB6]  }
0x3d: {  	_ =	shalt  }
0x3e: {  	_ =	shalt  }
0x3f: {  	_ =	shalt  }
0x40: {  	_ =	shalt  }
0x41: {  	_ =	shalt  }
0x42: {  	_ =	shalt  }
0x43: {  	_ =	shalt  }
0x44: {  	_ =	shalt  }
0x45: {  	_ =	shalt  }
0x46: {  	_ =	shalt  }
0x47: {  	_ =	shalt  }
0x48: {  	_ =	shalt  }
0x49: {  	_ =	shalt  }
0x4a: {  	_ =	shalt  }
0x4b: {  	_ =	shalt  }
0x4c: {  	_ =	shalt  }
0x4d: {  	_ =	shalt  }
0x4e: {  	_ =	shalt  }
0x4f: {  	_ =	shalt  }
0x50: {  	_ =	shalt  }
0x51: {  	_ =	shalt  }
0x52: {  	_ =	shalt  }
0x53: {  	_ =	shalt  }
0x54: {  	_ =	shalt  }
0x55: {  	_ =	shalt  }
0x56: {  	_ =	shalt  }
0x57: {  	_ =	shalt  }
0x58: {  	_ =	shalt  }
0x59: {  	_ =	shalt  }
0x5a: {  	_ =	shalt  }
0x5b: {  	_ =	shalt  }
0x5c: {  	_ =	shalt  }
0x5d: {  	_ =	shalt  }
0x5e: {  	_ =	shalt  }
0x5f: {  	_ =	shalt  }
0x60: {  	_ =	shalt  }
0x61: {  	_ =	shalt  }
0x62: {  	_ =	shalt  }
0x63: {  	_ =	shalt  }
0x64: {  	_ =	shalt  }
0x65: {  	_ =	shalt  }
0x66: {  	_ =	shalt  }
0x67: {  	_ =	shalt  }
0x68: {  	_ =	shalt  }
0x69: {  	_ =	shalt  }
0x6a: {  	_ =	shalt  }
0x6b: {  	_ =	shalt  }
0x6c: {  	_ =	shalt  }
0x6d: {  	_ =	shalt  }
0x6e: {  	_ =	shalt  }
0x6f: {  	_ =	shalt  }
0x70: {  	_ =	shalt  }
0x71: {  	_ =	shalt  }
0x72: {  	_ =	shalt  }
0x73: {  	_ =	shalt  }
0x74: {  	_ =	shalt  }
0x75: {  	_ =	shalt  }
0x76: {  	_ =	shalt  }
0x77: {  	_ =	shalt  }
0x78: {  	_ =	shalt  }
0x79: {  	_ =	shalt  }
0x7a: {  	_ =	shalt  }
0x7b: {  	_ =	shalt  }
0x7c: {  	_ =	shalt  }
0x7d: {  	_ =	shalt  }
0x7e: {  	_ =	shalt  }
0x7f: {  	_ =	shalt  }
0x80: {  	_ =	shalt  }
0x81: {  	_ =	shalt  }
0x82: {  	_ =	shalt  }
0x83: {  	_ =	shalt  }
0x84: {  	_ =	shalt  }
0x85: {  	_ =	shalt  }
0x86: {  	_ =	shalt  }
0x87: {  	_ =	shalt  }
.Lfunc_end0:
.L_simem_size_0:
called_computation.1_lowered:
.L_overlay_start_0:
0x88: {  	s2 =	sld [smem:$0x3FD9]  }
0x89: {  	s3 =	sld [smem:$0x3FFE];
	_ =	sdelay $0x1  }
0x8a: {  	s1 =	srdreg.scid  }
0x8b: {  	s0 =	sand.u32 $0x1, s1  }
0x8c: {  	s17 =	sshll.u32 s0, $0xA;
	s2 =	sadd.s32 s3, s2  }
0x8d: {  	s2 =	sadd.s32 s2, s17  }
0x8e: {  	[smem:$0x3FC2] =	sst s2  }
0x8f: {  	_ = 	snop  }
0x90: {  	s2 =	sld [smem:$0x3FD0];
	(tm) =	ssettm $0x1  }
0x91: {  	s18 =	sld [smem:$0x3FFB];
	_ =	sdelay $0x3  }
0x92: {  	_ =	strace s18  }
0x93: {  	s3 =	sld [smem:$0x3FFC];
	_ =	sdelay $0x3  }
0x94: {  	_ =	strace s3  }
0x95: {  	s3 =	sld [smem:$0x3FFD];
	_ =	sdelay $0x3  }
0x96: {  	_ =	strace s3  }
0x97: {  	_ =	strace $0x8FFFFFFF  }
0x98: {  	s19 =	sld [smem:$0x3FDB];
	_ =	sdelay $0x1  }
0x99: {  	s4 =	simm.s32 $_scs_section_size  }
0x9a: {  	s5 =	simm.s32 $_size__tile_overlayer_lowered;
	s6 =	simm.s32 $_tile_overlayer_lowered  }
0x9b: {  	s22 =	simm.s32 $0x1BFF;
	s21 =	sshll.u32 s6, $0x1;
	s3 =	sadd.s32 s4, s19  }
0x9c: {  	s7 =	simm.s32 $0x0;
	s20 =	sshll.u32 s5, $0x1;
	s5 =	sadd.s32 s21, s3  }
0x9d: {  	[timem:s7], [sflag:s22] =	dma.local [hbm:s5], s20  }
0x9e: {  	_ =	swait.ge [sflag:s22], s20  }
0x9f: {  	s4 =	ssub.s32 $0x0, s20;
	[sflag:s22] =	ssyncset.done $0x0  }
0xa0: {  	[sflag:s22] =	ssyncadd.s32 s4;
	_ =	sdelay $0x1  }
0xa1: {  	s23 =	simm.s32 $0x1B8B  }
0xa2: {  	_ =	swait.ge [sflag:s23], $0x1  }
0xa3: {  	[sflag:s23] =	ssyncset.done $0x0  }
0xa4: {  	s25 =	simm.s32 $0x1B8E;
	s24 =	sld [smem:$0x3FFE];
	[sflag:s23] =	ssyncadd.s32 $0xFFFFFFFF  }
0xa5: {  	s26 =	simm.s32 $execute0_lowered;
	[smem:$0x3FD2] =	sst s25  }
0xa6: {  	s5 =	sshll.u32 s26, $0x1;
	_ =	strace $0x80000049;
	[dreg:$0x1] =	wrdreg $0xFFFFFFFF  }
0xa7: {  	s28 =	simm.s32 $_size_execute0_lowered;
	s3 =	sadd.s32 s3, s5;
	[dreg:$0x0] =	wrdreg $0x0  }
0xa8: {  	s5 =	sshll.u32 s28, $0x1;
	[dreg:$0x2] =	wrdreg s3  }
0xa9: {  	[dreg:$0x3] =	wrdreg s5  }
0xaa: {  	[dreg:$0x4] =	wrdreg $0xC0  }
0xab: {  	_ =	task [dreg:s7], $0x5FFFF  }
0xac: {  	[dreg:$0x1] =	wrdreg $0xFFFFFFFF  }
0xad: {  	[dreg:$0x0] =	wrdreg $0x60  }
0xae: {  	[dreg:$0x2] =	wrdreg s24  }
0xaf: {  	[dreg:$0x3] =	wrdreg s2  }
0xb0: {  	[dreg:$0x4] =	wrdreg $0x90000  }
0xb1: {  	[dreg:$0x5] =	wrdreg $0x9  }
0xb2: {  	_ =	task.clear_ibuf [dreg:s7], $0x6FFFF;
	_ =	strace $0x90000049  }
0xb3: {  	s29 =	simm.s32 $0x9;
	_ =	strace $0x8000004B  }
0xb4: {  	_ =	swait.ge [sflag:s29], $0x1  }
0xb5: {  	[sflag:s29] =	ssyncadd.s32 $0xFFFFFFFF  }
0xb6: {  	_ =	strace $0x9000004B  }
0xb7: {  	_ =	sfence  }
0xb8: {  	s30 =	sld [smem:$0x0];
	_ =	sdelay $0x2  }
0xb9: {  	s31 =	sshll.u32 s1, $0xD;
	s1 =	sshrl.u32 s1, $0x2  }
0xba: {  	s3 =	sand.u32 $0x4000, s31;
	s1 =	sadd.s32 s1, s30  }
0xbb: {  	s0 =	sor.u32 s3, s0;
	s1 =	sshll.u32 s1, $0x11  }
0xbc: {  	s0 =	sor.u32 s1, s0  }
0xbd: {  	s0 =	sadd.s32 $0x8F2B, s0  }
0xbe: {  	[sflag:s0] =	ssyncadd.remote.s32 $0x1  }
0xbf: {  	_ =	sfence.sel $0xFFFF  }
0xc0: {  	[dreg:$0x0] =	wrdreg $0xFFFFFFFF;
	(pc) =	sbr.abs _section_cstart, $3  }
0xc1: {  	[dreg:$0x1] =	wrdreg $0xFFFFFFFF  }
0xc2: {  	_ =	task.clear_ibuf [dreg:s7], $0x2FFFF;
	_ =	strace $0x9FFFFFFF  }
0xc3: {  	(tm) =	ssettm $0x7FFFFFFF  }
tec
execute0_lowered:
.L_overlay_start_1:
0x0: {  	(tag) =	ssettag $0x1  }
0x1: {  	s0 =	rddreg [dreg:$0x0]  }
0x2: {  	s1 =	srdreg.scid;
	s9 =	stileid.u32  }
0x3: {  	s3 =	rddreg [dreg:$0x2];
	s4 =	simm.s32 $0x0;
	s12 =	simm.s32 $0x100  }
0x4: {  	s14 =	simm.s32 $0x880;
	s15 =	simm.s32 $0x180;
	s16 =	simm.s32 $0x900  }
0x5: {  	s17 =	simm.s32 $0x200;
	s18 =	simm.s32 $0x980;
	[smem:$0x7FF] =	sst s4  }
0x6: {  	s19 =	simm.s32 $0x280;
	_ =	strace $0x8000004A;
	[dreg:$0x6] =	wrdreg s12  }
0x7: {  	s20 =	simm.s32 $0xA00;
	s21 =	simm.s32 $0x300;
	[dreg:$0x7] =	wrdreg s14  }
0x8: {  	s22 =	simm.s32 $0xA80;
	s23 =	simm.s32 $0x380;
	[dreg:$0x8] =	wrdreg s15  }
0x9: {  	s24 =	simm.s32 $0xB00;
	s25 =	simm.s32 $0x400;
	[dreg:$0x9] =	wrdreg s16  }
0xa: {  	s26 =	simm.s32 $0xB80;
	s28 =	simm.s32 $0x680;
	[dreg:$0xa] =	wrdreg s17  }
0xb: {  	s29 =	simm.s32 $0xE00;
	s30 =	simm.s32 $0x700;
	[dreg:$0xb] =	wrdreg s18  }
0xc: {  	s31 =	simm.s32 $0xE80;
	s2 =	smul.u32 $0x2800, s9;
	[dreg:$0xc] =	wrdreg s19  }
0xd: {  	s1 =	sand.u32 $0x1, s1;
	s8 =	smul.u32 $0x50000, s9;
	[dreg:$0xd] =	wrdreg s20  }
0xe: {  	s13 =	sshll.u32 s9, $0x6;
	s9 =	simm.s32 $0x0;
	[dreg:$0xe] =	wrdreg s21  }
0xf: {  	s5 =	smul.u32 $0x28000, s1;
	s1 =	ssub.s32 $0x2, s1;
	[dreg:$0xf] =	wrdreg s22  }
0x10: {  	s12 =	simm.s32 $0x1000;
	s14 =	simm.s32 $0x5000;
	[dreg:$0x10] =	wrdreg s23  }
0x11: {  	s15 =	simm.s32 $0x1;
	s16 =	simm.s32 $0x3;
	[dreg:$0x11] =	wrdreg s24  }
0x12: {  	s17 =	simm.s32 $0x2;
	[dreg:$0x12] =	wrdreg s25;
	s18 =	simm.s32 $0x4  }
0x13: {  	[dreg:$0x13] =	wrdreg s26;
	s19 =	simm.s32 $0x480;
	s20 =	simm.s32 $0xC00  }
0x14: {  	s21 =	simm.s32 $0x500;
	s22 =	simm.s32 $0xC80;
	s23 =	simm.s32 $0x580  }
0x15: {  	s24 =	simm.s32 $0xD00;
	s25 =	simm.s32 $0x600;
	s26 =	simm.s32 $0xD80  }
0x16: {  	s7 =	sshrl.u32 s1, $0x1;
	s8 =	sshrl.u32 s8, $0x2;
	s2 =	sadd.s32 s2, s5  }
0x17: {  	s5 =	sadd.s32 $0x15200, s0;
	s1 =	ssub.s32 s1, s7;
	s11 =	sadd.s32 s8, s3  }
0x18: {  	s6 =	sshrl.u32 s2, $0x3;
	s1 =	smax.u32 s1, $0x1;
	s8 =	sshrl.u32 s11, $0x3  }
0x19: {  	s11 =	simm.s32 $0x80;
	s6 =	sadd.s32 s6, s0;
	[dreg:$0x16] =	wrdreg s1  }
0x1a: {  	s0 =	sadd.s32 s2, s0;
	[dreg:$0x17] =	wrdreg s8;
	s7 =	sadd.s32 $0xB200, s6  }
0x1b: {  	s1 =	simm.s32 $0x780;
	s10 =	sadd.s32 $0x1200, s6;
	[dreg:$0x4] =	wrdreg s7  }
0x1c: {  	s2 =	simm.s32 $0xF80;
	s0 =	sadd.s32 $0x3C400, s0;
	[dreg:$0x5] =	wrdreg s10  }
0x1d: {  	s7 =	sor.u32 $0x1C05, s13;
	[dreg:$0x15] =	wrdreg s0;
	s10 =	simm.s32 $0x5  }
0x1e: {  	s13 =	simm.s32 $0x800;
	s0 =	simm.s32 $0xF00;
	[dreg:$0x14] =	wrdreg s7  }
.LBB2_1:
0x1f: {  	[dreg:$0x18] =	wrdreg s9  }
0x20: {  	s6 =	rddreg [dreg:$0x1]  }
0x21: {  	[spmem:s8], [sflag:s7] =	dma.local [hbm:s6], $0x2800  }
0x22: {  	_ =	swait.ge [sflag:s10], $0x2800  }
0x23: {  	[sflag:s10] =	ssyncset.done $0x0  }
0x24: {  	[sflag:s10] =	ssyncadd.s32 $0xFFFFD800  }
0x25: {  	[bflag:$0x0] =	sbarrier.arrive $0xFFFF  }
0x26: {  	s9 =	rddreg [dreg:$0x5]  }
0x27: {  	s6 =	sadd.s32 $0x0, s9  }
0x28: {  	[tilespmem:s4], [sflag:$0x5] =	stream.linear.gather [hbm4b:s6+s4], $0x800, $0x38;
	[tilespmem:$0x1D000] =	vst v63  }
0x29: {  	_ =	swait.ge [sflag:s10], $0x800  }
0x2a: {  	[sflag:s10] =	ssyncset.done $0x0  }
0x2b: {  	s7 =	rddreg [dreg:$0x4];
	[sflag:s10] =	ssyncadd.s32 $0xFFFFF800  }
0x2c: {  	[tilespmem:s12], [sflag:$0x1] =	stream.indirect.gather [hbm4b:s5+s11], $0x80, s4, s11, $0xb8;
	[tilespmem:$0x1D000] =	vst v63  }
0x2d: {  	s6 =	sadd.s32 $0x0, s7  }
0x2e: {  	[tilespmem:s13], [sflag:$0x5] =	stream.linear.gather [hbm4b:s6+s4], $0x800, $0x38;
	[tilespmem:$0x1D000] =	vst v63  }
0x2f: {  	_ =	swait.ge [sflag:s10], $0x800  }
0x30: {  	[sflag:s10] =	ssyncset.done $0x0  }
0x31: {  	[sflag:s10] =	ssyncadd.s32 $0xFFFFF800  }
0x32: {  	[tilespmem:s14], [sflag:$0x2] =	stream.indirect.gather [hbm4b:s5+s11], $0x80, s11, s11, $0xb8;
	[tilespmem:$0x1D000] =	vst v63  }
0x33: {  	_ =	swait.ge [sflag:s15], $0x4000  }
0x34: {  	[sflag:s15] =	ssyncset.done $0x0  }
0x35: {  	[sflag:s15] =	ssyncadd.s32 $0xFFFFC000  }
0x36: {  	[spmem:s3] =	stream.indirect.scatter.add.f32 [tilespmem:s12], [sflag:$0x3], $0x80, s13, s11, $0xb8;
	[tilespmem:$0x1D000] =	vst v63  }
0x37: {  	_ =	swait.ge [sflag:s16], $0x4000  }
0x38: {  	[sflag:s16] =	ssyncset.done $0x0  }
0x39: {  	s8 =	rddreg [dreg:$0x6];
	[sflag:s16] =	ssyncadd.s32 $0xFFFFC000  }
0x3a: {  	[tilespmem:s12], [sflag:$0x1] =	stream.indirect.gather [hbm4b:s5+s11], $0x80, s8, s11, $0xb8;
	[tilespmem:$0x1D000] =	vst v63  }
0x3b: {  	_ =	swait.ge [sflag:s17], $0x4000  }
0x3c: {  	[sflag:s17] =	ssyncset.done $0x0  }
0x3d: {  	s9 =	rddreg [dreg:$0x7];
	[sflag:s17] =	ssyncadd.s32 $0xFFFFC000  }
0x3e: {  	[spmem:s3] =	stream.indirect.scatter.add.f32 [tilespmem:s14], [sflag:$0x4], $0x80, s9, s11, $0xb8;
	[tilespmem:$0x1D000] =	vst v63  }
0x3f: {  	_ =	swait.ge [sflag:s18], $0x4000  }
0x40: {  	[sflag:s18] =	ssyncset.done $0x0  }
0x41: {  	s7 =	rddreg [dreg:$0x8];
	[sflag:s18] =	ssyncadd.s32 $0xFFFFC000  }
0x42: {  	[tilespmem:s14], [sflag:$0x2] =	stream.indirect.gather [hbm4b:s5+s11], $0x80, s7, s11, $0xb8;
	[tilespmem:$0x1D000] =	vst v63  }
0x43: {  	_ =	swait.ge [sflag:s15], $0x4000  }
0x44: {  	[sflag:s15] =	ssyncset.done $0x0  }
0x45: {  	s8 =	rddreg [dreg:$0x9];
	[sflag:s15] =	ssyncadd.s32 $0xFFFFC000  }
0x46: {  	[spmem:s3] =	stream.indirect.scatter.add.f32 [tilespmem:s12], [sflag:$0x3], $0x80, s8, s11, $0xb8;
	[tilespmem:$0x1D000] =	vst v63  }
0x47: {  	_ =	swait.ge [sflag:s16], $0x4000  }
0x48: {  	[sflag:s16] =	ssyncset.done $0x0  }
0x49: {  	s9 =	rddreg [dreg:$0xa];
	[sflag:s16] =	ssyncadd.s32 $0xFFFFC000  }
0x4a: {  	[tilespmem:s12], [sflag:$0x1] =	stream.indirect.gather [hbm4b:s5+s11], $0x80, s9, s11, $0xb8;
	[tilespmem:$0x1D000] =	vst v63  }
0x4b: {  	_ =	swait.ge [sflag:s17], $0x4000  }
0x4c: {  	[sflag:s17] =	ssyncset.done $0x0  }
0x4d: {  	s7 =	rddreg [dreg:$0xb];
	[sflag:s17] =	ssyncadd.s32 $0xFFFFC000  }
0x4e: {  	[spmem:s3] =	stream.indirect.scatter.add.f32 [tilespmem:s14], [sflag:$0x4], $0x80, s7, s11, $0xb8;
	[tilespmem:$0x1D000] =	vst v63  }
0x4f: {  	_ =	swait.ge [sflag:s18], $0x4000  }
0x50: {  	[sflag:s18] =	ssyncset.done $0x0  }
0x51: {  	s8 =	rddreg [dreg:$0xc];
	[sflag:s18] =	ssyncadd.s32 $0xFFFFC000  }
0x52: {  	[tilespmem:s14], [sflag:$0x2] =	stream.indirect.gather [hbm4b:s5+s11], $0x80, s8, s11, $0xb8;
	[tilespmem:$0x1D000] =	vst v63  }
0x53: {  	_ =	swait.ge [sflag:s15], $0x4000  }
0x54: {  	[sflag:s15] =	ssyncset.done $0x0  }
0x55: {  	s9 =	rddreg [dreg:$0xd];
	[sflag:s15] =	ssyncadd.s32 $0xFFFFC000  }
0x56: {  	[spmem:s3] =	stream.indirect.scatter.add.f32 [tilespmem:s12], [sflag:$0x3], $0x80, s9, s11, $0xb8;
	[tilespmem:$0x1D000] =	vst v63  }
0x57: {  	_ =	swait.ge [sflag:s16], $0x4000  }
0x58: {  	[sflag:s16] =	ssyncset.done $0x0  }
0x59: {  	s7 =	rddreg [dreg:$0xe];
	[sflag:s16] =	ssyncadd.s32 $0xFFFFC000  }
0x5a: {  	[tilespmem:s12], [sflag:$0x1] =	stream.indirect.gather [hbm4b:s5+s11], $0x80, s7, s11, $0xb8;
	[tilespmem:$0x1D000] =	vst v63  }
0x5b: {  	_ =	swait.ge [sflag:s17], $0x4000  }
0x5c: {  	[sflag:s17] =	ssyncset.done $0x0  }
0x5d: {  	s8 =	rddreg [dreg:$0xf];
	[sflag:s17] =	ssyncadd.s32 $0xFFFFC000  }
0x5e: {  	[spmem:s3] =	stream.indirect.scatter.add.f32 [tilespmem:s14], [sflag:$0x4], $0x80, s8, s11, $0xb8;
	[tilespmem:$0x1D000] =	vst v63  }
0x5f: {  	_ =	swait.ge [sflag:s18], $0x4000  }
0x60: {  	[sflag:s18] =	ssyncset.done $0x0  }
0x61: {  	s9 =	rddreg [dreg:$0x10];
	[sflag:s18] =	ssyncadd.s32 $0xFFFFC000  }
0x62: {  	[tilespmem:s14], [sflag:$0x2] =	stream.indirect.gather [hbm4b:s5+s11], $0x80, s9, s11, $0xb8;
	[tilespmem:$0x1D000] =	vst v63  }
0x63: {  	_ =	swait.ge [sflag:s15], $0x4000  }
0x64: {  	[sflag:s15] =	ssyncset.done $0x0  }
0x65: {  	s7 =	rddreg [dreg:$0x11];
	[sflag:s15] =	ssyncadd.s32 $0xFFFFC000  }
0x66: {  	[spmem:s3] =	stream.indirect.scatter.add.f32 [tilespmem:s12], [sflag:$0x3], $0x80, s7, s11, $0xb8;
	[tilespmem:$0x1D000] =	vst v63  }
0x67: {  	_ =	swait.ge [sflag:s16], $0x4000  }
0x68: {  	[sflag:s16] =	ssyncset.done $0x0  }
0x69: {  	s8 =	rddreg [dreg:$0x12];
	[sflag:s16] =	ssyncadd.s32 $0xFFFFC000  }
0x6a: {  	[tilespmem:s12], [sflag:$0x1] =	stream.indirect.gather [hbm4b:s5+s11], $0x80, s8, s11, $0xb8;
	[tilespmem:$0x1D000] =	vst v63  }
0x6b: {  	_ =	swait.ge [sflag:s17], $0x4000  }
0x6c: {  	[sflag:s17] =	ssyncset.done $0x0  }
0x6d: {  	s9 =	rddreg [dreg:$0x13];
	[sflag:s17] =	ssyncadd.s32 $0xFFFFC000  }
0x6e: {  	[spmem:s3] =	stream.indirect.scatter.add.f32 [tilespmem:s14], [sflag:$0x4], $0x80, s9, s11, $0xb8;
	[tilespmem:$0x1D000] =	vst v63  }
0x6f: {  	_ =	swait.ge [sflag:s18], $0x4000  }
0x70: {  	[sflag:s18] =	ssyncset.done $0x0  }
0x71: {  	[sflag:s18] =	ssyncadd.s32 $0xFFFFC000  }
0x72: {  	[tilespmem:s14], [sflag:$0x2] =	stream.indirect.gather [hbm4b:s5+s11], $0x80, s19, s11, $0xb8;
	[tilespmem:$0x1D000] =	vst v63  }
0x73: {  	_ =	swait.ge [sflag:s15], $0x4000  }
0x74: {  	[sflag:s15] =	ssyncset.done $0x0  }
0x75: {  	[sflag:s15] =	ssyncadd.s32 $0xFFFFC000  }
0x76: {  	[spmem:s3] =	stream.indirect.scatter.add.f32 [tilespmem:s12], [sflag:$0x3], $0x80, s20, s11, $0xb8;
	[tilespmem:$0x1D000] =	vst v63  }
0x77: {  	_ =	swait.ge [sflag:s16], $0x4000  }
0x78: {  	[sflag:s16] =	ssyncset.done $0x0  }
0x79: {  	[sflag:s16] =	ssyncadd.s32 $0xFFFFC000  }
0x7a: {  	[tilespmem:s12], [sflag:$0x1] =	stream.indirect.gather [hbm4b:s5+s11], $0x80, s21, s11, $0xb8;
	[tilespmem:$0x1D000] =	vst v63  }
0x7b: {  	_ =	swait.ge [sflag:s17], $0x4000  }
0x7c: {  	[sflag:s17] =	ssyncset.done $0x0  }
0x7d: {  	[sflag:s17] =	ssyncadd.s32 $0xFFFFC000  }
0x7e: {  	[spmem:s3] =	stream.indirect.scatter.add.f32 [tilespmem:s14], [sflag:$0x4], $0x80, s22, s11, $0xb8;
	[tilespmem:$0x1D000] =	vst v63  }
0x7f: {  	_ =	swait.ge [sflag:s18], $0x4000  }
0x80: {  	[sflag:s18] =	ssyncset.done $0x0  }
0x81: {  	[sflag:s18] =	ssyncadd.s32 $0xFFFFC000  }
0x82: {  	[tilespmem:s14], [sflag:$0x2] =	stream.indirect.gather [hbm4b:s5+s11], $0x80, s23, s11, $0xb8;
	[tilespmem:$0x1D000] =	vst v63  }
0x83: {  	_ =	swait.ge [sflag:s15], $0x4000  }
0x84: {  	[sflag:s15] =	ssyncset.done $0x0  }
0x85: {  	[sflag:s15] =	ssyncadd.s32 $0xFFFFC000  }
0x86: {  	[spmem:s3] =	stream.indirect.scatter.add.f32 [tilespmem:s12], [sflag:$0x3], $0x80, s24, s11, $0xb8;
	[tilespmem:$0x1D000] =	vst v63  }
0x87: {  	_ =	swait.ge [sflag:s16], $0x4000  }
0x88: {  	[sflag:s16] =	ssyncset.done $0x0  }
0x89: {  	[sflag:s16] =	ssyncadd.s32 $0xFFFFC000  }
0x8a: {  	[tilespmem:s12], [sflag:$0x1] =	stream.indirect.gather [hbm4b:s5+s11], $0x80, s25, s11, $0xb8;
	[tilespmem:$0x1D000] =	vst v63  }
0x8b: {  	_ =	swait.ge [sflag:s17], $0x4000  }
0x8c: {  	[sflag:s17] =	ssyncset.done $0x0  }
0x8d: {  	[sflag:s17] =	ssyncadd.s32 $0xFFFFC000  }
0x8e: {  	[spmem:s3] =	stream.indirect.scatter.add.f32 [tilespmem:s14], [sflag:$0x4], $0x80, s26, s11, $0xb8;
	[tilespmem:$0x1D000] =	vst v63  }
0x8f: {  	_ =	swait.ge [sflag:s18], $0x4000  }
0x90: {  	[sflag:s18] =	ssyncset.done $0x0  }
0x91: {  	[sflag:s18] =	ssyncadd.s32 $0xFFFFC000  }
0x92: {  	[tilespmem:s14], [sflag:$0x2] =	stream.indirect.gather [hbm4b:s5+s11], $0x80, s28, s11, $0xb8;
	[tilespmem:$0x1D000] =	vst v63  }
0x93: {  	_ =	swait.ge [sflag:s15], $0x4000  }
0x94: {  	[sflag:s15] =	ssyncset.done $0x0  }
0x95: {  	[sflag:s15] =	ssyncadd.s32 $0xFFFFC000  }
0x96: {  	[spmem:s3] =	stream.indirect.scatter.add.f32 [tilespmem:s12], [sflag:$0x3], $0x80, s29, s11, $0xb8;
	[tilespmem:$0x1D000] =	vst v63  }
0x97: {  	_ =	swait.ge [sflag:s16], $0x4000  }
0x98: {  	[sflag:s16] =	ssyncset.done $0x0  }
0x99: {  	[sflag:s16] =	ssyncadd.s32 $0xFFFFC000  }
0x9a: {  	[tilespmem:s12], [sflag:$0x1] =	stream.indirect.gather [hbm4b:s5+s11], $0x80, s30, s11, $0xb8;
	[tilespmem:$0x1D000] =	vst v63  }
0x9b: {  	_ =	swait.ge [sflag:s17], $0x4000  }
0x9c: {  	[sflag:s17] =	ssyncset.done $0x0  }
0x9d: {  	[sflag:s17] =	ssyncadd.s32 $0xFFFFC000  }
0x9e: {  	[spmem:s3] =	stream.indirect.scatter.add.f32 [tilespmem:s14], [sflag:$0x4], $0x80, s31, s11, $0xb8;
	[tilespmem:$0x1D000] =	vst v63  }
0x9f: {  	_ =	swait.ge [sflag:s18], $0x4000  }
0xa0: {  	[sflag:s18] =	ssyncset.done $0x0  }
0xa1: {  	[sflag:s18] =	ssyncadd.s32 $0xFFFFC000  }
0xa2: {  	[tilespmem:s14], [sflag:$0x2] =	stream.indirect.gather [hbm4b:s5+s11], $0x80, s1, s11, $0xb8;
	[tilespmem:$0x1D000] =	vst v63  }
0xa3: {  	_ =	swait.ge [sflag:s15], $0x4000  }
0xa4: {  	[sflag:s15] =	ssyncset.done $0x0  }
0xa5: {  	[sflag:s15] =	ssyncadd.s32 $0xFFFFC000  }
0xa6: {  	[spmem:s3] =	stream.indirect.scatter.add.f32 [tilespmem:s12], [sflag:$0x3], $0x80, s0, s11, $0xb8;
	[tilespmem:$0x1D000] =	vst v63  }
0xa7: {  	_ =	swait.ge [sflag:s17], $0x4000  }
0xa8: {  	[sflag:s17] =	ssyncset.done $0x0  }
0xa9: {  	[sflag:s17] =	ssyncadd.s32 $0xFFFFC000  }
0xaa: {  	[spmem:s3] =	stream.indirect.scatter.add.f32 [tilespmem:s14], [sflag:$0x4], $0x80, s2, s11, $0xb8;
	[tilespmem:$0x1D000] =	vst v63  }
0xab: {  	_ =	swait.ge [sflag:s16], $0x4000  }
0xac: {  	[sflag:s16] =	ssyncset.done $0x0  }
0xad: {  	[sflag:s16] =	ssyncadd.s32 $0xFFFFC000  }
0xae: {  	s6 =	simm.s32 $0x200;
	_ =	swait.ge [sflag:s18], $0x4000  }
0xaf: {  	s8 =	simm.s32 $0x100;
	s9 =	rddreg [dreg:$0x5];
	[sflag:s18] =	ssyncset.done $0x0  }
.LBB2_2:
0xb0: {  	[sflag:s18] =	ssyncadd.s32 $0xFFFFC000;
	s9 =	sadd.s32 s8, s9  }
0xb1: {  	[tilespmem:s4], [sflag:$0x5] =	stream.linear.gather [hbm4b:s9+s4], $0x800, $0x38;
	[tilespmem:$0x1D000] =	vst v63  }
0xb2: {  	_ =	swait.ge [sflag:s10], $0x800  }
0xb3: {  	[sflag:s10] =	ssyncset.done $0x0  }
0xb4: {  	s9 =	rddreg [dreg:$0x4];
	[sflag:s10] =	ssyncadd.s32 $0xFFFFF800  }
0xb5: {  	[tilespmem:s12], [sflag:$0x1] =	stream.indirect.gather [hbm4b:s5+s11], $0x80, s4, s11, $0xb8;
	[tilespmem:$0x1D000] =	vst v63  }
0xb6: {  	s9 =	sadd.s32 s8, s9  }
0xb7: {  	[tilespmem:s13], [sflag:$0x5] =	stream.linear.gather [hbm4b:s9+s4], $0x800, $0x38;
	[tilespmem:$0x1D000] =	vst v63  }
0xb8: {  	_ =	swait.ge [sflag:s10], $0x800  }
0xb9: {  	[sflag:s10] =	ssyncset.done $0x0  }
0xba: {  	[sflag:s10] =	ssyncadd.s32 $0xFFFFF800  }
0xbb: {  	[tilespmem:s14], [sflag:$0x2] =	stream.indirect.gather [hbm4b:s5+s11], $0x80, s11, s11, $0xb8;
	[tilespmem:$0x1D000] =	vst v63  }
0xbc: {  	_ =	swait.ge [sflag:s15], $0x4000  }
0xbd: {  	[sflag:s15] =	ssyncset.done $0x0  }
0xbe: {  	[sflag:s15] =	ssyncadd.s32 $0xFFFFC000  }
0xbf: {  	[spmem:s3] =	stream.indirect.scatter.add.f32 [tilespmem:s12], [sflag:$0x3], $0x80, s13, s11, $0xb8;
	[tilespmem:$0x1D000] =	vst v63  }
0xc0: {  	_ =	swait.ge [sflag:s16], $0x4000  }
0xc1: {  	[sflag:s16] =	ssyncset.done $0x0  }
0xc2: {  	s9 =	rddreg [dreg:$0x6];
	[sflag:s16] =	ssyncadd.s32 $0xFFFFC000  }
0xc3: {  	[tilespmem:s12], [sflag:$0x1] =	stream.indirect.gather [hbm4b:s5+s11], $0x80, s9, s11, $0xb8;
	[tilespmem:$0x1D000] =	vst v63  }
0xc4: {  	_ =	swait.ge [sflag:s17], $0x4000  }
0xc5: {  	[sflag:s17] =	ssyncset.done $0x0  }
0xc6: {  	s9 =	rddreg [dreg:$0x7];
	[sflag:s17] =	ssyncadd.s32 $0xFFFFC000  }
0xc7: {  	[spmem:s3] =	stream.indirect.scatter.add.f32 [tilespmem:s14], [sflag:$0x4], $0x80, s9, s11, $0xb8;
	[tilespmem:$0x1D000] =	vst v63  }
0xc8: {  	_ =	swait.ge [sflag:s18], $0x4000  }
0xc9: {  	[sflag:s18] =	ssyncset.done $0x0  }
0xca: {  	s9 =	rddreg [dreg:$0x8];
	[sflag:s18] =	ssyncadd.s32 $0xFFFFC000  }
0xcb: {  	[tilespmem:s14], [sflag:$0x2] =	stream.indirect.gather [hbm4b:s5+s11], $0x80, s9, s11, $0xb8;
	[tilespmem:$0x1D000] =	vst v63  }
0xcc: {  	_ =	swait.ge [sflag:s15], $0x4000  }
0xcd: {  	[sflag:s15] =	ssyncset.done $0x0  }
0xce: {  	s9 =	rddreg [dreg:$0x9];
	[sflag:s15] =	ssyncadd.s32 $0xFFFFC000  }
0xcf: {  	[spmem:s3] =	stream.indirect.scatter.add.f32 [tilespmem:s12], [sflag:$0x3], $0x80, s9, s11, $0xb8;
	[tilespmem:$0x1D000] =	vst v63  }
0xd0: {  	_ =	swait.ge [sflag:s16], $0x4000  }
0xd1: {  	[sflag:s16] =	ssyncset.done $0x0  }
0xd2: {  	s9 =	rddreg [dreg:$0xa];
	[sflag:s16] =	ssyncadd.s32 $0xFFFFC000  }
0xd3: {  	[tilespmem:s12], [sflag:$0x1] =	stream.indirect.gather [hbm4b:s5+s11], $0x80, s9, s11, $0xb8;
	[tilespmem:$0x1D000] =	vst v63  }
0xd4: {  	_ =	swait.ge [sflag:s17], $0x4000  }
0xd5: {  	[sflag:s17] =	ssyncset.done $0x0  }
0xd6: {  	s9 =	rddreg [dreg:$0xb];
	[sflag:s17] =	ssyncadd.s32 $0xFFFFC000  }
0xd7: {  	[spmem:s3] =	stream.indirect.scatter.add.f32 [tilespmem:s14], [sflag:$0x4], $0x80, s9, s11, $0xb8;
	[tilespmem:$0x1D000] =	vst v63  }
0xd8: {  	_ =	swait.ge [sflag:s18], $0x4000  }
0xd9: {  	[sflag:s18] =	ssyncset.done $0x0  }
0xda: {  	s9 =	rddreg [dreg:$0xc];
	[sflag:s18] =	ssyncadd.s32 $0xFFFFC000  }
0xdb: {  	[tilespmem:s14], [sflag:$0x2] =	stream.indirect.gather [hbm4b:s5+s11], $0x80, s9, s11, $0xb8;
	[tilespmem:$0x1D000] =	vst v63  }
0xdc: {  	_ =	swait.ge [sflag:s15], $0x4000  }
0xdd: {  	[sflag:s15] =	ssyncset.done $0x0  }
0xde: {  	s9 =	rddreg [dreg:$0xd];
	[sflag:s15] =	ssyncadd.s32 $0xFFFFC000  }
0xdf: {  	[spmem:s3] =	stream.indirect.scatter.add.f32 [tilespmem:s12], [sflag:$0x3], $0x80, s9, s11, $0xb8;
	[tilespmem:$0x1D000] =	vst v63  }
0xe0: {  	_ =	swait.ge [sflag:s16], $0x4000  }
0xe1: {  	[sflag:s16] =	ssyncset.done $0x0  }
0xe2: {  	s9 =	rddreg [dreg:$0xe];
	[sflag:s16] =	ssyncadd.s32 $0xFFFFC000  }
0xe3: {  	[tilespmem:s12], [sflag:$0x1] =	stream.indirect.gather [hbm4b:s5+s11], $0x80, s9, s11, $0xb8;
	[tilespmem:$0x1D000] =	vst v63  }
0xe4: {  	_ =	swait.ge [sflag:s17], $0x4000  }
0xe5: {  	[sflag:s17] =	ssyncset.done $0x0  }
0xe6: {  	s9 =	rddreg [dreg:$0xf];
	[sflag:s17] =	ssyncadd.s32 $0xFFFFC000  }
0xe7: {  	[spmem:s3] =	stream.indirect.scatter.add.f32 [tilespmem:s14], [sflag:$0x4], $0x80, s9, s11, $0xb8;
	[tilespmem:$0x1D000] =	vst v63  }
0xe8: {  	_ =	swait.ge [sflag:s18], $0x4000  }
0xe9: {  	[sflag:s18] =	ssyncset.done $0x0  }
0xea: {  	s9 =	rddreg [dreg:$0x10];
	[sflag:s18] =	ssyncadd.s32 $0xFFFFC000  }
0xeb: {  	[tilespmem:s14], [sflag:$0x2] =	stream.indirect.gather [hbm4b:s5+s11], $0x80, s9, s11, $0xb8;
	[tilespmem:$0x1D000] =	vst v63  }
0xec: {  	_ =	swait.ge [sflag:s15], $0x4000  }
0xed: {  	[sflag:s15] =	ssyncset.done $0x0  }
0xee: {  	s9 =	rddreg [dreg:$0x11];
	[sflag:s15] =	ssyncadd.s32 $0xFFFFC000  }
0xef: {  	[spmem:s3] =	stream.indirect.scatter.add.f32 [tilespmem:s12], [sflag:$0x3], $0x80, s9, s11, $0xb8;
	[tilespmem:$0x1D000] =	vst v63  }
0xf0: {  	_ =	swait.ge [sflag:s16], $0x4000  }
0xf1: {  	[sflag:s16] =	ssyncset.done $0x0  }
0xf2: {  	s9 =	rddreg [dreg:$0x12];
	[sflag:s16] =	ssyncadd.s32 $0xFFFFC000  }
0xf3: {  	[tilespmem:s12], [sflag:$0x1] =	stream.indirect.gather [hbm4b:s5+s11], $0x80, s9, s11, $0xb8;
	[tilespmem:$0x1D000] =	vst v63  }
0xf4: {  	_ =	swait.ge [sflag:s17], $0x4000  }
0xf5: {  	[sflag:s17] =	ssyncset.done $0x0  }
0xf6: {  	s9 =	rddreg [dreg:$0x13];
	[sflag:s17] =	ssyncadd.s32 $0xFFFFC000  }
0xf7: {  	[spmem:s3] =	stream.indirect.scatter.add.f32 [tilespmem:s14], [sflag:$0x4], $0x80, s9, s11, $0xb8;
	[tilespmem:$0x1D000] =	vst v63  }
0xf8: {  	_ =	swait.ge [sflag:s18], $0x4000  }
0xf9: {  	[sflag:s18] =	ssyncset.done $0x0  }
0xfa: {  	[sflag:s18] =	ssyncadd.s32 $0xFFFFC000  }
0xfb: {  	[tilespmem:s14], [sflag:$0x2] =	stream.indirect.gather [hbm4b:s5+s11], $0x80, s19, s11, $0xb8;
	[tilespmem:$0x1D000] =	vst v63  }
0xfc: {  	_ =	swait.ge [sflag:s15], $0x4000  }
0xfd: {  	[sflag:s15] =	ssyncset.done $0x0  }
0xfe: {  	[sflag:s15] =	ssyncadd.s32 $0xFFFFC000  }
0xff: {  	[spmem:s3] =	stream.indirect.scatter.add.f32 [tilespmem:s12], [sflag:$0x3], $0x80, s20, s11, $0xb8;
	[tilespmem:$0x1D000] =	vst v63  }
0x100: {  	_ =	swait.ge [sflag:s16], $0x4000  }
0x101: {  	[sflag:s16] =	ssyncset.done $0x0  }
0x102: {  	[sflag:s16] =	ssyncadd.s32 $0xFFFFC000  }
0x103: {  	[tilespmem:s12], [sflag:$0x1] =	stream.indirect.gather [hbm4b:s5+s11], $0x80, s21, s11, $0xb8;
	[tilespmem:$0x1D000] =	vst v63  }
0x104: {  	_ =	swait.ge [sflag:s17], $0x4000  }
0x105: {  	[sflag:s17] =	ssyncset.done $0x0  }
0x106: {  	[sflag:s17] =	ssyncadd.s32 $0xFFFFC000  }
0x107: {  	[spmem:s3] =	stream.indirect.scatter.add.f32 [tilespmem:s14], [sflag:$0x4], $0x80, s22, s11, $0xb8;
	[tilespmem:$0x1D000] =	vst v63  }
0x108: {  	_ =	swait.ge [sflag:s18], $0x4000  }
0x109: {  	[sflag:s18] =	ssyncset.done $0x0  }
0x10a: {  	[sflag:s18] =	ssyncadd.s32 $0xFFFFC000  }
0x10b: {  	[tilespmem:s14], [sflag:$0x2] =	stream.indirect.gather [hbm4b:s5+s11], $0x80, s23, s11, $0xb8;
	[tilespmem:$0x1D000] =	vst v63  }
0x10c: {  	_ =	swait.ge [sflag:s15], $0x4000  }
0x10d: {  	[sflag:s15] =	ssyncset.done $0x0  }
0x10e: {  	[sflag:s15] =	ssyncadd.s32 $0xFFFFC000  }
0x10f: {  	[spmem:s3] =	stream.indirect.scatter.add.f32 [tilespmem:s12], [sflag:$0x3], $0x80, s24, s11, $0xb8;
	[tilespmem:$0x1D000] =	vst v63  }
0x110: {  	_ =	swait.ge [sflag:s16], $0x4000  }
0x111: {  	[sflag:s16] =	ssyncset.done $0x0  }
0x112: {  	[sflag:s16] =	ssyncadd.s32 $0xFFFFC000  }
0x113: {  	[tilespmem:s12], [sflag:$0x1] =	stream.indirect.gather [hbm4b:s5+s11], $0x80, s25, s11, $0xb8;
	[tilespmem:$0x1D000] =	vst v63  }
0x114: {  	_ =	swait.ge [sflag:s17], $0x4000  }
0x115: {  	[sflag:s17] =	ssyncset.done $0x0  }
0x116: {  	[sflag:s17] =	ssyncadd.s32 $0xFFFFC000  }
0x117: {  	[spmem:s3] =	stream.indirect.scatter.add.f32 [tilespmem:s14], [sflag:$0x4], $0x80, s26, s11, $0xb8;
	[tilespmem:$0x1D000] =	vst v63  }
0x118: {  	_ =	swait.ge [sflag:s18], $0x4000  }
0x119: {  	[sflag:s18] =	ssyncset.done $0x0  }
0x11a: {  	[sflag:s18] =	ssyncadd.s32 $0xFFFFC000  }
0x11b: {  	[tilespmem:s14], [sflag:$0x2] =	stream.indirect.gather [hbm4b:s5+s11], $0x80, s28, s11, $0xb8;
	[tilespmem:$0x1D000] =	vst v63  }
0x11c: {  	_ =	swait.ge [sflag:s15], $0x4000  }
0x11d: {  	[sflag:s15] =	ssyncset.done $0x0  }
0x11e: {  	[sflag:s15] =	ssyncadd.s32 $0xFFFFC000  }
0x11f: {  	[spmem:s3] =	stream.indirect.scatter.add.f32 [tilespmem:s12], [sflag:$0x3], $0x80, s29, s11, $0xb8;
	[tilespmem:$0x1D000] =	vst v63  }
0x120: {  	_ =	swait.ge [sflag:s16], $0x4000  }
0x121: {  	[sflag:s16] =	ssyncset.done $0x0  }
0x122: {  	[sflag:s16] =	ssyncadd.s32 $0xFFFFC000  }
0x123: {  	[tilespmem:s12], [sflag:$0x1] =	stream.indirect.gather [hbm4b:s5+s11], $0x80, s30, s11, $0xb8;
	[tilespmem:$0x1D000] =	vst v63  }
0x124: {  	_ =	swait.ge [sflag:s17], $0x4000  }
0x125: {  	[sflag:s17] =	ssyncset.done $0x0  }
0x126: {  	[sflag:s17] =	ssyncadd.s32 $0xFFFFC000  }
0x127: {  	[spmem:s3] =	stream.indirect.scatter.add.f32 [tilespmem:s14], [sflag:$0x4], $0x80, s31, s11, $0xb8;
	[tilespmem:$0x1D000] =	vst v63  }
0x128: {  	_ =	swait.ge [sflag:s18], $0x4000  }
0x129: {  	[sflag:s18] =	ssyncset.done $0x0  }
0x12a: {  	[sflag:s18] =	ssyncadd.s32 $0xFFFFC000  }
0x12b: {  	[tilespmem:s14], [sflag:$0x2] =	stream.indirect.gather [hbm4b:s5+s11], $0x80, s1, s11, $0xb8;
	[tilespmem:$0x1D000] =	vst v63  }
0x12c: {  	_ =	swait.ge [sflag:s15], $0x4000  }
0x12d: {  	[sflag:s15] =	ssyncset.done $0x0  }
0x12e: {  	[sflag:s15] =	ssyncadd.s32 $0xFFFFC000  }
0x12f: {  	[spmem:s3] =	stream.indirect.scatter.add.f32 [tilespmem:s12], [sflag:$0x3], $0x80, s0, s11, $0xb8;
	[tilespmem:$0x1D000] =	vst v63  }
0x130: {  	_ =	swait.ge [sflag:s17], $0x4000  }
0x131: {  	[sflag:s17] =	ssyncset.done $0x0  }
0x132: {  	p0 =	sne.s32 s6, $0x400;
	[sflag:s17] =	ssyncadd.s32 $0xFFFFC000  }
0x133: {  	[spmem:s3] =	stream.indirect.scatter.add.f32 [tilespmem:s14], [sflag:$0x4], $0x80, s2, s11, $0xb8;
	[tilespmem:$0x1D000] =	vst v63  }
.Ltmp0:
0x134: {  	_ =	swait.ge [sflag:s16], $0x4000;
	(pc) =	sbr.rel @p0 .LBB2_2-.Ltmp0, $4  }
0x135: {  	[sflag:s16] =	ssyncset.done $0x0  }
0x136: {  	[sflag:s16] =	ssyncadd.s32 $0xFFFFC000  }
0x137: {  	s7 =	smov.u32 s6;
	s6 =	sadd.s32 $0x100, s6;
	_ =	swait.ge [sflag:s18], $0x4000  }
0x138: {  	s8 =	smov.u32 s7;
	s9 =	rddreg [dreg:$0x5];
	[sflag:s18] =	ssyncset.done $0x0  }
0x139: {  	[sflag:s18] =	ssyncadd.s32 $0xFFFFC000;
	s6 =	sadd.s32 s8, s9  }
0x13a: {  	[tilespmem:s4], [sflag:$0x5] =	stream.linear.gather [hbm4b:s6+s4], $0x800, $0x38;
	[tilespmem:$0x1D000] =	vst v63  }
0x13b: {  	_ =	swait.ge [sflag:s10], $0x800  }
0x13c: {  	[sflag:s10] =	ssyncset.done $0x0  }
0x13d: {  	s9 =	rddreg [dreg:$0x4];
	[sflag:s10] =	ssyncadd.s32 $0xFFFFF800  }
0x13e: {  	[tilespmem:s12], [sflag:$0x1] =	stream.indirect.gather [hbm4b:s5+s11], $0x80, s4, s11, $0xb8;
	[tilespmem:$0x1D000] =	vst v63  }
0x13f: {  	s6 =	sadd.s32 s8, s9  }
0x140: {  	[tilespmem:s13], [sflag:$0x5] =	stream.linear.gather [hbm4b:s6+s4], $0x800, $0x38;
	[tilespmem:$0x1D000] =	vst v63  }
0x141: {  	_ =	swait.ge [sflag:s10], $0x800  }
0x142: {  	[sflag:s10] =	ssyncset.done $0x0  }
0x143: {  	[sflag:s10] =	ssyncadd.s32 $0xFFFFF800  }
0x144: {  	[tilespmem:s14], [sflag:$0x2] =	stream.indirect.gather [hbm4b:s5+s11], $0x80, s11, s11, $0xb8;
	[tilespmem:$0x1D000] =	vst v63  }
0x145: {  	_ =	swait.ge [sflag:s15], $0x4000  }
0x146: {  	[sflag:s15] =	ssyncset.done $0x0  }
0x147: {  	[sflag:s15] =	ssyncadd.s32 $0xFFFFC000  }
0x148: {  	[spmem:s3] =	stream.indirect.scatter.add.f32 [tilespmem:s12], [sflag:$0x3], $0x80, s13, s11, $0xb8;
	[tilespmem:$0x1D000] =	vst v63  }
0x149: {  	_ =	swait.ge [sflag:s16], $0x4000  }
0x14a: {  	[sflag:s16] =	ssyncset.done $0x0  }
0x14b: {  	s7 =	rddreg [dreg:$0x6];
	[sflag:s16] =	ssyncadd.s32 $0xFFFFC000  }
0x14c: {  	[tilespmem:s12], [sflag:$0x1] =	stream.indirect.gather [hbm4b:s5+s11], $0x80, s7, s11, $0xb8;
	[tilespmem:$0x1D000] =	vst v63  }
0x14d: {  	_ =	swait.ge [sflag:s17], $0x4000  }
0x14e: {  	[sflag:s17] =	ssyncset.done $0x0  }
0x14f: {  	s8 =	rddreg [dreg:$0x7];
	[sflag:s17] =	ssyncadd.s32 $0xFFFFC000  }
0x150: {  	[spmem:s3] =	stream.indirect.scatter.add.f32 [tilespmem:s14], [sflag:$0x4], $0x80, s8, s11, $0xb8;
	[tilespmem:$0x1D000] =	vst v63  }
0x151: {  	_ =	swait.ge [sflag:s18], $0x4000  }
0x152: {  	[sflag:s18] =	ssyncset.done $0x0  }
0x153: {  	s9 =	rddreg [dreg:$0x8];
	[sflag:s18] =	ssyncadd.s32 $0xFFFFC000  }
0x154: {  	[tilespmem:s14], [sflag:$0x2] =	stream.indirect.gather [hbm4b:s5+s11], $0x80, s9, s11, $0xb8;
	[tilespmem:$0x1D000] =	vst v63  }
0x155: {  	_ =	swait.ge [sflag:s15], $0x4000  }
0x156: {  	[sflag:s15] =	ssyncset.done $0x0  }
0x157: {  	s7 =	rddreg [dreg:$0x9];
	[sflag:s15] =	ssyncadd.s32 $0xFFFFC000  }
0x158: {  	[spmem:s3] =	stream.indirect.scatter.add.f32 [tilespmem:s12], [sflag:$0x3], $0x80, s7, s11, $0xb8;
	[tilespmem:$0x1D000] =	vst v63  }
0x159: {  	_ =	swait.ge [sflag:s16], $0x4000  }
0x15a: {  	[sflag:s16] =	ssyncset.done $0x0  }
0x15b: {  	s8 =	rddreg [dreg:$0xa];
	[sflag:s16] =	ssyncadd.s32 $0xFFFFC000  }
0x15c: {  	[tilespmem:s12], [sflag:$0x1] =	stream.indirect.gather [hbm4b:s5+s11], $0x80, s8, s11, $0xb8;
	[tilespmem:$0x1D000] =	vst v63  }
0x15d: {  	_ =	swait.ge [sflag:s17], $0x4000  }
0x15e: {  	[sflag:s17] =	ssyncset.done $0x0  }
0x15f: {  	s9 =	rddreg [dreg:$0xb];
	[sflag:s17] =	ssyncadd.s32 $0xFFFFC000  }
0x160: {  	[spmem:s3] =	stream.indirect.scatter.add.f32 [tilespmem:s14], [sflag:$0x4], $0x80, s9, s11, $0xb8;
	[tilespmem:$0x1D000] =	vst v63  }
0x161: {  	_ =	swait.ge [sflag:s18], $0x4000  }
0x162: {  	[sflag:s18] =	ssyncset.done $0x0  }
0x163: {  	s7 =	rddreg [dreg:$0xc];
	[sflag:s18] =	ssyncadd.s32 $0xFFFFC000  }
0x164: {  	[tilespmem:s14], [sflag:$0x2] =	stream.indirect.gather [hbm4b:s5+s11], $0x80, s7, s11, $0xb8;
	[tilespmem:$0x1D000] =	vst v63  }
0x165: {  	_ =	swait.ge [sflag:s15], $0x4000  }
0x166: {  	[sflag:s15] =	ssyncset.done $0x0  }
0x167: {  	s8 =	rddreg [dreg:$0xd];
	[sflag:s15] =	ssyncadd.s32 $0xFFFFC000  }
0x168: {  	[spmem:s3] =	stream.indirect.scatter.add.f32 [tilespmem:s12], [sflag:$0x3], $0x80, s8, s11, $0xb8;
	[tilespmem:$0x1D000] =	vst v63  }
0x169: {  	_ =	swait.ge [sflag:s16], $0x4000  }
0x16a: {  	[sflag:s16] =	ssyncset.done $0x0  }
0x16b: {  	s9 =	rddreg [dreg:$0xe];
	[sflag:s16] =	ssyncadd.s32 $0xFFFFC000  }
0x16c: {  	[tilespmem:s12], [sflag:$0x1] =	stream.indirect.gather [hbm4b:s5+s11], $0x80, s9, s11, $0xb8;
	[tilespmem:$0x1D000] =	vst v63  }
0x16d: {  	_ =	swait.ge [sflag:s17], $0x4000  }
0x16e: {  	[sflag:s17] =	ssyncset.done $0x0  }
0x16f: {  	s7 =	rddreg [dreg:$0xf];
	[sflag:s17] =	ssyncadd.s32 $0xFFFFC000  }
0x170: {  	[spmem:s3] =	stream.indirect.scatter.add.f32 [tilespmem:s14], [sflag:$0x4], $0x80, s7, s11, $0xb8;
	[tilespmem:$0x1D000] =	vst v63  }
0x171: {  	_ =	swait.ge [sflag:s18], $0x4000  }
0x172: {  	[sflag:s18] =	ssyncset.done $0x0  }
0x173: {  	s8 =	rddreg [dreg:$0x10];
	[sflag:s18] =	ssyncadd.s32 $0xFFFFC000  }
0x174: {  	[tilespmem:s14], [sflag:$0x2] =	stream.indirect.gather [hbm4b:s5+s11], $0x80, s8, s11, $0xb8;
	[tilespmem:$0x1D000] =	vst v63  }
0x175: {  	_ =	swait.ge [sflag:s15], $0x4000  }
0x176: {  	[sflag:s15] =	ssyncset.done $0x0  }
0x177: {  	s9 =	rddreg [dreg:$0x11];
	[sflag:s15] =	ssyncadd.s32 $0xFFFFC000  }
0x178: {  	[spmem:s3] =	stream.indirect.scatter.add.f32 [tilespmem:s12], [sflag:$0x3], $0x80, s9, s11, $0xb8;
	[tilespmem:$0x1D000] =	vst v63  }
0x179: {  	_ =	swait.ge [sflag:s16], $0x4000  }
0x17a: {  	[sflag:s16] =	ssyncset.done $0x0  }
0x17b: {  	s7 =	rddreg [dreg:$0x12];
	[sflag:s16] =	ssyncadd.s32 $0xFFFFC000  }
0x17c: {  	[tilespmem:s12], [sflag:$0x1] =	stream.indirect.gather [hbm4b:s5+s11], $0x80, s7, s11, $0xb8;
	[tilespmem:$0x1D000] =	vst v63  }
0x17d: {  	_ =	swait.ge [sflag:s17], $0x4000  }
0x17e: {  	[sflag:s17] =	ssyncset.done $0x0  }
0x17f: {  	s8 =	rddreg [dreg:$0x13];
	[sflag:s17] =	ssyncadd.s32 $0xFFFFC000  }
0x180: {  	[spmem:s3] =	stream.indirect.scatter.add.f32 [tilespmem:s14], [sflag:$0x4], $0x80, s8, s11, $0xb8;
	[tilespmem:$0x1D000] =	vst v63  }
0x181: {  	_ =	swait.ge [sflag:s18], $0x4000  }
0x182: {  	[sflag:s18] =	ssyncset.done $0x0  }
0x183: {  	[sflag:s18] =	ssyncadd.s32 $0xFFFFC000  }
0x184: {  	[tilespmem:s14], [sflag:$0x2] =	stream.indirect.gather [hbm4b:s5+s11], $0x80, s19, s11, $0xb8;
	[tilespmem:$0x1D000] =	vst v63  }
0x185: {  	_ =	swait.ge [sflag:s15], $0x4000  }
0x186: {  	[sflag:s15] =	ssyncset.done $0x0  }
0x187: {  	[sflag:s15] =	ssyncadd.s32 $0xFFFFC000  }
0x188: {  	[spmem:s3] =	stream.indirect.scatter.add.f32 [tilespmem:s12], [sflag:$0x3], $0x80, s20, s11, $0xb8;
	[tilespmem:$0x1D000] =	vst v63  }
0x189: {  	_ =	swait.ge [sflag:s16], $0x4000  }
0x18a: {  	[sflag:s16] =	ssyncset.done $0x0  }
0x18b: {  	[sflag:s16] =	ssyncadd.s32 $0xFFFFC000  }
0x18c: {  	[tilespmem:s12], [sflag:$0x1] =	stream.indirect.gather [hbm4b:s5+s11], $0x80, s21, s11, $0xb8;
	[tilespmem:$0x1D000] =	vst v63  }
0x18d: {  	_ =	swait.ge [sflag:s17], $0x4000  }
0x18e: {  	[sflag:s17] =	ssyncset.done $0x0  }
0x18f: {  	[sflag:s17] =	ssyncadd.s32 $0xFFFFC000  }
0x190: {  	[spmem:s3] =	stream.indirect.scatter.add.f32 [tilespmem:s14], [sflag:$0x4], $0x80, s22, s11, $0xb8;
	[tilespmem:$0x1D000] =	vst v63  }
0x191: {  	_ =	swait.ge [sflag:s18], $0x4000  }
0x192: {  	[sflag:s18] =	ssyncset.done $0x0  }
0x193: {  	[sflag:s18] =	ssyncadd.s32 $0xFFFFC000  }
0x194: {  	[tilespmem:s14], [sflag:$0x2] =	stream.indirect.gather [hbm4b:s5+s11], $0x80, s23, s11, $0xb8;
	[tilespmem:$0x1D000] =	vst v63  }
0x195: {  	_ =	swait.ge [sflag:s15], $0x4000  }
0x196: {  	[sflag:s15] =	ssyncset.done $0x0  }
0x197: {  	[sflag:s15] =	ssyncadd.s32 $0xFFFFC000  }
0x198: {  	[spmem:s3] =	stream.indirect.scatter.add.f32 [tilespmem:s12], [sflag:$0x3], $0x80, s24, s11, $0xb8;
	[tilespmem:$0x1D000] =	vst v63  }
0x199: {  	_ =	swait.ge [sflag:s16], $0x4000  }
0x19a: {  	[sflag:s16] =	ssyncset.done $0x0  }
0x19b: {  	[sflag:s16] =	ssyncadd.s32 $0xFFFFC000  }
0x19c: {  	[tilespmem:s12], [sflag:$0x1] =	stream.indirect.gather [hbm4b:s5+s11], $0x80, s25, s11, $0xb8;
	[tilespmem:$0x1D000] =	vst v63  }
0x19d: {  	_ =	swait.ge [sflag:s17], $0x4000  }
0x19e: {  	[sflag:s17] =	ssyncset.done $0x0  }
0x19f: {  	[sflag:s17] =	ssyncadd.s32 $0xFFFFC000  }
0x1a0: {  	[spmem:s3] =	stream.indirect.scatter.add.f32 [tilespmem:s14], [sflag:$0x4], $0x80, s26, s11, $0xb8;
	[tilespmem:$0x1D000] =	vst v63  }
0x1a1: {  	_ =	swait.ge [sflag:s18], $0x4000  }
0x1a2: {  	[sflag:s18] =	ssyncset.done $0x0  }
0x1a3: {  	[sflag:s18] =	ssyncadd.s32 $0xFFFFC000  }
0x1a4: {  	[tilespmem:s14], [sflag:$0x2] =	stream.indirect.gather [hbm4b:s5+s11], $0x80, s28, s11, $0xb8;
	[tilespmem:$0x1D000] =	vst v63  }
0x1a5: {  	_ =	swait.ge [sflag:s15], $0x4000  }
0x1a6: {  	[sflag:s15] =	ssyncset.done $0x0  }
0x1a7: {  	[sflag:s15] =	ssyncadd.s32 $0xFFFFC000  }
0x1a8: {  	[spmem:s3] =	stream.indirect.scatter.add.f32 [tilespmem:s12], [sflag:$0x3], $0x80, s29, s11, $0xb8;
	[tilespmem:$0x1D000] =	vst v63  }
0x1a9: {  	_ =	swait.ge [sflag:s16], $0x4000  }
0x1aa: {  	[sflag:s16] =	ssyncset.done $0x0  }
0x1ab: {  	[sflag:s16] =	ssyncadd.s32 $0xFFFFC000  }
0x1ac: {  	[tilespmem:s12], [sflag:$0x1] =	stream.indirect.gather [hbm4b:s5+s11], $0x80, s30, s11, $0xb8;
	[tilespmem:$0x1D000] =	vst v63  }
0x1ad: {  	_ =	swait.ge [sflag:s17], $0x4000  }
0x1ae: {  	[sflag:s17] =	ssyncset.done $0x0  }
0x1af: {  	[sflag:s17] =	ssyncadd.s32 $0xFFFFC000  }
0x1b0: {  	[spmem:s3] =	stream.indirect.scatter.add.f32 [tilespmem:s14], [sflag:$0x4], $0x80, s31, s11, $0xb8;
	[tilespmem:$0x1D000] =	vst v63  }
0x1b1: {  	_ =	swait.ge [sflag:s18], $0x4000  }
0x1b2: {  	[sflag:s18] =	ssyncset.done $0x0  }
0x1b3: {  	[sflag:s18] =	ssyncadd.s32 $0xFFFFC000  }
0x1b4: {  	[tilespmem:s14], [sflag:$0x2] =	stream.indirect.gather [hbm4b:s5+s11], $0x80, s1, s11, $0xb8;
	[tilespmem:$0x1D000] =	vst v63  }
0x1b5: {  	_ =	swait.ge [sflag:s15], $0x4000  }
0x1b6: {  	[sflag:s15] =	ssyncset.done $0x0  }
0x1b7: {  	[sflag:s15] =	ssyncadd.s32 $0xFFFFC000  }
0x1b8: {  	[spmem:s3] =	stream.indirect.scatter.add.f32 [tilespmem:s12], [sflag:$0x3], $0x80, s0, s11, $0xb8;
	[tilespmem:$0x1D000] =	vst v63  }
0x1b9: {  	_ =	swait.ge [sflag:s17], $0x4000  }
0x1ba: {  	[sflag:s17] =	ssyncset.done $0x0  }
0x1bb: {  	[sflag:s17] =	ssyncadd.s32 $0xFFFFC000  }
0x1bc: {  	[spmem:s3] =	stream.indirect.scatter.add.f32 [tilespmem:s14], [sflag:$0x4], $0x80, s2, s11, $0xb8;
	[tilespmem:$0x1D000] =	vst v63  }
0x1bd: {  	_ =	swait.ge [sflag:s16], $0x4000  }
0x1be: {  	[sflag:s16] =	ssyncset.done $0x0  }
0x1bf: {  	[sflag:s16] =	ssyncadd.s32 $0xFFFFC000  }
0x1c0: {  	_ =	swait.ge [sflag:s18], $0x4000  }
0x1c1: {  	[sflag:s18] =	ssyncset.done $0x0  }
0x1c2: {  	[sflag:s18] =	ssyncadd.s32 $0xFFFFC000  }
0x1c3: {  	[bflag:$0x0] =	sbarrier.arrive $0xFFFF  }
0x1c4: {  	s7 =	rddreg [dreg:$0x14]  }
0x1c5: {  	s9 =	rddreg [dreg:$0x15]  }
0x1c6: {  	s8 =	rddreg [dreg:$0x17]  }
0x1c7: {  	[hbm:s9], [sflag:s7] =	dma.local [spmem:s8], $0x2800  }
0x1c8: {  	_ =	swait.ge [sflag:s10], $0x2800  }
0x1c9: {  	s6 =	rddreg [dreg:$0x18]  }
0x1ca: {  	s9 =	sadd.s32 $0x1, s6;
	s6 =	rddreg [dreg:$0x16]  }
0x1cb: {  	p0 =	sne.s32 s9, s6  }
.Ltmp1:
0x1cc: {  	_ = 	snop;
	(pc) =	sbr.rel @p0 .LBB2_1-.Ltmp1, $3  }
0x1cd: {  	_ =	sdelay $0x1  }
0x1ce: {  	[sflag:s10] =	ssyncset.done $0x0  }
0x1cf: {  	[sflag:s10] =	ssyncadd.s32 $0xFFFFD800  }
0x1d0: {  	_ =	sfence.sel $0x180000  }
0x1d1: {  	[bflag:$0x0] =	sbarrier.arrive $0xFFFF  }
0x1d2: {  	_ =	strace $0x9000004A  }
0x1d3: {  	s0 =	stileid.u32;
	[bflag:$0x2] =	sbarrier.arrive $0xFFFF  }
0x1d4: {  	p0 =	sne.s32 s0, $0x0;
	s0 =	rddreg [dreg:$0x3]  }
0x1d5: {  	s0 =	sadd.s32 @!p0 $0x100000, s0  }
0x1d6: {  	[sflag:s0] =	ssyncadd.tile.s32 @!p0 $0x1;
	_ =	shalt  }
.Lfunc_end2:
_tile_overlayer_lowered:
.L_overlay_start_2:
0x1d7: {  	(tag) =	ssettag $0x2  }
0x1d8: {  	s0 =	rddreg [dreg:$0x0];
	s2 =	stileid.u32  }
0x1d9: {  	s1 =	rddreg [dreg:$0x1];
	p0 =	sne.s32 s2, $0x0  }
0x1da: {  	s3 =	rddreg [dreg:$0x2];
	[bflag:$0x3] =	sbarrier.arrive $0xFFFF;
	s2 =	simm.s32 @!p0 $0x1C05  }
0x1db: {  	[timem:s3], [sflag:s2] =	dma.local @!p0 [hbm:s0], s1  }
0x1dc: {  	s0 =	simm.s32 @!p0 $0x5  }
0x1dd: {  	_ =	swait.ge @!p0 [sflag:s0], s1  }
0x1de: {  	s1 =	ssub.s32 @!p0 $0x0, s1;
	[sflag:s0] =	ssyncset.done @!p0 $0x0  }
0x1df: {  	[sflag:s0] =	ssyncadd.s32 @!p0 s1  }
0x1e0: {  	[bflag:$0x3] =	sbarrier.arrive $0xFFFF  }
0x1e1: {  	_ =	shalt  }

// kernel: kernel.7.cloned.1.call-start
scs
__scs_entry_jumppad:
0x0: {  	(pc) =	sbr.rel $0x88, $3  }
0x1: {  	(tag) =	ssettag $0x0;
	lr =	simm.s32 $0x1  }
0x2: {  	[smem:$0x3F9B] =	sst lr;
	_ =	strace $0xD0000000  }
0x3: {  	_ = 	snop  }
0x4: {  	_ = 	snop  }
0x5: {  	_ = 	snop  }
0x6: {  	_ = 	snop  }
0x7: {  	_ = 	snop  }
__scs_overlays_trampoline_lowered:
0x8: {  	[smem:$0x3FAA] =	sst s0  }
0x9: {  	[smem:$0x3FAB] =	sst s1  }
0xa: {  	[smem:$0x3FAC] =	sst s2  }
0xb: {  	[smem:$0x3FAD] =	sst s3  }
0xc: {  	[smem:$0x3FAE] =	sst s4  }
0xd: {  	[smem:$0x3FAF] =	sst s5  }
0xe: {  	[smem:$0x3FB0] =	sst s6  }
0xf: {  	[smem:$0x3FB1] =	sst s7  }
0x10: {  	[smem:$0x3FB2] =	sst s8  }
0x11: {  	[smem:$0x3FB3] =	sst s9;
	s0 =	simm.s32 @!p0 $0x0  }
0x12: {  	s1 =	sld [smem:$0x3F99];
	s0 =	simm.s32 @p0 $0x1  }
0x13: {  	[smem:$0x3FB4] =	sst s0;
	s0 =	simm.s32 @!p1 $0x0  }
0x14: {  	s2 =	sld [smem:$0x3F98];
	s0 =	simm.s32 @p1 $0x1  }
0x15: {  	[smem:$0x3FB5] =	sst s0;
	s0 =	simm.s32 @!p2 $0x0  }
0x16: {  	s3 =	sld [smem:$0x3FDB];
	s0 =	simm.s32 @p2 $0x1  }
0x17: {  	s4 =	simm.s32 $0x1BF5;
	[smem:$0x3FB7] =	sst s0  }
0x18: {  	s0 =	sld [smem:$0x3F9A];
	_ =	swait.ge [sflag:s4], $0x0  }
0x19: {  	s7 =	sld [smem:$0x3F9B]  }
0x1a: {  	s8 =	sadd.s32 $0xFFFFE003, lr  }
0x1b: {  	s9 =	sadd.s32 $0xFFFFFEF7, lr;
	s5 =	simm.s32 $0xFFFFFFFF;
	p2 =	slt.u32 s8, $0xFFFFF086  }
0x1c: {  	p1 =	slt.u32 s9, $0xF7A;
	s5 =	simm.s32 @!p2 $0x0  }
0x1d: {  	s5 =	simm.s32 @p1 $0x1;
	p0 =	seq.s32 s7, s2  }
0x1e: {  	s7 =	smul.u32 @!p0 $0xF7A, s2;
	p2 =	seq.s32 @!p0 s5, $0x0  }
0x1f: {  	s9 =	smul.u32 $0xF7A, s1;
	s8 =	simm.s32 @!p0 $0x1BF5;
	p2 =	por !p2, p0  }
0x20: {  	[sflag:s8] =	ssyncset.s32 @!p0 $0xFFFFF086;
	s6 =	sadd.s32 @!p0 s3, s7;
	s7 =	simm.s32 @!p0 $0x108  }
0x21: {  	s3 =	sadd.s32 s3, s9;
	s6 =	sadd.s32 @!p0 $0x88, s6;
	s7 =	simm.s32 @p2 $0x1082  }
0x22: {  	[simem:s7], [sflag:s8] =	dma.local @!p0 [hbm:s6], $0xF7A  }
0x23: {  	s9 =	sor.u32 $0xD0000000, s2;
	s6 =	simm.s32 $0x108;
	_ =	swait.ge @!p0 [sflag:s8], $0x0  }
0x24: {  	s3 =	sadd.s32 $0x88, s3;
	s6 =	simm.s32 @!p1 $0x1082;
	[sflag:s4] =	ssyncset.s32 $0xFFFFF086  }
0x25: {  	[simem:s6], [sflag:s4] =	dma.local [hbm:s3], $0xF7A  }
0x26: {  	[smem:$0x3F9B] =	sst s1;
	(tag) =	ssettag s2;
	_ =	strace s9  }
0x27: {  	s1 =	sld [smem:$0x3FAB]  }
0x28: {  	s2 =	sld [smem:$0x3FAC]  }
0x29: {  	s4 =	sld [smem:$0x3FAE]  }
0x2a: {  	p0 =	seq.s32 s5, $0x0;
	s5 =	sld [smem:$0x3FAF]  }
0x2b: {  	s6 =	sld [smem:$0x3FB0]  }
0x2c: {  	s7 =	sld [smem:$0x3FB1]  }
0x2d: {  	s3 =	simm.s32 $0x108;
	s8 =	sld [smem:$0x3FB2]  }
0x2e: {  	s3 =	simm.s32 @!p0 $0x1082;
	s9 =	sld [smem:$0x3FB3]  }
0x2f: {  	lr =	sadd.s32 s0, s3;
	s0 =	sld [smem:$0x3FAA]  }
0x30: {  	s3 =	sld [smem:$0x3FAD]  }
0x31: {  	[smem:$0x3FB6] =	sst s10  }
0x32: {  	s10 =	sld [smem:$0x3FB4];
	_ =	sdelay $0x3  }
0x33: {  	p0 =	seq.s32 s10, $0x1;
	s10 =	sld [smem:$0x3FB6];
	_ =	sdelay $0x3  }
0x34: {  	[smem:$0x3FB6] =	sst s10  }
0x35: {  	s10 =	sld [smem:$0x3FB5];
	_ =	sdelay $0x3  }
0x36: {  	p1 =	seq.s32 s10, $0x1;
	s10 =	sld [smem:$0x3FB6];
	_ =	sdelay $0x3  }
0x37: {  	[smem:$0x3FB6] =	sst s10  }
0x38: {  	s10 =	sld [smem:$0x3FB7]  }
0x39: {  	_ = 	snop;
	(pc) =	sbr.ind lr, $3  }
0x3a: {  	_ = 	snop  }
0x3b: {  	_ = 	snop  }
0x3c: {  	p2 =	seq.s32 s10, $0x1;
	s10 =	sld [smem:$0x3FB6]  }
0x3d: {  	_ =	shalt  }
0x3e: {  	_ =	shalt  }
0x3f: {  	_ =	shalt  }
0x40: {  	_ =	shalt  }
0x41: {  	_ =	shalt  }
0x42: {  	_ =	shalt  }
0x43: {  	_ =	shalt  }
0x44: {  	_ =	shalt  }
0x45: {  	_ =	shalt  }
0x46: {  	_ =	shalt  }
0x47: {  	_ =	shalt  }
0x48: {  	_ =	shalt  }
0x49: {  	_ =	shalt  }
0x4a: {  	_ =	shalt  }
0x4b: {  	_ =	shalt  }
0x4c: {  	_ =	shalt  }
0x4d: {  	_ =	shalt  }
0x4e: {  	_ =	shalt  }
0x4f: {  	_ =	shalt  }
0x50: {  	_ =	shalt  }
0x51: {  	_ =	shalt  }
0x52: {  	_ =	shalt  }
0x53: {  	_ =	shalt  }
0x54: {  	_ =	shalt  }
0x55: {  	_ =	shalt  }
0x56: {  	_ =	shalt  }
0x57: {  	_ =	shalt  }
0x58: {  	_ =	shalt  }
0x59: {  	_ =	shalt  }
0x5a: {  	_ =	shalt  }
0x5b: {  	_ =	shalt  }
0x5c: {  	_ =	shalt  }
0x5d: {  	_ =	shalt  }
0x5e: {  	_ =	shalt  }
0x5f: {  	_ =	shalt  }
0x60: {  	_ =	shalt  }
0x61: {  	_ =	shalt  }
0x62: {  	_ =	shalt  }
0x63: {  	_ =	shalt  }
0x64: {  	_ =	shalt  }
0x65: {  	_ =	shalt  }
0x66: {  	_ =	shalt  }
0x67: {  	_ =	shalt  }
0x68: {  	_ =	shalt  }
0x69: {  	_ =	shalt  }
0x6a: {  	_ =	shalt  }
0x6b: {  	_ =	shalt  }
0x6c: {  	_ =	shalt  }
0x6d: {  	_ =	shalt  }
0x6e: {  	_ =	shalt  }
0x6f: {  	_ =	shalt  }
0x70: {  	_ =	shalt  }
0x71: {  	_ =	shalt  }
0x72: {  	_ =	shalt  }
0x73: {  	_ =	shalt  }
0x74: {  	_ =	shalt  }
0x75: {  	_ =	shalt  }
0x76: {  	_ =	shalt  }
0x77: {  	_ =	shalt  }
0x78: {  	_ =	shalt  }
0x79: {  	_ =	shalt  }
0x7a: {  	_ =	shalt  }
0x7b: {  	_ =	shalt  }
0x7c: {  	_ =	shalt  }
0x7d: {  	_ =	shalt  }
0x7e: {  	_ =	shalt  }
0x7f: {  	_ =	shalt  }
0x80: {  	_ =	shalt  }
0x81: {  	_ =	shalt  }
0x82: {  	_ =	shalt  }
0x83: {  	_ =	shalt  }
0x84: {  	_ =	shalt  }
0x85: {  	_ =	shalt  }
0x86: {  	_ =	shalt  }
0x87: {  	_ =	shalt  }
.Lfunc_end0:
.L_simem_size_0:
called_computation_lowered:
.L_overlay_start_0:
0x88: {  	s2 =	sld [smem:$0x3FD9]  }
0x89: {  	s3 =	sld [smem:$0x3FFE];
	_ =	sdelay $0x1  }
0x8a: {  	s1 =	srdreg.scid  }
0x8b: {  	s0 =	sand.u32 $0x1, s1  }
0x8c: {  	s17 =	sshll.u32 s0, $0xA;
	s2 =	sadd.s32 s3, s2  }
0x8d: {  	s2 =	sadd.s32 s2, s17  }
0x8e: {  	[smem:$0x3FC2] =	sst s2  }
0x8f: {  	_ = 	snop  }
0x90: {  	s2 =	sld [smem:$0x3FD0];
	(tm) =	ssettm $0x1  }
0x91: {  	s18 =	sld [smem:$0x3FFB];
	_ =	sdelay $0x3  }
0x92: {  	_ =	strace s18  }
0x93: {  	s3 =	sld [smem:$0x3FFC];
	_ =	sdelay $0x3  }
0x94: {  	_ =	strace s3  }
0x95: {  	s3 =	sld [smem:$0x3FFD];
	_ =	sdelay $0x3  }
0x96: {  	_ =	strace s3  }
0x97: {  	_ =	strace $0x8FFFFFFF  }
0x98: {  	s19 =	sld [smem:$0x3FDB];
	_ =	sdelay $0x1  }
0x99: {  	s4 =	simm.s32 $_scs_section_size  }
0x9a: {  	s5 =	simm.s32 $_size__tile_overlayer_lowered;
	s6 =	simm.s32 $_tile_overlayer_lowered  }
0x9b: {  	s22 =	simm.s32 $0x1BFF;
	s21 =	sshll.u32 s6, $0x1;
	s3 =	sadd.s32 s4, s19  }
0x9c: {  	s7 =	simm.s32 $0x0;
	s20 =	sshll.u32 s5, $0x1;
	s5 =	sadd.s32 s21, s3  }
0x9d: {  	[timem:s7], [sflag:s22] =	dma.local [hbm:s5], s20  }
0x9e: {  	_ =	swait.ge [sflag:s22], s20  }
0x9f: {  	s4 =	ssub.s32 $0x0, s20;
	[sflag:s22] =	ssyncset.done $0x0  }
0xa0: {  	[sflag:s22] =	ssyncadd.s32 s4;
	_ =	sdelay $0x1  }
0xa1: {  	s23 =	simm.s32 $0x1B8B  }
0xa2: {  	_ =	swait.ge [sflag:s23], $0x1  }
0xa3: {  	[sflag:s23] =	ssyncset.done $0x0  }
0xa4: {  	s25 =	simm.s32 $0x1B8E;
	s24 =	sld [smem:$0x3FFE];
	[sflag:s23] =	ssyncadd.s32 $0xFFFFFFFF  }
0xa5: {  	s26 =	simm.s32 $execute0_lowered;
	[smem:$0x3FD2] =	sst s25  }
0xa6: {  	s5 =	sshll.u32 s26, $0x1;
	_ =	strace $0x80000046;
	[dreg:$0x1] =	wrdreg $0xFFFFFFFF  }
0xa7: {  	s28 =	simm.s32 $_size_execute0_lowered;
	s3 =	sadd.s32 s3, s5;
	[dreg:$0x0] =	wrdreg $0x0  }
0xa8: {  	s5 =	sshll.u32 s28, $0x1;
	[dreg:$0x2] =	wrdreg s3  }
0xa9: {  	[dreg:$0x3] =	wrdreg s5  }
0xaa: {  	[dreg:$0x4] =	wrdreg $0xC0  }
0xab: {  	_ =	task [dreg:s7], $0x5FFFF  }
0xac: {  	[dreg:$0x1] =	wrdreg $0xFFFFFFFF  }
0xad: {  	[dreg:$0x0] =	wrdreg $0x60  }
0xae: {  	[dreg:$0x2] =	wrdreg s24  }
0xaf: {  	[dreg:$0x3] =	wrdreg s2  }
0xb0: {  	[dreg:$0x4] =	wrdreg $0x90000  }
0xb1: {  	[dreg:$0x5] =	wrdreg $0x9  }
0xb2: {  	_ =	task.clear_ibuf [dreg:s7], $0x6FFFF;
	_ =	strace $0x90000046  }
0xb3: {  	s29 =	simm.s32 $0x9;
	_ =	strace $0x80000048  }
0xb4: {  	_ =	swait.ge [sflag:s29], $0x1  }
0xb5: {  	[sflag:s29] =	ssyncadd.s32 $0xFFFFFFFF  }
0xb6: {  	_ =	strace $0x90000048  }
0xb7: {  	_ =	sfence  }
0xb8: {  	s30 =	sld [smem:$0x0];
	_ =	sdelay $0x2  }
0xb9: {  	s31 =	sshll.u32 s1, $0xD;
	s1 =	sshrl.u32 s1, $0x2  }
0xba: {  	s3 =	sand.u32 $0x4000, s31;
	s1 =	sadd.s32 s1, s30  }
0xbb: {  	s0 =	sor.u32 s3, s0;
	s1 =	sshll.u32 s1, $0x11  }
0xbc: {  	s0 =	sor.u32 s1, s0  }
0xbd: {  	s0 =	sadd.s32 $0x8F2B, s0  }
0xbe: {  	[sflag:s0] =	ssyncadd.remote.s32 $0x1  }
0xbf: {  	_ =	sfence.sel $0xFFFF  }
0xc0: {  	[dreg:$0x0] =	wrdreg $0xFFFFFFFF;
	(pc) =	sbr.abs _section_cstart, $3  }
0xc1: {  	[dreg:$0x1] =	wrdreg $0xFFFFFFFF  }
0xc2: {  	_ =	task.clear_ibuf [dreg:s7], $0x2FFFF;
	_ =	strace $0x9FFFFFFF  }
0xc3: {  	(tm) =	ssettm $0x7FFFFFFF  }
tec
execute0_lowered:
.L_overlay_start_1:
0x0: {  	(tag) =	ssettag $0x1  }
0x1: {  	s0 =	rddreg [dreg:$0x0]  }
0x2: {  	s1 =	srdreg.scid;
	s9 =	stileid.u32  }
0x3: {  	s3 =	rddreg [dreg:$0x2];
	s4 =	simm.s32 $0x0;
	s12 =	simm.s32 $0x100  }
0x4: {  	s14 =	simm.s32 $0x880;
	s15 =	simm.s32 $0x180;
	s16 =	simm.s32 $0x900  }
0x5: {  	s17 =	simm.s32 $0x200;
	s18 =	simm.s32 $0x980;
	[smem:$0x7FF] =	sst s4  }
0x6: {  	s19 =	simm.s32 $0x280;
	_ =	strace $0x80000047;
	[dreg:$0x6] =	wrdreg s12  }
0x7: {  	s20 =	simm.s32 $0xA00;
	s21 =	simm.s32 $0x300;
	[dreg:$0x7] =	wrdreg s14  }
0x8: {  	s22 =	simm.s32 $0xA80;
	s23 =	simm.s32 $0x380;
	[dreg:$0x8] =	wrdreg s15  }
0x9: {  	s24 =	simm.s32 $0xB00;
	s25 =	simm.s32 $0x400;
	[dreg:$0x9] =	wrdreg s16  }
0xa: {  	s26 =	simm.s32 $0xB80;
	s28 =	simm.s32 $0x680;
	[dreg:$0xa] =	wrdreg s17  }
0xb: {  	s29 =	simm.s32 $0xE00;
	s30 =	simm.s32 $0x700;
	[dreg:$0xb] =	wrdreg s18  }
0xc: {  	s31 =	simm.s32 $0xE80;
	s2 =	smul.u32 $0x2800, s9;
	[dreg:$0xc] =	wrdreg s19  }
0xd: {  	s1 =	sand.u32 $0x1, s1;
	s8 =	smul.u32 $0x50000, s9;
	[dreg:$0xd] =	wrdreg s20  }
0xe: {  	s13 =	sshll.u32 s9, $0x6;
	s9 =	simm.s32 $0x0;
	[dreg:$0xe] =	wrdreg s21  }
0xf: {  	s5 =	smul.u32 $0x28000, s1;
	s1 =	ssub.s32 $0x2, s1;
	[dreg:$0xf] =	wrdreg s22  }
0x10: {  	s12 =	simm.s32 $0x1000;
	s14 =	simm.s32 $0x5000;
	[dreg:$0x10] =	wrdreg s23  }
0x11: {  	s15 =	simm.s32 $0x1;
	s16 =	simm.s32 $0x3;
	[dreg:$0x11] =	wrdreg s24  }
0x12: {  	s17 =	simm.s32 $0x2;
	[dreg:$0x12] =	wrdreg s25;
	s18 =	simm.s32 $0x4  }
0x13: {  	[dreg:$0x13] =	wrdreg s26;
	s19 =	simm.s32 $0x480;
	s20 =	simm.s32 $0xC00  }
0x14: {  	s21 =	simm.s32 $0x500;
	s22 =	simm.s32 $0xC80;
	s23 =	simm.s32 $0x580  }
0x15: {  	s24 =	simm.s32 $0xD00;
	s25 =	simm.s32 $0x600;
	s26 =	simm.s32 $0xD80  }
0x16: {  	s7 =	sshrl.u32 s1, $0x1;
	s8 =	sshrl.u32 s8, $0x2;
	s2 =	sadd.s32 s2, s5  }
0x17: {  	s5 =	sadd.s32 $0x15200, s0;
	s1 =	ssub.s32 s1, s7;
	s11 =	sadd.s32 s8, s3  }
0x18: {  	s6 =	sshrl.u32 s2, $0x3;
	s1 =	smax.u32 s1, $0x1;
	s8 =	sshrl.u32 s11, $0x3  }
0x19: {  	s11 =	simm.s32 $0x80;
	s6 =	sadd.s32 s6, s0;
	[dreg:$0x16] =	wrdreg s1  }
0x1a: {  	s0 =	sadd.s32 s2, s0;
	[dreg:$0x17] =	wrdreg s8;
	s7 =	sadd.s32 $0xB200, s6  }
0x1b: {  	s1 =	simm.s32 $0x780;
	s10 =	sadd.s32 $0x1200, s6;
	[dreg:$0x4] =	wrdreg s7  }
0x1c: {  	s2 =	simm.s32 $0xF80;
	s0 =	sadd.s32 $0x3C400, s0;
	[dreg:$0x5] =	wrdreg s10  }
0x1d: {  	s7 =	sor.u32 $0x1C05, s13;
	[dreg:$0x15] =	wrdreg s0;
	s10 =	simm.s32 $0x5  }
0x1e: {  	s13 =	simm.s32 $0x800;
	s0 =	simm.s32 $0xF00;
	[dreg:$0x14] =	wrdreg s7  }
.LBB2_1:
0x1f: {  	[dreg:$0x18] =	wrdreg s9  }
0x20: {  	s6 =	rddreg [dreg:$0x1]  }
0x21: {  	[spmem:s8], [sflag:s7] =	dma.local [hbm:s6], $0x2800  }
0x22: {  	_ =	swait.ge [sflag:s10], $0x2800  }
0x23: {  	[sflag:s10] =	ssyncset.done $0x0  }
0x24: {  	[sflag:s10] =	ssyncadd.s32 $0xFFFFD800  }
0x25: {  	[bflag:$0x0] =	sbarrier.arrive $0xFFFF  }
0x26: {  	s9 =	rddreg [dreg:$0x5]  }
0x27: {  	s6 =	sadd.s32 $0x0, s9  }
0x28: {  	[tilespmem:s4], [sflag:$0x5] =	stream.linear.gather [hbm4b:s6+s4], $0x800, $0x38;
	[tilespmem:$0x1D000] =	vst v63  }
0x29: {  	_ =	swait.ge [sflag:s10], $0x800  }
0x2a: {  	[sflag:s10] =	ssyncset.done $0x0  }
0x2b: {  	s7 =	rddreg [dreg:$0x4];
	[sflag:s10] =	ssyncadd.s32 $0xFFFFF800  }
0x2c: {  	[tilespmem:s12], [sflag:$0x1] =	stream.indirect.gather [hbm4b:s5+s11], $0x80, s4, s11, $0xb8;
	[tilespmem:$0x1D000] =	vst v63  }
0x2d: {  	s6 =	sadd.s32 $0x0, s7  }
0x2e: {  	[tilespmem:s13], [sflag:$0x5] =	stream.linear.gather [hbm4b:s6+s4], $0x800, $0x38;
	[tilespmem:$0x1D000] =	vst v63  }
0x2f: {  	_ =	swait.ge [sflag:s10], $0x800  }
0x30: {  	[sflag:s10] =	ssyncset.done $0x0  }
0x31: {  	[sflag:s10] =	ssyncadd.s32 $0xFFFFF800  }
0x32: {  	[tilespmem:s14], [sflag:$0x2] =	stream.indirect.gather [hbm4b:s5+s11], $0x80, s11, s11, $0xb8;
	[tilespmem:$0x1D000] =	vst v63  }
0x33: {  	_ =	swait.ge [sflag:s15], $0x4000  }
0x34: {  	[sflag:s15] =	ssyncset.done $0x0  }
0x35: {  	[sflag:s15] =	ssyncadd.s32 $0xFFFFC000  }
0x36: {  	[spmem:s3] =	stream.indirect.scatter.add.f32 [tilespmem:s12], [sflag:$0x3], $0x80, s13, s11, $0xb8;
	[tilespmem:$0x1D000] =	vst v63  }
0x37: {  	_ =	swait.ge [sflag:s16], $0x4000  }
0x38: {  	[sflag:s16] =	ssyncset.done $0x0  }
0x39: {  	s8 =	rddreg [dreg:$0x6];
	[sflag:s16] =	ssyncadd.s32 $0xFFFFC000  }
0x3a: {  	[tilespmem:s12], [sflag:$0x1] =	stream.indirect.gather [hbm4b:s5+s11], $0x80, s8, s11, $0xb8;
	[tilespmem:$0x1D000] =	vst v63  }
0x3b: {  	_ =	swait.ge [sflag:s17], $0x4000  }
0x3c: {  	[sflag:s17] =	ssyncset.done $0x0  }
0x3d: {  	s9 =	rddreg [dreg:$0x7];
	[sflag:s17] =	ssyncadd.s32 $0xFFFFC000  }
0x3e: {  	[spmem:s3] =	stream.indirect.scatter.add.f32 [tilespmem:s14], [sflag:$0x4], $0x80, s9, s11, $0xb8;
	[tilespmem:$0x1D000] =	vst v63  }
0x3f: {  	_ =	swait.ge [sflag:s18], $0x4000  }
0x40: {  	[sflag:s18] =	ssyncset.done $0x0  }
0x41: {  	s7 =	rddreg [dreg:$0x8];
	[sflag:s18] =	ssyncadd.s32 $0xFFFFC000  }
0x42: {  	[tilespmem:s14], [sflag:$0x2] =	stream.indirect.gather [hbm4b:s5+s11], $0x80, s7, s11, $0xb8;
	[tilespmem:$0x1D000] =	vst v63  }
0x43: {  	_ =	swait.ge [sflag:s15], $0x4000  }
0x44: {  	[sflag:s15] =	ssyncset.done $0x0  }
0x45: {  	s8 =	rddreg [dreg:$0x9];
	[sflag:s15] =	ssyncadd.s32 $0xFFFFC000  }
0x46: {  	[spmem:s3] =	stream.indirect.scatter.add.f32 [tilespmem:s12], [sflag:$0x3], $0x80, s8, s11, $0xb8;
	[tilespmem:$0x1D000] =	vst v63  }
0x47: {  	_ =	swait.ge [sflag:s16], $0x4000  }
0x48: {  	[sflag:s16] =	ssyncset.done $0x0  }
0x49: {  	s9 =	rddreg [dreg:$0xa];
	[sflag:s16] =	ssyncadd.s32 $0xFFFFC000  }
0x4a: {  	[tilespmem:s12], [sflag:$0x1] =	stream.indirect.gather [hbm4b:s5+s11], $0x80, s9, s11, $0xb8;
	[tilespmem:$0x1D000] =	vst v63  }
0x4b: {  	_ =	swait.ge [sflag:s17], $0x4000  }
0x4c: {  	[sflag:s17] =	ssyncset.done $0x0  }
0x4d: {  	s7 =	rddreg [dreg:$0xb];
	[sflag:s17] =	ssyncadd.s32 $0xFFFFC000  }
0x4e: {  	[spmem:s3] =	stream.indirect.scatter.add.f32 [tilespmem:s14], [sflag:$0x4], $0x80, s7, s11, $0xb8;
	[tilespmem:$0x1D000] =	vst v63  }
0x4f: {  	_ =	swait.ge [sflag:s18], $0x4000  }
0x50: {  	[sflag:s18] =	ssyncset.done $0x0  }
0x51: {  	s8 =	rddreg [dreg:$0xc];
	[sflag:s18] =	ssyncadd.s32 $0xFFFFC000  }
0x52: {  	[tilespmem:s14], [sflag:$0x2] =	stream.indirect.gather [hbm4b:s5+s11], $0x80, s8, s11, $0xb8;
	[tilespmem:$0x1D000] =	vst v63  }
0x53: {  	_ =	swait.ge [sflag:s15], $0x4000  }
0x54: {  	[sflag:s15] =	ssyncset.done $0x0  }
0x55: {  	s9 =	rddreg [dreg:$0xd];
	[sflag:s15] =	ssyncadd.s32 $0xFFFFC000  }
0x56: {  	[spmem:s3] =	stream.indirect.scatter.add.f32 [tilespmem:s12], [sflag:$0x3], $0x80, s9, s11, $0xb8;
	[tilespmem:$0x1D000] =	vst v63  }
0x57: {  	_ =	swait.ge [sflag:s16], $0x4000  }
0x58: {  	[sflag:s16] =	ssyncset.done $0x0  }
0x59: {  	s7 =	rddreg [dreg:$0xe];
	[sflag:s16] =	ssyncadd.s32 $0xFFFFC000  }
0x5a: {  	[tilespmem:s12], [sflag:$0x1] =	stream.indirect.gather [hbm4b:s5+s11], $0x80, s7, s11, $0xb8;
	[tilespmem:$0x1D000] =	vst v63  }
0x5b: {  	_ =	swait.ge [sflag:s17], $0x4000  }
0x5c: {  	[sflag:s17] =	ssyncset.done $0x0  }
0x5d: {  	s8 =	rddreg [dreg:$0xf];
	[sflag:s17] =	ssyncadd.s32 $0xFFFFC000  }
0x5e: {  	[spmem:s3] =	stream.indirect.scatter.add.f32 [tilespmem:s14], [sflag:$0x4], $0x80, s8, s11, $0xb8;
	[tilespmem:$0x1D000] =	vst v63  }
0x5f: {  	_ =	swait.ge [sflag:s18], $0x4000  }
0x60: {  	[sflag:s18] =	ssyncset.done $0x0  }
0x61: {  	s9 =	rddreg [dreg:$0x10];
	[sflag:s18] =	ssyncadd.s32 $0xFFFFC000  }
0x62: {  	[tilespmem:s14], [sflag:$0x2] =	stream.indirect.gather [hbm4b:s5+s11], $0x80, s9, s11, $0xb8;
	[tilespmem:$0x1D000] =	vst v63  }
0x63: {  	_ =	swait.ge [sflag:s15], $0x4000  }
0x64: {  	[sflag:s15] =	ssyncset.done $0x0  }
0x65: {  	s7 =	rddreg [dreg:$0x11];
	[sflag:s15] =	ssyncadd.s32 $0xFFFFC000  }
0x66: {  	[spmem:s3] =	stream.indirect.scatter.add.f32 [tilespmem:s12], [sflag:$0x3], $0x80, s7, s11, $0xb8;
	[tilespmem:$0x1D000] =	vst v63  }
0x67: {  	_ =	swait.ge [sflag:s16], $0x4000  }
0x68: {  	[sflag:s16] =	ssyncset.done $0x0  }
0x69: {  	s8 =	rddreg [dreg:$0x12];
	[sflag:s16] =	ssyncadd.s32 $0xFFFFC000  }
0x6a: {  	[tilespmem:s12], [sflag:$0x1] =	stream.indirect.gather [hbm4b:s5+s11], $0x80, s8, s11, $0xb8;
	[tilespmem:$0x1D000] =	vst v63  }
0x6b: {  	_ =	swait.ge [sflag:s17], $0x4000  }
0x6c: {  	[sflag:s17] =	ssyncset.done $0x0  }
0x6d: {  	s9 =	rddreg [dreg:$0x13];
	[sflag:s17] =	ssyncadd.s32 $0xFFFFC000  }
0x6e: {  	[spmem:s3] =	stream.indirect.scatter.add.f32 [tilespmem:s14], [sflag:$0x4], $0x80, s9, s11, $0xb8;
	[tilespmem:$0x1D000] =	vst v63  }
0x6f: {  	_ =	swait.ge [sflag:s18], $0x4000  }
0x70: {  	[sflag:s18] =	ssyncset.done $0x0  }
0x71: {  	[sflag:s18] =	ssyncadd.s32 $0xFFFFC000  }
0x72: {  	[tilespmem:s14], [sflag:$0x2] =	stream.indirect.gather [hbm4b:s5+s11], $0x80, s19, s11, $0xb8;
	[tilespmem:$0x1D000] =	vst v63  }
0x73: {  	_ =	swait.ge [sflag:s15], $0x4000  }
0x74: {  	[sflag:s15] =	ssyncset.done $0x0  }
0x75: {  	[sflag:s15] =	ssyncadd.s32 $0xFFFFC000  }
0x76: {  	[spmem:s3] =	stream.indirect.scatter.add.f32 [tilespmem:s12], [sflag:$0x3], $0x80, s20, s11, $0xb8;
	[tilespmem:$0x1D000] =	vst v63  }
0x77: {  	_ =	swait.ge [sflag:s16], $0x4000  }
0x78: {  	[sflag:s16] =	ssyncset.done $0x0  }
0x79: {  	[sflag:s16] =	ssyncadd.s32 $0xFFFFC000  }
0x7a: {  	[tilespmem:s12], [sflag:$0x1] =	stream.indirect.gather [hbm4b:s5+s11], $0x80, s21, s11, $0xb8;
	[tilespmem:$0x1D000] =	vst v63  }
0x7b: {  	_ =	swait.ge [sflag:s17], $0x4000  }
0x7c: {  	[sflag:s17] =	ssyncset.done $0x0  }
0x7d: {  	[sflag:s17] =	ssyncadd.s32 $0xFFFFC000  }
0x7e: {  	[spmem:s3] =	stream.indirect.scatter.add.f32 [tilespmem:s14], [sflag:$0x4], $0x80, s22, s11, $0xb8;
	[tilespmem:$0x1D000] =	vst v63  }
0x7f: {  	_ =	swait.ge [sflag:s18], $0x4000  }
0x80: {  	[sflag:s18] =	ssyncset.done $0x0  }
0x81: {  	[sflag:s18] =	ssyncadd.s32 $0xFFFFC000  }
0x82: {  	[tilespmem:s14], [sflag:$0x2] =	stream.indirect.gather [hbm4b:s5+s11], $0x80, s23, s11, $0xb8;
	[tilespmem:$0x1D000] =	vst v63  }
0x83: {  	_ =	swait.ge [sflag:s15], $0x4000  }
0x84: {  	[sflag:s15] =	ssyncset.done $0x0  }
0x85: {  	[sflag:s15] =	ssyncadd.s32 $0xFFFFC000  }
0x86: {  	[spmem:s3] =	stream.indirect.scatter.add.f32 [tilespmem:s12], [sflag:$0x3], $0x80, s24, s11, $0xb8;
	[tilespmem:$0x1D000] =	vst v63  }
0x87: {  	_ =	swait.ge [sflag:s16], $0x4000  }
0x88: {  	[sflag:s16] =	ssyncset.done $0x0  }
0x89: {  	[sflag:s16] =	ssyncadd.s32 $0xFFFFC000  }
0x8a: {  	[tilespmem:s12], [sflag:$0x1] =	stream.indirect.gather [hbm4b:s5+s11], $0x80, s25, s11, $0xb8;
	[tilespmem:$0x1D000] =	vst v63  }
0x8b: {  	_ =	swait.ge [sflag:s17], $0x4000  }
0x8c: {  	[sflag:s17] =	ssyncset.done $0x0  }
0x8d: {  	[sflag:s17] =	ssyncadd.s32 $0xFFFFC000  }
0x8e: {  	[spmem:s3] =	stream.indirect.scatter.add.f32 [tilespmem:s14], [sflag:$0x4], $0x80, s26, s11, $0xb8;
	[tilespmem:$0x1D000] =	vst v63  }
0x8f: {  	_ =	swait.ge [sflag:s18], $0x4000  }
0x90: {  	[sflag:s18] =	ssyncset.done $0x0  }
0x91: {  	[sflag:s18] =	ssyncadd.s32 $0xFFFFC000  }
0x92: {  	[tilespmem:s14], [sflag:$0x2] =	stream.indirect.gather [hbm4b:s5+s11], $0x80, s28, s11, $0xb8;
	[tilespmem:$0x1D000] =	vst v63  }
0x93: {  	_ =	swait.ge [sflag:s15], $0x4000  }
0x94: {  	[sflag:s15] =	ssyncset.done $0x0  }
0x95: {  	[sflag:s15] =	ssyncadd.s32 $0xFFFFC000  }
0x96: {  	[spmem:s3] =	stream.indirect.scatter.add.f32 [tilespmem:s12], [sflag:$0x3], $0x80, s29, s11, $0xb8;
	[tilespmem:$0x1D000] =	vst v63  }
0x97: {  	_ =	swait.ge [sflag:s16], $0x4000  }
0x98: {  	[sflag:s16] =	ssyncset.done $0x0  }
0x99: {  	[sflag:s16] =	ssyncadd.s32 $0xFFFFC000  }
0x9a: {  	[tilespmem:s12], [sflag:$0x1] =	stream.indirect.gather [hbm4b:s5+s11], $0x80, s30, s11, $0xb8;
	[tilespmem:$0x1D000] =	vst v63  }
0x9b: {  	_ =	swait.ge [sflag:s17], $0x4000  }
0x9c: {  	[sflag:s17] =	ssyncset.done $0x0  }
0x9d: {  	[sflag:s17] =	ssyncadd.s32 $0xFFFFC000  }
0x9e: {  	[spmem:s3] =	stream.indirect.scatter.add.f32 [tilespmem:s14], [sflag:$0x4], $0x80, s31, s11, $0xb8;
	[tilespmem:$0x1D000] =	vst v63  }
0x9f: {  	_ =	swait.ge [sflag:s18], $0x4000  }
0xa0: {  	[sflag:s18] =	ssyncset.done $0x0  }
0xa1: {  	[sflag:s18] =	ssyncadd.s32 $0xFFFFC000  }
0xa2: {  	[tilespmem:s14], [sflag:$0x2] =	stream.indirect.gather [hbm4b:s5+s11], $0x80, s1, s11, $0xb8;
	[tilespmem:$0x1D000] =	vst v63  }
0xa3: {  	_ =	swait.ge [sflag:s15], $0x4000  }
0xa4: {  	[sflag:s15] =	ssyncset.done $0x0  }
0xa5: {  	[sflag:s15] =	ssyncadd.s32 $0xFFFFC000  }
0xa6: {  	[spmem:s3] =	stream.indirect.scatter.add.f32 [tilespmem:s12], [sflag:$0x3], $0x80, s0, s11, $0xb8;
	[tilespmem:$0x1D000] =	vst v63  }
0xa7: {  	_ =	swait.ge [sflag:s17], $0x4000  }
0xa8: {  	[sflag:s17] =	ssyncset.done $0x0  }
0xa9: {  	[sflag:s17] =	ssyncadd.s32 $0xFFFFC000  }
0xaa: {  	[spmem:s3] =	stream.indirect.scatter.add.f32 [tilespmem:s14], [sflag:$0x4], $0x80, s2, s11, $0xb8;
	[tilespmem:$0x1D000] =	vst v63  }
0xab: {  	_ =	swait.ge [sflag:s16], $0x4000  }
0xac: {  	[sflag:s16] =	ssyncset.done $0x0  }
0xad: {  	[sflag:s16] =	ssyncadd.s32 $0xFFFFC000  }
0xae: {  	s6 =	simm.s32 $0x200;
	_ =	swait.ge [sflag:s18], $0x4000  }
0xaf: {  	s8 =	simm.s32 $0x100;
	s9 =	rddreg [dreg:$0x5];
	[sflag:s18] =	ssyncset.done $0x0  }
.LBB2_2:
0xb0: {  	[sflag:s18] =	ssyncadd.s32 $0xFFFFC000;
	s9 =	sadd.s32 s8, s9  }
0xb1: {  	[tilespmem:s4], [sflag:$0x5] =	stream.linear.gather [hbm4b:s9+s4], $0x800, $0x38;
	[tilespmem:$0x1D000] =	vst v63  }
0xb2: {  	_ =	swait.ge [sflag:s10], $0x800  }
0xb3: {  	[sflag:s10] =	ssyncset.done $0x0  }
0xb4: {  	s9 =	rddreg [dreg:$0x4];
	[sflag:s10] =	ssyncadd.s32 $0xFFFFF800  }
0xb5: {  	[tilespmem:s12], [sflag:$0x1] =	stream.indirect.gather [hbm4b:s5+s11], $0x80, s4, s11, $0xb8;
	[tilespmem:$0x1D000] =	vst v63  }
0xb6: {  	s9 =	sadd.s32 s8, s9  }
0xb7: {  	[tilespmem:s13], [sflag:$0x5] =	stream.linear.gather [hbm4b:s9+s4], $0x800, $0x38;
	[tilespmem:$0x1D000] =	vst v63  }
0xb8: {  	_ =	swait.ge [sflag:s10], $0x800  }
0xb9: {  	[sflag:s10] =	ssyncset.done $0x0  }
0xba: {  	[sflag:s10] =	ssyncadd.s32 $0xFFFFF800  }
0xbb: {  	[tilespmem:s14], [sflag:$0x2] =	stream.indirect.gather [hbm4b:s5+s11], $0x80, s11, s11, $0xb8;
	[tilespmem:$0x1D000] =	vst v63  }
0xbc: {  	_ =	swait.ge [sflag:s15], $0x4000  }
0xbd: {  	[sflag:s15] =	ssyncset.done $0x0  }
0xbe: {  	[sflag:s15] =	ssyncadd.s32 $0xFFFFC000  }
0xbf: {  	[spmem:s3] =	stream.indirect.scatter.add.f32 [tilespmem:s12], [sflag:$0x3], $0x80, s13, s11, $0xb8;
	[tilespmem:$0x1D000] =	vst v63  }
0xc0: {  	_ =	swait.ge [sflag:s16], $0x4000  }
0xc1: {  	[sflag:s16] =	ssyncset.done $0x0  }
0xc2: {  	s9 =	rddreg [dreg:$0x6];
	[sflag:s16] =	ssyncadd.s32 $0xFFFFC000  }
0xc3: {  	[tilespmem:s12], [sflag:$0x1] =	stream.indirect.gather [hbm4b:s5+s11], $0x80, s9, s11, $0xb8;
	[tilespmem:$0x1D000] =	vst v63  }
0xc4: {  	_ =	swait.ge [sflag:s17], $0x4000  }
0xc5: {  	[sflag:s17] =	ssyncset.done $0x0  }
0xc6: {  	s9 =	rddreg [dreg:$0x7];
	[sflag:s17] =	ssyncadd.s32 $0xFFFFC000  }
0xc7: {  	[spmem:s3] =	stream.indirect.scatter.add.f32 [tilespmem:s14], [sflag:$0x4], $0x80, s9, s11, $0xb8;
	[tilespmem:$0x1D000] =	vst v63  }
0xc8: {  	_ =	swait.ge [sflag:s18], $0x4000  }
0xc9: {  	[sflag:s18] =	ssyncset.done $0x0  }
0xca: {  	s9 =	rddreg [dreg:$0x8];
	[sflag:s18] =	ssyncadd.s32 $0xFFFFC000  }
0xcb: {  	[tilespmem:s14], [sflag:$0x2] =	stream.indirect.gather [hbm4b:s5+s11], $0x80, s9, s11, $0xb8;
	[tilespmem:$0x1D000] =	vst v63  }
0xcc: {  	_ =	swait.ge [sflag:s15], $0x4000  }
0xcd: {  	[sflag:s15] =	ssyncset.done $0x0  }
0xce: {  	s9 =	rddreg [dreg:$0x9];
	[sflag:s15] =	ssyncadd.s32 $0xFFFFC000  }
0xcf: {  	[spmem:s3] =	stream.indirect.scatter.add.f32 [tilespmem:s12], [sflag:$0x3], $0x80, s9, s11, $0xb8;
	[tilespmem:$0x1D000] =	vst v63  }
0xd0: {  	_ =	swait.ge [sflag:s16], $0x4000  }
0xd1: {  	[sflag:s16] =	ssyncset.done $0x0  }
0xd2: {  	s9 =	rddreg [dreg:$0xa];
	[sflag:s16] =	ssyncadd.s32 $0xFFFFC000  }
0xd3: {  	[tilespmem:s12], [sflag:$0x1] =	stream.indirect.gather [hbm4b:s5+s11], $0x80, s9, s11, $0xb8;
	[tilespmem:$0x1D000] =	vst v63  }
0xd4: {  	_ =	swait.ge [sflag:s17], $0x4000  }
0xd5: {  	[sflag:s17] =	ssyncset.done $0x0  }
0xd6: {  	s9 =	rddreg [dreg:$0xb];
	[sflag:s17] =	ssyncadd.s32 $0xFFFFC000  }
0xd7: {  	[spmem:s3] =	stream.indirect.scatter.add.f32 [tilespmem:s14], [sflag:$0x4], $0x80, s9, s11, $0xb8;
	[tilespmem:$0x1D000] =	vst v63  }
0xd8: {  	_ =	swait.ge [sflag:s18], $0x4000  }
0xd9: {  	[sflag:s18] =	ssyncset.done $0x0  }
0xda: {  	s9 =	rddreg [dreg:$0xc];
	[sflag:s18] =	ssyncadd.s32 $0xFFFFC000  }
0xdb: {  	[tilespmem:s14], [sflag:$0x2] =	stream.indirect.gather [hbm4b:s5+s11], $0x80, s9, s11, $0xb8;
	[tilespmem:$0x1D000] =	vst v63  }
0xdc: {  	_ =	swait.ge [sflag:s15], $0x4000  }
0xdd: {  	[sflag:s15] =	ssyncset.done $0x0  }
0xde: {  	s9 =	rddreg [dreg:$0xd];
	[sflag:s15] =	ssyncadd.s32 $0xFFFFC000  }
0xdf: {  	[spmem:s3] =	stream.indirect.scatter.add.f32 [tilespmem:s12], [sflag:$0x3], $0x80, s9, s11, $0xb8;
	[tilespmem:$0x1D000] =	vst v63  }
0xe0: {  	_ =	swait.ge [sflag:s16], $0x4000  }
0xe1: {  	[sflag:s16] =	ssyncset.done $0x0  }
0xe2: {  	s9 =	rddreg [dreg:$0xe];
	[sflag:s16] =	ssyncadd.s32 $0xFFFFC000  }
0xe3: {  	[tilespmem:s12], [sflag:$0x1] =	stream.indirect.gather [hbm4b:s5+s11], $0x80, s9, s11, $0xb8;
	[tilespmem:$0x1D000] =	vst v63  }
0xe4: {  	_ =	swait.ge [sflag:s17], $0x4000  }
0xe5: {  	[sflag:s17] =	ssyncset.done $0x0  }
0xe6: {  	s9 =	rddreg [dreg:$0xf];
	[sflag:s17] =	ssyncadd.s32 $0xFFFFC000  }
0xe7: {  	[spmem:s3] =	stream.indirect.scatter.add.f32 [tilespmem:s14], [sflag:$0x4], $0x80, s9, s11, $0xb8;
	[tilespmem:$0x1D000] =	vst v63  }
0xe8: {  	_ =	swait.ge [sflag:s18], $0x4000  }
0xe9: {  	[sflag:s18] =	ssyncset.done $0x0  }
0xea: {  	s9 =	rddreg [dreg:$0x10];
	[sflag:s18] =	ssyncadd.s32 $0xFFFFC000  }
0xeb: {  	[tilespmem:s14], [sflag:$0x2] =	stream.indirect.gather [hbm4b:s5+s11], $0x80, s9, s11, $0xb8;
	[tilespmem:$0x1D000] =	vst v63  }
0xec: {  	_ =	swait.ge [sflag:s15], $0x4000  }
0xed: {  	[sflag:s15] =	ssyncset.done $0x0  }
0xee: {  	s9 =	rddreg [dreg:$0x11];
	[sflag:s15] =	ssyncadd.s32 $0xFFFFC000  }
0xef: {  	[spmem:s3] =	stream.indirect.scatter.add.f32 [tilespmem:s12], [sflag:$0x3], $0x80, s9, s11, $0xb8;
	[tilespmem:$0x1D000] =	vst v63  }
0xf0: {  	_ =	swait.ge [sflag:s16], $0x4000  }
0xf1: {  	[sflag:s16] =	ssyncset.done $0x0  }
0xf2: {  	s9 =	rddreg [dreg:$0x12];
	[sflag:s16] =	ssyncadd.s32 $0xFFFFC000  }
0xf3: {  	[tilespmem:s12], [sflag:$0x1] =	stream.indirect.gather [hbm4b:s5+s11], $0x80, s9, s11, $0xb8;
	[tilespmem:$0x1D000] =	vst v63  }
0xf4: {  	_ =	swait.ge [sflag:s17], $0x4000  }
0xf5: {  	[sflag:s17] =	ssyncset.done $0x0  }
0xf6: {  	s9 =	rddreg [dreg:$0x13];
	[sflag:s17] =	ssyncadd.s32 $0xFFFFC000  }
0xf7: {  	[spmem:s3] =	stream.indirect.scatter.add.f32 [tilespmem:s14], [sflag:$0x4], $0x80, s9, s11, $0xb8;
	[tilespmem:$0x1D000] =	vst v63  }
0xf8: {  	_ =	swait.ge [sflag:s18], $0x4000  }
0xf9: {  	[sflag:s18] =	ssyncset.done $0x0  }
0xfa: {  	[sflag:s18] =	ssyncadd.s32 $0xFFFFC000  }
0xfb: {  	[tilespmem:s14], [sflag:$0x2] =	stream.indirect.gather [hbm4b:s5+s11], $0x80, s19, s11, $0xb8;
	[tilespmem:$0x1D000] =	vst v63  }
0xfc: {  	_ =	swait.ge [sflag:s15], $0x4000  }
0xfd: {  	[sflag:s15] =	ssyncset.done $0x0  }
0xfe: {  	[sflag:s15] =	ssyncadd.s32 $0xFFFFC000  }
0xff: {  	[spmem:s3] =	stream.indirect.scatter.add.f32 [tilespmem:s12], [sflag:$0x3], $0x80, s20, s11, $0xb8;
	[tilespmem:$0x1D000] =	vst v63  }
0x100: {  	_ =	swait.ge [sflag:s16], $0x4000  }
0x101: {  	[sflag:s16] =	ssyncset.done $0x0  }
0x102: {  	[sflag:s16] =	ssyncadd.s32 $0xFFFFC000  }
0x103: {  	[tilespmem:s12], [sflag:$0x1] =	stream.indirect.gather [hbm4b:s5+s11], $0x80, s21, s11, $0xb8;
	[tilespmem:$0x1D000] =	vst v63  }
0x104: {  	_ =	swait.ge [sflag:s17], $0x4000  }
0x105: {  	[sflag:s17] =	ssyncset.done $0x0  }
0x106: {  	[sflag:s17] =	ssyncadd.s32 $0xFFFFC000  }
0x107: {  	[spmem:s3] =	stream.indirect.scatter.add.f32 [tilespmem:s14], [sflag:$0x4], $0x80, s22, s11, $0xb8;
	[tilespmem:$0x1D000] =	vst v63  }
0x108: {  	_ =	swait.ge [sflag:s18], $0x4000  }
0x109: {  	[sflag:s18] =	ssyncset.done $0x0  }
0x10a: {  	[sflag:s18] =	ssyncadd.s32 $0xFFFFC000  }
0x10b: {  	[tilespmem:s14], [sflag:$0x2] =	stream.indirect.gather [hbm4b:s5+s11], $0x80, s23, s11, $0xb8;
	[tilespmem:$0x1D000] =	vst v63  }
0x10c: {  	_ =	swait.ge [sflag:s15], $0x4000  }
0x10d: {  	[sflag:s15] =	ssyncset.done $0x0  }
0x10e: {  	[sflag:s15] =	ssyncadd.s32 $0xFFFFC000  }
0x10f: {  	[spmem:s3] =	stream.indirect.scatter.add.f32 [tilespmem:s12], [sflag:$0x3], $0x80, s24, s11, $0xb8;
	[tilespmem:$0x1D000] =	vst v63  }
0x110: {  	_ =	swait.ge [sflag:s16], $0x4000  }
0x111: {  	[sflag:s16] =	ssyncset.done $0x0  }
0x112: {  	[sflag:s16] =	ssyncadd.s32 $0xFFFFC000  }
0x113: {  	[tilespmem:s12], [sflag:$0x1] =	stream.indirect.gather [hbm4b:s5+s11], $0x80, s25, s11, $0xb8;
	[tilespmem:$0x1D000] =	vst v63  }
0x114: {  	_ =	swait.ge [sflag:s17], $0x4000  }
0x115: {  	[sflag:s17] =	ssyncset.done $0x0  }
0x116: {  	[sflag:s17] =	ssyncadd.s32 $0xFFFFC000  }
0x117: {  	[spmem:s3] =	stream.indirect.scatter.add.f32 [tilespmem:s14], [sflag:$0x4], $0x80, s26, s11, $0xb8;
	[tilespmem:$0x1D000] =	vst v63  }
0x118: {  	_ =	swait.ge [sflag:s18], $0x4000  }
0x119: {  	[sflag:s18] =	ssyncset.done $0x0  }
0x11a: {  	[sflag:s18] =	ssyncadd.s32 $0xFFFFC000  }
0x11b: {  	[tilespmem:s14], [sflag:$0x2] =	stream.indirect.gather [hbm4b:s5+s11], $0x80, s28, s11, $0xb8;
	[tilespmem:$0x1D000] =	vst v63  }
0x11c: {  	_ =	swait.ge [sflag:s15], $0x4000  }
0x11d: {  	[sflag:s15] =	ssyncset.done $0x0  }
0x11e: {  	[sflag:s15] =	ssyncadd.s32 $0xFFFFC000  }
0x11f: {  	[spmem:s3] =	stream.indirect.scatter.add.f32 [tilespmem:s12], [sflag:$0x3], $0x80, s29, s11, $0xb8;
	[tilespmem:$0x1D000] =	vst v63  }
0x120: {  	_ =	swait.ge [sflag:s16], $0x4000  }
0x121: {  	[sflag:s16] =	ssyncset.done $0x0  }
0x122: {  	[sflag:s16] =	ssyncadd.s32 $0xFFFFC000  }
0x123: {  	[tilespmem:s12], [sflag:$0x1] =	stream.indirect.gather [hbm4b:s5+s11], $0x80, s30, s11, $0xb8;
	[tilespmem:$0x1D000] =	vst v63  }
0x124: {  	_ =	swait.ge [sflag:s17], $0x4000  }
0x125: {  	[sflag:s17] =	ssyncset.done $0x0  }
0x126: {  	[sflag:s17] =	ssyncadd.s32 $0xFFFFC000  }
0x127: {  	[spmem:s3] =	stream.indirect.scatter.add.f32 [tilespmem:s14], [sflag:$0x4], $0x80, s31, s11, $0xb8;
	[tilespmem:$0x1D000] =	vst v63  }
0x128: {  	_ =	swait.ge [sflag:s18], $0x4000  }
0x129: {  	[sflag:s18] =	ssyncset.done $0x0  }
0x12a: {  	[sflag:s18] =	ssyncadd.s32 $0xFFFFC000  }
0x12b: {  	[tilespmem:s14], [sflag:$0x2] =	stream.indirect.gather [hbm4b:s5+s11], $0x80, s1, s11, $0xb8;
	[tilespmem:$0x1D000] =	vst v63  }
0x12c: {  	_ =	swait.ge [sflag:s15], $0x4000  }
0x12d: {  	[sflag:s15] =	ssyncset.done $0x0  }
0x12e: {  	[sflag:s15] =	ssyncadd.s32 $0xFFFFC000  }
0x12f: {  	[spmem:s3] =	stream.indirect.scatter.add.f32 [tilespmem:s12], [sflag:$0x3], $0x80, s0, s11, $0xb8;
	[tilespmem:$0x1D000] =	vst v63  }
0x130: {  	_ =	swait.ge [sflag:s17], $0x4000  }
0x131: {  	[sflag:s17] =	ssyncset.done $0x0  }
0x132: {  	p0 =	sne.s32 s6, $0x400;
	[sflag:s17] =	ssyncadd.s32 $0xFFFFC000  }
0x133: {  	[spmem:s3] =	stream.indirect.scatter.add.f32 [tilespmem:s14], [sflag:$0x4], $0x80, s2, s11, $0xb8;
	[tilespmem:$0x1D000] =	vst v63  }
.Ltmp0:
0x134: {  	_ =	swait.ge [sflag:s16], $0x4000;
	(pc) =	sbr.rel @p0 .LBB2_2-.Ltmp0, $4  }
0x135: {  	[sflag:s16] =	ssyncset.done $0x0  }
0x136: {  	[sflag:s16] =	ssyncadd.s32 $0xFFFFC000  }
0x137: {  	s7 =	smov.u32 s6;
	s6 =	sadd.s32 $0x100, s6;
	_ =	swait.ge [sflag:s18], $0x4000  }
0x138: {  	s8 =	smov.u32 s7;
	s9 =	rddreg [dreg:$0x5];
	[sflag:s18] =	ssyncset.done $0x0  }
0x139: {  	[sflag:s18] =	ssyncadd.s32 $0xFFFFC000;
	s6 =	sadd.s32 s8, s9  }
0x13a: {  	[tilespmem:s4], [sflag:$0x5] =	stream.linear.gather [hbm4b:s6+s4], $0x800, $0x38;
	[tilespmem:$0x1D000] =	vst v63  }
0x13b: {  	_ =	swait.ge [sflag:s10], $0x800  }
0x13c: {  	[sflag:s10] =	ssyncset.done $0x0  }
0x13d: {  	s9 =	rddreg [dreg:$0x4];
	[sflag:s10] =	ssyncadd.s32 $0xFFFFF800  }
0x13e: {  	[tilespmem:s12], [sflag:$0x1] =	stream.indirect.gather [hbm4b:s5+s11], $0x80, s4, s11, $0xb8;
	[tilespmem:$0x1D000] =	vst v63  }
0x13f: {  	s6 =	sadd.s32 s8, s9  }
0x140: {  	[tilespmem:s13], [sflag:$0x5] =	stream.linear.gather [hbm4b:s6+s4], $0x800, $0x38;
	[tilespmem:$0x1D000] =	vst v63  }
0x141: {  	_ =	swait.ge [sflag:s10], $0x800  }
0x142: {  	[sflag:s10] =	ssyncset.done $0x0  }
0x143: {  	[sflag:s10] =	ssyncadd.s32 $0xFFFFF800  }
0x144: {  	[tilespmem:s14], [sflag:$0x2] =	stream.indirect.gather [hbm4b:s5+s11], $0x80, s11, s11, $0xb8;
	[tilespmem:$0x1D000] =	vst v63  }
0x145: {  	_ =	swait.ge [sflag:s15], $0x4000  }
0x146: {  	[sflag:s15] =	ssyncset.done $0x0  }
0x147: {  	[sflag:s15] =	ssyncadd.s32 $0xFFFFC000  }
0x148: {  	[spmem:s3] =	stream.indirect.scatter.add.f32 [tilespmem:s12], [sflag:$0x3], $0x80, s13, s11, $0xb8;
	[tilespmem:$0x1D000] =	vst v63  }
0x149: {  	_ =	swait.ge [sflag:s16], $0x4000  }
0x14a: {  	[sflag:s16] =	ssyncset.done $0x0  }
0x14b: {  	s7 =	rddreg [dreg:$0x6];
	[sflag:s16] =	ssyncadd.s32 $0xFFFFC000  }
0x14c: {  	[tilespmem:s12], [sflag:$0x1] =	stream.indirect.gather [hbm4b:s5+s11], $0x80, s7, s11, $0xb8;
	[tilespmem:$0x1D000] =	vst v63  }
0x14d: {  	_ =	swait.ge [sflag:s17], $0x4000  }
0x14e: {  	[sflag:s17] =	ssyncset.done $0x0  }
0x14f: {  	s8 =	rddreg [dreg:$0x7];
	[sflag:s17] =	ssyncadd.s32 $0xFFFFC000  }
0x150: {  	[spmem:s3] =	stream.indirect.scatter.add.f32 [tilespmem:s14], [sflag:$0x4], $0x80, s8, s11, $0xb8;
	[tilespmem:$0x1D000] =	vst v63  }
0x151: {  	_ =	swait.ge [sflag:s18], $0x4000  }
0x152: {  	[sflag:s18] =	ssyncset.done $0x0  }
0x153: {  	s9 =	rddreg [dreg:$0x8];
	[sflag:s18] =	ssyncadd.s32 $0xFFFFC000  }
0x154: {  	[tilespmem:s14], [sflag:$0x2] =	stream.indirect.gather [hbm4b:s5+s11], $0x80, s9, s11, $0xb8;
	[tilespmem:$0x1D000] =	vst v63  }
0x155: {  	_ =	swait.ge [sflag:s15], $0x4000  }
0x156: {  	[sflag:s15] =	ssyncset.done $0x0  }
0x157: {  	s7 =	rddreg [dreg:$0x9];
	[sflag:s15] =	ssyncadd.s32 $0xFFFFC000  }
0x158: {  	[spmem:s3] =	stream.indirect.scatter.add.f32 [tilespmem:s12], [sflag:$0x3], $0x80, s7, s11, $0xb8;
	[tilespmem:$0x1D000] =	vst v63  }
0x159: {  	_ =	swait.ge [sflag:s16], $0x4000  }
0x15a: {  	[sflag:s16] =	ssyncset.done $0x0  }
0x15b: {  	s8 =	rddreg [dreg:$0xa];
	[sflag:s16] =	ssyncadd.s32 $0xFFFFC000  }
0x15c: {  	[tilespmem:s12], [sflag:$0x1] =	stream.indirect.gather [hbm4b:s5+s11], $0x80, s8, s11, $0xb8;
	[tilespmem:$0x1D000] =	vst v63  }
0x15d: {  	_ =	swait.ge [sflag:s17], $0x4000  }
0x15e: {  	[sflag:s17] =	ssyncset.done $0x0  }
0x15f: {  	s9 =	rddreg [dreg:$0xb];
	[sflag:s17] =	ssyncadd.s32 $0xFFFFC000  }
0x160: {  	[spmem:s3] =	stream.indirect.scatter.add.f32 [tilespmem:s14], [sflag:$0x4], $0x80, s9, s11, $0xb8;
	[tilespmem:$0x1D000] =	vst v63  }
0x161: {  	_ =	swait.ge [sflag:s18], $0x4000  }
0x162: {  	[sflag:s18] =	ssyncset.done $0x0  }
0x163: {  	s7 =	rddreg [dreg:$0xc];
	[sflag:s18] =	ssyncadd.s32 $0xFFFFC000  }
0x164: {  	[tilespmem:s14], [sflag:$0x2] =	stream.indirect.gather [hbm4b:s5+s11], $0x80, s7, s11, $0xb8;
	[tilespmem:$0x1D000] =	vst v63  }
0x165: {  	_ =	swait.ge [sflag:s15], $0x4000  }
0x166: {  	[sflag:s15] =	ssyncset.done $0x0  }
0x167: {  	s8 =	rddreg [dreg:$0xd];
	[sflag:s15] =	ssyncadd.s32 $0xFFFFC000  }
0x168: {  	[spmem:s3] =	stream.indirect.scatter.add.f32 [tilespmem:s12], [sflag:$0x3], $0x80, s8, s11, $0xb8;
	[tilespmem:$0x1D000] =	vst v63  }
0x169: {  	_ =	swait.ge [sflag:s16], $0x4000  }
0x16a: {  	[sflag:s16] =	ssyncset.done $0x0  }
0x16b: {  	s9 =	rddreg [dreg:$0xe];
	[sflag:s16] =	ssyncadd.s32 $0xFFFFC000  }
0x16c: {  	[tilespmem:s12], [sflag:$0x1] =	stream.indirect.gather [hbm4b:s5+s11], $0x80, s9, s11, $0xb8;
	[tilespmem:$0x1D000] =	vst v63  }
0x16d: {  	_ =	swait.ge [sflag:s17], $0x4000  }
0x16e: {  	[sflag:s17] =	ssyncset.done $0x0  }
0x16f: {  	s7 =	rddreg [dreg:$0xf];
	[sflag:s17] =	ssyncadd.s32 $0xFFFFC000  }
0x170: {  	[spmem:s3] =	stream.indirect.scatter.add.f32 [tilespmem:s14], [sflag:$0x4], $0x80, s7, s11, $0xb8;
	[tilespmem:$0x1D000] =	vst v63  }
0x171: {  	_ =	swait.ge [sflag:s18], $0x4000  }
0x172: {  	[sflag:s18] =	ssyncset.done $0x0  }
0x173: {  	s8 =	rddreg [dreg:$0x10];
	[sflag:s18] =	ssyncadd.s32 $0xFFFFC000  }
0x174: {  	[tilespmem:s14], [sflag:$0x2] =	stream.indirect.gather [hbm4b:s5+s11], $0x80, s8, s11, $0xb8;
	[tilespmem:$0x1D000] =	vst v63  }
0x175: {  	_ =	swait.ge [sflag:s15], $0x4000  }
0x176: {  	[sflag:s15] =	ssyncset.done $0x0  }
0x177: {  	s9 =	rddreg [dreg:$0x11];
	[sflag:s15] =	ssyncadd.s32 $0xFFFFC000  }
0x178: {  	[spmem:s3] =	stream.indirect.scatter.add.f32 [tilespmem:s12], [sflag:$0x3], $0x80, s9, s11, $0xb8;
	[tilespmem:$0x1D000] =	vst v63  }
0x179: {  	_ =	swait.ge [sflag:s16], $0x4000  }
0x17a: {  	[sflag:s16] =	ssyncset.done $0x0  }
0x17b: {  	s7 =	rddreg [dreg:$0x12];
	[sflag:s16] =	ssyncadd.s32 $0xFFFFC000  }
0x17c: {  	[tilespmem:s12], [sflag:$0x1] =	stream.indirect.gather [hbm4b:s5+s11], $0x80, s7, s11, $0xb8;
	[tilespmem:$0x1D000] =	vst v63  }
0x17d: {  	_ =	swait.ge [sflag:s17], $0x4000  }
0x17e: {  	[sflag:s17] =	ssyncset.done $0x0  }
0x17f: {  	s8 =	rddreg [dreg:$0x13];
	[sflag:s17] =	ssyncadd.s32 $0xFFFFC000  }
0x180: {  	[spmem:s3] =	stream.indirect.scatter.add.f32 [tilespmem:s14], [sflag:$0x4], $0x80, s8, s11, $0xb8;
	[tilespmem:$0x1D000] =	vst v63  }
0x181: {  	_ =	swait.ge [sflag:s18], $0x4000  }
0x182: {  	[sflag:s18] =	ssyncset.done $0x0  }
0x183: {  	[sflag:s18] =	ssyncadd.s32 $0xFFFFC000  }
0x184: {  	[tilespmem:s14], [sflag:$0x2] =	stream.indirect.gather [hbm4b:s5+s11], $0x80, s19, s11, $0xb8;
	[tilespmem:$0x1D000] =	vst v63  }
0x185: {  	_ =	swait.ge [sflag:s15], $0x4000  }
0x186: {  	[sflag:s15] =	ssyncset.done $0x0  }
0x187: {  	[sflag:s15] =	ssyncadd.s32 $0xFFFFC000  }
0x188: {  	[spmem:s3] =	stream.indirect.scatter.add.f32 [tilespmem:s12], [sflag:$0x3], $0x80, s20, s11, $0xb8;
	[tilespmem:$0x1D000] =	vst v63  }
0x189: {  	_ =	swait.ge [sflag:s16], $0x4000  }
0x18a: {  	[sflag:s16] =	ssyncset.done $0x0  }
0x18b: {  	[sflag:s16] =	ssyncadd.s32 $0xFFFFC000  }
0x18c: {  	[tilespmem:s12], [sflag:$0x1] =	stream.indirect.gather [hbm4b:s5+s11], $0x80, s21, s11, $0xb8;
	[tilespmem:$0x1D000] =	vst v63  }
0x18d: {  	_ =	swait.ge [sflag:s17], $0x4000  }
0x18e: {  	[sflag:s17] =	ssyncset.done $0x0  }
0x18f: {  	[sflag:s17] =	ssyncadd.s32 $0xFFFFC000  }
0x190: {  	[spmem:s3] =	stream.indirect.scatter.add.f32 [tilespmem:s14], [sflag:$0x4], $0x80, s22, s11, $0xb8;
	[tilespmem:$0x1D000] =	vst v63  }
0x191: {  	_ =	swait.ge [sflag:s18], $0x4000  }
0x192: {  	[sflag:s18] =	ssyncset.done $0x0  }
0x193: {  	[sflag:s18] =	ssyncadd.s32 $0xFFFFC000  }
0x194: {  	[tilespmem:s14], [sflag:$0x2] =	stream.indirect.gather [hbm4b:s5+s11], $0x80, s23, s11, $0xb8;
	[tilespmem:$0x1D000] =	vst v63  }
0x195: {  	_ =	swait.ge [sflag:s15], $0x4000  }
0x196: {  	[sflag:s15] =	ssyncset.done $0x0  }
0x197: {  	[sflag:s15] =	ssyncadd.s32 $0xFFFFC000  }
0x198: {  	[spmem:s3] =	stream.indirect.scatter.add.f32 [tilespmem:s12], [sflag:$0x3], $0x80, s24, s11, $0xb8;
	[tilespmem:$0x1D000] =	vst v63  }
0x199: {  	_ =	swait.ge [sflag:s16], $0x4000  }
0x19a: {  	[sflag:s16] =	ssyncset.done $0x0  }
0x19b: {  	[sflag:s16] =	ssyncadd.s32 $0xFFFFC000  }
0x19c: {  	[tilespmem:s12], [sflag:$0x1] =	stream.indirect.gather [hbm4b:s5+s11], $0x80, s25, s11, $0xb8;
	[tilespmem:$0x1D000] =	vst v63  }
0x19d: {  	_ =	swait.ge [sflag:s17], $0x4000  }
0x19e: {  	[sflag:s17] =	ssyncset.done $0x0  }
0x19f: {  	[sflag:s17] =	ssyncadd.s32 $0xFFFFC000  }
0x1a0: {  	[spmem:s3] =	stream.indirect.scatter.add.f32 [tilespmem:s14], [sflag:$0x4], $0x80, s26, s11, $0xb8;
	[tilespmem:$0x1D000] =	vst v63  }
0x1a1: {  	_ =	swait.ge [sflag:s18], $0x4000  }
0x1a2: {  	[sflag:s18] =	ssyncset.done $0x0  }
0x1a3: {  	[sflag:s18] =	ssyncadd.s32 $0xFFFFC000  }
0x1a4: {  	[tilespmem:s14], [sflag:$0x2] =	stream.indirect.gather [hbm4b:s5+s11], $0x80, s28, s11, $0xb8;
	[tilespmem:$0x1D000] =	vst v63  }
0x1a5: {  	_ =	swait.ge [sflag:s15], $0x4000  }
0x1a6: {  	[sflag:s15] =	ssyncset.done $0x0  }
0x1a7: {  	[sflag:s15] =	ssyncadd.s32 $0xFFFFC000  }
0x1a8: {  	[spmem:s3] =	stream.indirect.scatter.add.f32 [tilespmem:s12], [sflag:$0x3], $0x80, s29, s11, $0xb8;
	[tilespmem:$0x1D000] =	vst v63  }
0x1a9: {  	_ =	swait.ge [sflag:s16], $0x4000  }
0x1aa: {  	[sflag:s16] =	ssyncset.done $0x0  }
0x1ab: {  	[sflag:s16] =	ssyncadd.s32 $0xFFFFC000  }
0x1ac: {  	[tilespmem:s12], [sflag:$0x1] =	stream.indirect.gather [hbm4b:s5+s11], $0x80, s30, s11, $0xb8;
	[tilespmem:$0x1D000] =	vst v63  }
0x1ad: {  	_ =	swait.ge [sflag:s17], $0x4000  }
0x1ae: {  	[sflag:s17] =	ssyncset.done $0x0  }
0x1af: {  	[sflag:s17] =	ssyncadd.s32 $0xFFFFC000  }
0x1b0: {  	[spmem:s3] =	stream.indirect.scatter.add.f32 [tilespmem:s14], [sflag:$0x4], $0x80, s31, s11, $0xb8;
	[tilespmem:$0x1D000] =	vst v63  }
0x1b1: {  	_ =	swait.ge [sflag:s18], $0x4000  }
0x1b2: {  	[sflag:s18] =	ssyncset.done $0x0  }
0x1b3: {  	[sflag:s18] =	ssyncadd.s32 $0xFFFFC000  }
0x1b4: {  	[tilespmem:s14], [sflag:$0x2] =	stream.indirect.gather [hbm4b:s5+s11], $0x80, s1, s11, $0xb8;
	[tilespmem:$0x1D000] =	vst v63  }
0x1b5: {  	_ =	swait.ge [sflag:s15], $0x4000  }
0x1b6: {  	[sflag:s15] =	ssyncset.done $0x0  }
0x1b7: {  	[sflag:s15] =	ssyncadd.s32 $0xFFFFC000  }
0x1b8: {  	[spmem:s3] =	stream.indirect.scatter.add.f32 [tilespmem:s12], [sflag:$0x3], $0x80, s0, s11, $0xb8;
	[tilespmem:$0x1D000] =	vst v63  }
0x1b9: {  	_ =	swait.ge [sflag:s17], $0x4000  }
0x1ba: {  	[sflag:s17] =	ssyncset.done $0x0  }
0x1bb: {  	[sflag:s17] =	ssyncadd.s32 $0xFFFFC000  }
0x1bc: {  	[spmem:s3] =	stream.indirect.scatter.add.f32 [tilespmem:s14], [sflag:$0x4], $0x80, s2, s11, $0xb8;
	[tilespmem:$0x1D000] =	vst v63  }
0x1bd: {  	_ =	swait.ge [sflag:s16], $0x4000  }
0x1be: {  	[sflag:s16] =	ssyncset.done $0x0  }
0x1bf: {  	[sflag:s16] =	ssyncadd.s32 $0xFFFFC000  }
0x1c0: {  	_ =	swait.ge [sflag:s18], $0x4000  }
0x1c1: {  	[sflag:s18] =	ssyncset.done $0x0  }
0x1c2: {  	[sflag:s18] =	ssyncadd.s32 $0xFFFFC000  }
0x1c3: {  	[bflag:$0x0] =	sbarrier.arrive $0xFFFF  }
0x1c4: {  	s7 =	rddreg [dreg:$0x14]  }
0x1c5: {  	s9 =	rddreg [dreg:$0x15]  }
0x1c6: {  	s8 =	rddreg [dreg:$0x17]  }
0x1c7: {  	[hbm:s9], [sflag:s7] =	dma.local [spmem:s8], $0x2800  }
0x1c8: {  	_ =	swait.ge [sflag:s10], $0x2800  }
0x1c9: {  	s6 =	rddreg [dreg:$0x18]  }
0x1ca: {  	s9 =	sadd.s32 $0x1, s6;
	s6 =	rddreg [dreg:$0x16]  }
0x1cb: {  	p0 =	sne.s32 s9, s6  }
.Ltmp1:
0x1cc: {  	_ = 	snop;
	(pc) =	sbr.rel @p0 .LBB2_1-.Ltmp1, $3  }
0x1cd: {  	_ =	sdelay $0x1  }
0x1ce: {  	[sflag:s10] =	ssyncset.done $0x0  }
0x1cf: {  	[sflag:s10] =	ssyncadd.s32 $0xFFFFD800  }
0x1d0: {  	_ =	sfence.sel $0x180000  }
0x1d1: {  	[bflag:$0x0] =	sbarrier.arrive $0xFFFF  }
0x1d2: {  	_ =	strace $0x90000047  }
0x1d3: {  	s0 =	stileid.u32;
	[bflag:$0x2] =	sbarrier.arrive $0xFFFF  }
0x1d4: {  	p0 =	sne.s32 s0, $0x0;
	s0 =	rddreg [dreg:$0x3]  }
0x1d5: {  	s0 =	sadd.s32 @!p0 $0x100000, s0  }
0x1d6: {  	[sflag:s0] =	ssyncadd.tile.s32 @!p0 $0x1;
	_ =	shalt  }
.Lfunc_end2:
_tile_overlayer_lowered:
.L_overlay_start_2:
0x1d7: {  	(tag) =	ssettag $0x2  }
0x1d8: {  	s0 =	rddreg [dreg:$0x0];
	s2 =	stileid.u32  }
0x1d9: {  	s1 =	rddreg [dreg:$0x1];
	p0 =	sne.s32 s2, $0x0  }
0x1da: {  	s3 =	rddreg [dreg:$0x2];
	[bflag:$0x3] =	sbarrier.arrive $0xFFFF;
	s2 =	simm.s32 @!p0 $0x1C05  }
0x1db: {  	[timem:s3], [sflag:s2] =	dma.local @!p0 [hbm:s0], s1  }
0x1dc: {  	s0 =	simm.s32 @!p0 $0x5  }
0x1dd: {  	_ =	swait.ge @!p0 [sflag:s0], s1  }
0x1de: {  	s1 =	ssub.s32 @!p0 $0x0, s1;
	[sflag:s0] =	ssyncset.done @!p0 $0x0  }
0x1df: {  	[sflag:s0] =	ssyncadd.s32 @!p0 s1  }
0x1e0: {  	[bflag:$0x3] =	sbarrier.arrive $0xFFFF  }
0x1e1: {  	_ =	shalt  }

</sc_bundles>
